<compile_context>
chip_gen: v7x
topology: tpu7x:2x2x1
jax: 0.10.2.dev20260603
libtpu: 0.0.44.dev20260713+nightly
codegen_flags: <defaults>
</compile_context>

<pallas_src>
import functools
import jax
import jax.numpy as jnp
from jax import lax
from jax.experimental import pallas as pl
from jax.experimental.pallas import tpu as pltpu
from jax.experimental.pallas import tpu_sc as plsc

N = 10000
E = 320000
D = 128
G = 64
NP = 10240
NW = 32
CH = 128
SROWS = 2560
EP = SROWS * CH
NCH0 = 120
NCH1 = 40
C0ROWS = 16 * NCH0
EWD = SROWS // NW
RT = NP // 16
BR = 1024
GRID = NP // BR

_sc_mesh = plsc.VectorSubcoreMesh(core_axis_name="c", subcore_axis_name="s")
_sc_params = pltpu.CompilerParams(needs_layout_passes=False)



@functools.partial(
    pl.kernel,
    out_type=(
        jax.ShapeDtypeStruct((NP // 128, 128), jnp.float32),
        jax.ShapeDtypeStruct((NP // 128, 128), jnp.float32),
    ),
    mesh=_sc_mesh,
    compiler_params=_sc_params,
    scratch_types=[
        pltpu.VMEM((EWD, CH), jnp.int32),
        pltpu.VMEM((NP // 128, 128), jnp.float32),
        pltpu.VMEM((NP // 128,), jnp.int32),
        pltpu.VMEM_SHARED((NP // 128, 128), jnp.float32),
    ],
)
def _deg_kernel(dst_hbm, cntA_hbm, cntB_hbm, dstv, cnt_v, rowi_v, cnt_sh):
    c = lax.axis_index("c")
    s = lax.axis_index("s")
    wid = s * 2 + c

    def zrow(j, _):
        for k in range(8):
            cnt_v[j, pl.ds(k * 16, 16)] = jnp.zeros((16,), jnp.float32)
        return 0
    lax.fori_loop(0, NP // 128, zrow, 0)

    pltpu.sync_copy(dst_hbm.at[pl.ds(wid * EWD, EWD)], dstv)
    ones = jnp.full((16,), 1.0, jnp.float32)

    def step(j, _):
        for k in range(CH // 16):
            idx = dstv[j, pl.ds(k * 16, 16)]
            plsc.addupdate_scatter(cnt_v, [idx >> 7, idx & 127], ones)
        return 0
    lax.fori_loop(0, EWD, step, 0)

    for k in range(NP // 128 // 16):
        rowi_v[pl.ds(k * 16, 16)] = lax.iota(jnp.int32, 16) + (k * 16)

    @pl.when(s == 0)
    def _():
        pltpu.sync_copy(cnt_v, cnt_sh)
    plsc.subcore_barrier()

    @pl.when(s != 0)
    def _():
        pltpu.sync_copy(cnt_v, cnt_sh.at[rowi_v], add=True)
    plsc.subcore_barrier()

    nw_out = NP // 128 // 8
    @pl.when((c == 0) & (s < nw_out))
    def _():
        pltpu.sync_copy(cnt_sh.at[pl.ds(s * 8, 8)], cntA_hbm.at[pl.ds(s * 8, 8)])
    @pl.when((c == 1) & (s < nw_out))
    def _():
        pltpu.sync_copy(cnt_sh.at[pl.ds(s * 8, 8)], cntB_hbm.at[pl.ds(s * 8, 8)])


@functools.partial(
    pl.kernel,
    out_type=(
        jax.ShapeDtypeStruct((NP, D), jnp.float32),
        jax.ShapeDtypeStruct((NP, D), jnp.float32),
    ),
    mesh=_sc_mesh,
    compiler_params=_sc_params,
    scratch_types=[
        pltpu.VMEM((NCH0, CH), jnp.int32),
        pltpu.VMEM((CH,), jnp.int32),
        pltpu.VMEM((CH,), jnp.int32),
        pltpu.VMEM((CH, D), jnp.float32),
        pltpu.VMEM((CH, D), jnp.float32),
        pltpu.VMEM_SHARED((NP, D), jnp.float32),
        pltpu.SemaphoreType.DMA,
        pltpu.SemaphoreType.DMA,
        pltpu.SemaphoreType.DMA,
        pltpu.SemaphoreType.DMA,
    ],
)
def _edge_kernel(y_hbm, zero_hbm, src_hbm, dst_hbm, accA_hbm, accB_hbm,
                 srcv, didx0, didx1, rows0, rows1, acc_sh,
                 gsem0, gsem1, dsem0, dsem1):
    c = lax.axis_index("c")
    s = lax.axis_index("s")
    didx = (didx0, didx1)
    rows = (rows0, rows1)
    gsem = (gsem0, gsem1)
    dsem = (dsem0, dsem1)

    @pl.when(c == 0)
    def _():
        pltpu.sync_copy(y_hbm.at[pl.ds(s * RT, RT)], acc_sh.at[pl.ds(s * RT, RT)])
    @pl.when(c == 1)
    def _():
        pltpu.sync_copy(zero_hbm, acc_sh.at[pl.ds(s * RT, RT)])

    plsc.subcore_barrier()

    if NCH0 == NCH1:
        nch = NCH0
        rbase = (s * 2 + c) * NCH0
    else:
        nch = jnp.where(c == 1, NCH0, NCH1)
        rbase = jnp.where(c == 1, s * NCH0, C0ROWS + s * NCH1)

    pltpu.sync_copy(src_hbm.at[pl.ds(rbase, NCH0)], srcv)

    def gstart(q, b):
        pltpu.async_copy(y_hbm.at[srcv.at[q]], rows[b], gsem[b])

    def gwait(q, b):
        pltpu.make_async_copy(y_hbm.at[srcv.at[q]], rows[b], gsem[b]).wait()

    def dstart(q, b):
        pltpu.async_copy(dst_hbm.at[rbase + q], didx[b], dsem[b])

    def dwait(q, b):
        pltpu.make_async_copy(dst_hbm.at[rbase + q], didx[b], dsem[b]).wait()

    dstart(0, 0)
    gstart(0, 0)

    def pair(j, _):
        for b in range(2):
            q = 2 * j + b
            nb = 1 - b

            @pl.when(q + 1 < nch)
            def _():
                dstart(q + 1, nb)
                gstart(q + 1, nb)

            gwait(q, b)
            dwait(q, b)
            pltpu.sync_copy(rows[b], acc_sh.at[didx[b]], add=True)
        return 0
    lax.fori_loop(0, nch // 2, pair, 0)

    plsc.subcore_barrier()

    @pl.when(c == 0)
    def _():
        pltpu.sync_copy(acc_sh.at[pl.ds(s * RT, RT)], accA_hbm.at[pl.ds(s * RT, RT)])
    @pl.when(c == 1)
    def _():
        pltpu.sync_copy(acc_sh.at[pl.ds(s * RT, RT)], accB_hbm.at[pl.ds(s * RT, RT)])


@functools.partial(
    pl.kernel,
    out_type=(
        jax.ShapeDtypeStruct((NP // 128, 128), jnp.float32),
        jax.ShapeDtypeStruct((NP // 128, 128), jnp.float32),
    ),
    mesh=_sc_mesh,
    compiler_params=_sc_params,
    scratch_types=[
        pltpu.VMEM((EWD, CH), jnp.int32),
        pltpu.VMEM((EWD, CH), jnp.int32),
        pltpu.VMEM((NP // 128, 128), jnp.float32),
        pltpu.VMEM((NP // 128, 128), jnp.float32),
        pltpu.VMEM((NP // 128,), jnp.int32),
        pltpu.VMEM_SHARED((NP // 128, 128), jnp.float32),
    ],
)
def _scalar_kernel(y3_hbm, src_hbm, dst_hbm, sA_hbm, sB_hbm,
                   srcv, dstv, y3_v, s_v, rowi_v, s_sh):
    c = lax.axis_index("c")
    s = lax.axis_index("s")
    wid = s * 2 + c

    pltpu.sync_copy(src_hbm.at[pl.ds(wid * EWD, EWD)], srcv)
    pltpu.sync_copy(dst_hbm.at[pl.ds(wid * EWD, EWD)], dstv)
    pltpu.sync_copy(y3_hbm, y3_v)

    def zrow(j, _):
        for k in range(8):
            s_v[j, pl.ds(k * 16, 16)] = jnp.zeros((16,), jnp.float32)
        return 0
    lax.fori_loop(0, NP // 128, zrow, 0)

    def step(j, _):
        for k in range(CH // 16):
            si = srcv[j, pl.ds(k * 16, 16)]
            di = dstv[j, pl.ds(k * 16, 16)]
            vals = plsc.load_gather(y3_v, [si >> 7, si & 127])
            plsc.addupdate_scatter(s_v, [di >> 7, di & 127], vals)
        return 0
    lax.fori_loop(0, EWD, step, 0)

    for k in range(NP // 128 // 16):
        rowi_v[pl.ds(k * 16, 16)] = lax.iota(jnp.int32, 16) + (k * 16)

    @pl.when(s == 0)
    def _():
        pltpu.sync_copy(s_v, s_sh)
    plsc.subcore_barrier()

    @pl.when(s != 0)
    def _():
        pltpu.sync_copy(s_v, s_sh.at[rowi_v], add=True)
    plsc.subcore_barrier()

    nw_out = NP // 128 // 8
    @pl.when((c == 0) & (s < nw_out))
    def _():
        pltpu.sync_copy(s_sh.at[pl.ds(s * 8, 8)], sA_hbm.at[pl.ds(s * 8, 8)])
    @pl.when((c == 1) & (s < nw_out))
    def _():
        pltpu.sync_copy(s_sh.at[pl.ds(s * 8, 8)], sB_hbm.at[pl.ds(s * 8, 8)])



def _k1_body(cntA_ref, cntB_ref, x_ref, w_ref, dinv_ref, y_ref):
    cnt = cntA_ref[...] + cntB_ref[...] + 1.0
    dinv = lax.rsqrt(cnt)
    dinv_ref[...] = dinv
    y_ref[...] = dinv * jnp.dot(x_ref[...], w_ref[...],
                                preferred_element_type=jnp.float32, precision=lax.Precision.HIGHEST)


_k1 = pl.pallas_call(
    _k1_body,
    grid=(GRID,),
    in_specs=[
        pl.BlockSpec((BR, 1), lambda i: (i, 0)),
        pl.BlockSpec((BR, 1), lambda i: (i, 0)),
        pl.BlockSpec((BR, D), lambda i: (i, 0)),
        pl.BlockSpec((D, D), lambda i: (0, 0)),
    ],
    out_specs=[
        pl.BlockSpec((BR, 1), lambda i: (i, 0)),
        pl.BlockSpec((BR, D), lambda i: (i, 0)),
    ],
    out_shape=[
        jax.ShapeDtypeStruct((NP, 1), jnp.float32),
        jax.ShapeDtypeStruct((NP, D), jnp.float32),
    ],
)


def _k2_body(dinv_ref, a_ref, b_ref, bias_ref, w_ref, y_ref):
    dinv = dinv_ref[...]
    h = jnp.maximum(dinv * (a_ref[...] + b_ref[...]) + bias_ref[...], 0.0)
    y_ref[...] = dinv * jnp.dot(h, w_ref[...], preferred_element_type=jnp.float32, precision=lax.Precision.HIGHEST)


_k2 = pl.pallas_call(
    _k2_body,
    grid=(GRID,),
    in_specs=[
        pl.BlockSpec((BR, 1), lambda i: (i, 0)),
        pl.BlockSpec((BR, D), lambda i: (i, 0)),
        pl.BlockSpec((BR, D), lambda i: (i, 0)),
        pl.BlockSpec((1, D), lambda i: (0, 0)),
        pl.BlockSpec((D, D), lambda i: (0, 0)),
    ],
    out_specs=pl.BlockSpec((BR, D), lambda i: (i, 0)),
    out_shape=jax.ShapeDtypeStruct((NP, D), jnp.float32),
)


def _k3_body(dinv_ref, a_ref, b_ref, bias_ref, w3_ref, wlin_ref, y3_ref):
    dinv = dinv_ref[...]
    h = jnp.maximum(dinv * (a_ref[...] + b_ref[...]) + bias_ref[...], 0.0)
    w = jnp.dot(w3_ref[...], wlin_ref[...], preferred_element_type=jnp.float32, precision=lax.Precision.HIGHEST)
    y3_ref[...] = dinv * jnp.dot(h, w, preferred_element_type=jnp.float32, precision=lax.Precision.HIGHEST)


_k3 = pl.pallas_call(
    _k3_body,
    grid=(GRID,),
    in_specs=[
        pl.BlockSpec((BR, 1), lambda i: (i, 0)),
        pl.BlockSpec((BR, D), lambda i: (i, 0)),
        pl.BlockSpec((BR, D), lambda i: (i, 0)),
        pl.BlockSpec((1, D), lambda i: (0, 0)),
        pl.BlockSpec((D, D), lambda i: (0, 0)),
        pl.BlockSpec((D, 1), lambda i: (0, 0)),
    ],
    out_specs=pl.BlockSpec((BR, 1), lambda i: (i, 0)),
    out_shape=jax.ShapeDtypeStruct((NP, 1), jnp.float32),
)


def _pool_body(dinv_ref, sA_ref, sB_ref, y3_ref, batch_ref, b3_ref, wlt_ref,
               blin_ref, out_ref):
    i = pl.program_id(0)
    beta = jnp.sum(b3_ref[...] * wlt_ref[...])
    v = dinv_ref[...] * (sA_ref[...] + sB_ref[...] + y3_ref[...]) + beta
    gids = lax.broadcasted_iota(jnp.int32, (BR, 128), 1)
    m = batch_ref[...] == gids
    contrib = jnp.sum(jnp.where(m, v, 0.0), axis=0, keepdims=True)

    @pl.when(i == 0)
    def _():
        out_ref[...] = jnp.broadcast_to(blin_ref[...], (1, 128))
    out_ref[...] += contrib


_pool = pl.pallas_call(
    _pool_body,
    grid=(GRID,),
    in_specs=[
        pl.BlockSpec((BR, 1), lambda i: (i, 0)),
        pl.BlockSpec((BR, 1), lambda i: (i, 0)),
        pl.BlockSpec((BR, 1), lambda i: (i, 0)),
        pl.BlockSpec((BR, 1), lambda i: (i, 0)),
        pl.BlockSpec((BR, 1), lambda i: (i, 0)),
        pl.BlockSpec((1, D), lambda i: (0, 0)),
        pl.BlockSpec((1, D), lambda i: (0, 0)),
        pl.BlockSpec((1, 1), lambda i: (0, 0)),
    ],
    out_specs=pl.BlockSpec((1, 128), lambda i: (0, 0)),
    out_shape=jax.ShapeDtypeStruct((1, 128), jnp.float32),
)



def kernel(x, edge_index, batch, W1, b1, W2, b2, W3, b3, Wlin, blin):
    src = edge_index[0]
    dst = edge_index[1]
    sslack = C0ROWS + 15 * NCH1 + NCH0 - SROWS
    src2 = jnp.concatenate(
        [src, jnp.zeros((EP - E + sslack * CH,), jnp.int32)]
    ).reshape(SROWS + sslack, CH)
    pad_dst = N + jnp.arange(EP - E, dtype=jnp.int32) % (NP - N)
    dst2 = jnp.concatenate([dst, pad_dst]).reshape(SROWS, CH)
    xP = jnp.concatenate([x, jnp.zeros((NP - N, D), jnp.float32)])
    batchP = jnp.concatenate([batch, jnp.full((NP - N,), G, jnp.int32)])
    batchP = batchP.reshape(NP, 1)
    zrows = jnp.zeros((RT, D), jnp.float32)

    cntA, cntB = _deg_kernel(dst2)
    dinv, y1 = _k1(cntA.reshape(NP, 1), cntB.reshape(NP, 1), xP, W1)

    a1A, a1B = _edge_kernel(y1, zrows, src2, dst2)
    y2 = _k2(dinv, a1A, a1B, b1.reshape(1, D), W2)

    a2A, a2B = _edge_kernel(y2, zrows, src2, dst2)
    y3 = _k3(dinv, a2A, a2B, b2.reshape(1, D), W3, Wlin)

    sA, sB = _scalar_kernel(y3.reshape(NP // 128, 128), src2, dst2)
    out128 = _pool(dinv, sA.reshape(NP, 1), sB.reshape(NP, 1), y3, batchP,
                   b3.reshape(1, D), Wlin.reshape(1, D), blin.reshape(1, 1))
    return out128[0, :G].reshape(G, 1)

# --- scband reference (transcript-rebuilt; emitter-appended) ---
"""Pipeline reference for scband-gnn-89661737271610 (READ-ONLY COPY).

The authoritative reference and input builder live on the scoring server;
editing this copy changes nothing except your own understanding.
"""

import jax, jax.numpy as jnp
import numpy as np

N = 10000
E = 320000
D = 128
H = 128
G = 64


def gcn_conv(x, W, b, src, dst, num_nodes):
    # PyG GCNConv: out = D^{-1/2} (A + I) D^{-1/2} X W + b
    loop = jnp.arange(num_nodes, dtype=src.dtype)
    src_full = jnp.concatenate([src, loop])
    dst_full = jnp.concatenate([dst, loop])
    deg = jax.ops.segment_sum(jnp.ones((src_full.shape[0],), dtype=x.dtype), dst_full, num_segments=num_nodes)
    dinv = jnp.where(deg > 0, deg ** -0.5, 0.0)
    norm = dinv[src_full] * dinv[dst_full]
    xw = x @ W
    msg = xw[src_full] * norm[:, None]
    out = jax.ops.segment_sum(msg, dst_full, num_segments=num_nodes)
    return out + b


def setup_inputs(seed: int = 0) -> dict:
    key = jax.random.key(seed)
    ks = jax.random.split(key, 12)
    x = jax.random.normal(ks[0], (N, D), dtype=jnp.float32)
    edge_index = jax.random.randint(ks[1], (2, E), 0, N, dtype=jnp.int32)
    batch = jnp.sort(jax.random.randint(ks[2], (N,), 0, G, dtype=jnp.int32))
    W1 = jax.random.normal(ks[3], (D, H), dtype=jnp.float32) * 0.05
    b1 = jnp.zeros((H,), dtype=jnp.float32)
    W2 = jax.random.normal(ks[4], (H, H), dtype=jnp.float32) * 0.05
    b2 = jnp.zeros((H,), dtype=jnp.float32)
    W3 = jax.random.normal(ks[5], (H, H), dtype=jnp.float32) * 0.05
    b3 = jnp.zeros((H,), dtype=jnp.float32)
    Wlin = jax.random.normal(ks[6], (H, 1), dtype=jnp.float32) * 0.05
    blin = jnp.zeros((1,), dtype=jnp.float32)
    return {"x": x, "edge_index": edge_index, "batch": batch,
            "W1": W1, "b1": b1, "W2": W2, "b2": b2, "W3": W3, "b3": b3,
            "Wlin": Wlin, "blin": blin}


def reference(x, edge_index, batch, W1, b1, W2, b2, W3, b3, Wlin, blin):
    src = edge_index[0]
    dst = edge_index[1]
    h = jax.nn.relu(gcn_conv(x, W1, b1, src, dst, N))
    # convs list has num_layers-1 = 2 layers; ReLU on all but last
    h = jax.nn.relu(gcn_conv(h, W2, b2, src, dst, N))
    h = gcn_conv(h, W3, b3, src, dst, N)
    # global_add_pool
    pooled = jax.ops.segment_sum(h, batch, num_segments=G)
    # dropout p=0.1 is identity in eval mode
    out = pooled @ Wlin + blin
    return out

if __name__ == "__main__":
    import jax
    _d = setup_inputs()
    print(jax.jit(kernel)(*tuple(_d.values())))

</pallas_src>

<mosaic_0001>
#map = affine_map<(d0, d1) -> (0, 0)>
module attributes {stable_mosaic.version = 14 : i64} {
  func.func @_deg_kernel(%arg0: i32, %arg1: i32, %arg2: memref<2560x128xi32, #tpu.memory_space<hbm>>, %arg3: memref<80x128xf32, #tpu.memory_space<hbm>>, %arg4: memref<80x128xf32, #tpu.memory_space<hbm>>, %arg5: memref<80x128xi32, #tpu.memory_space<vmem>>, %arg6: memref<80x128xf32, #tpu.memory_space<vmem>>, %arg7: memref<80xi32, #tpu.memory_space<vmem>>, %arg8: memref<80x128xf32, #tpu.memory_space<vmem_shared>>) attributes {dimension_semantics = [#tpu.dimension_semantics<core_parallel>, #tpu.dimension_semantics<subcore_parallel>], iteration_bounds = array<i64: 2, 16>, scalar_prefetch = 0 : i64, scratch_operands = 4 : i64, tpu.core_type = #tpu.core_type<sc_vector_subcore>, window_params = [{transform_indices = #map}, {transform_indices = #map}, {transform_indices = #map}]} {
    %mul3A = arith.constant 2 : i32
    %mul3A_0 = arith.muli %arg1, %mul3A : i32
    %add3A = arith.addi %mul3A_0, %arg0 : i32
    %scan3A = arith.constant 0 : i32
    %scan3A_1 = arith.constant 0 : i32
    %scan3A_2 = arith.constant 80 : i32
    %scan3A_3 = arith.addi %scan3A_1, %scan3A_2 : i32
    %scan3A_4 = arith.constant 1 : i32
    %scan3A_5 = scf.for %scan3A_66 = %scan3A_1 to %scan3A_3 step %scan3A_4 iter_args(%scan3A_67 = %scan3A) -> (i32)  : i32 {
      %broadcast_in_dim3A_68 = arith.constant 0.000000e+00 : f32
      %broadcast_in_dim3A_69 = vector.broadcast %broadcast_in_dim3A_68 : f32 to vector<16xf32>
      %swap3A_70 = arith.index_cast %scan3A_66 : i32 to index
      %swap3A_71 = arith.constant 0 : index
      %swap3A_72 = tpu.vector_load %arg6[%swap3A_70, %swap3A_71] {strides = array<i32>} : memref<80x128xf32, #tpu.memory_space<vmem>>, vector<16xf32>,
      tpu.vector_store %arg6[%swap3A_70, %swap3A_71], %broadcast_in_dim3A_69 {strides = array<i32>} : memref<80x128xf32, #tpu.memory_space<vmem>>, vector<16xf32>,
      %broadcast_in_dim3A_73 = arith.constant 0.000000e+00 : f32
      %broadcast_in_dim3A_74 = vector.broadcast %broadcast_in_dim3A_73 : f32 to vector<16xf32>
      %swap3A_75 = arith.index_cast %scan3A_66 : i32 to index
      %swap3A_76 = arith.constant 16 : index
      %swap3A_77 = tpu.vector_load %arg6[%swap3A_75, %swap3A_76] {strides = array<i32>} : memref<80x128xf32, #tpu.memory_space<vmem>>, vector<16xf32>,
      tpu.vector_store %arg6[%swap3A_75, %swap3A_76], %broadcast_in_dim3A_74 {strides = array<i32>} : memref<80x128xf32, #tpu.memory_space<vmem>>, vector<16xf32>,
      %broadcast_in_dim3A_78 = arith.constant 0.000000e+00 : f32
      %broadcast_in_dim3A_79 = vector.broadcast %broadcast_in_dim3A_78 : f32 to vector<16xf32>
      %swap3A_80 = arith.index_cast %scan3A_66 : i32 to index
      %swap3A_81 = arith.constant 32 : index
      %swap3A_82 = tpu.vector_load %arg6[%swap3A_80, %swap3A_81] {strides = array<i32>} : memref<80x128xf32, #tpu.memory_space<vmem>>, vector<16xf32>,
      tpu.vector_store %arg6[%swap3A_80, %swap3A_81], %broadcast_in_dim3A_79 {strides = array<i32>} : memref<80x128xf32, #tpu.memory_space<vmem>>, vector<16xf32>,
      %broadcast_in_dim3A_83 = arith.constant 0.000000e+00 : f32
      %broadcast_in_dim3A_84 = vector.broadcast %broadcast_in_dim3A_83 : f32 to vector<16xf32>
      %swap3A_85 = arith.index_cast %scan3A_66 : i32 to index
      %swap3A_86 = arith.constant 48 : index
      %swap3A_87 = tpu.vector_load %arg6[%swap3A_85, %swap3A_86] {strides = array<i32>} : memref<80x128xf32, #tpu.memory_space<vmem>>, vector<16xf32>,
      tpu.vector_store %arg6[%swap3A_85, %swap3A_86], %broadcast_in_dim3A_84 {strides = array<i32>} : memref<80x128xf32, #tpu.memory_space<vmem>>, vector<16xf32>,
      %broadcast_in_dim3A_88 = arith.constant 0.000000e+00 : f32
      %broadcast_in_dim3A_89 = vector.broadcast %broadcast_in_dim3A_88 : f32 to vector<16xf32>
      %swap3A_90 = arith.index_cast %scan3A_66 : i32 to index
      %swap3A_91 = arith.constant 64 : index
      %swap3A_92 = tpu.vector_load %arg6[%swap3A_90, %swap3A_91] {strides = array<i32>} : memref<80x128xf32, #tpu.memory_space<vmem>>, vector<16xf32>,
      tpu.vector_store %arg6[%swap3A_90, %swap3A_91], %broadcast_in_dim3A_89 {strides = array<i32>} : memref<80x128xf32, #tpu.memory_space<vmem>>, vector<16xf32>,
      %broadcast_in_dim3A_93 = arith.constant 0.000000e+00 : f32
      %broadcast_in_dim3A_94 = vector.broadcast %broadcast_in_dim3A_93 : f32 to vector<16xf32>
      %swap3A_95 = arith.index_cast %scan3A_66 : i32 to index
      %swap3A_96 = arith.constant 80 : index
      %swap3A_97 = tpu.vector_load %arg6[%swap3A_95, %swap3A_96] {strides = array<i32>} : memref<80x128xf32, #tpu.memory_space<vmem>>, vector<16xf32>,
      tpu.vector_store %arg6[%swap3A_95, %swap3A_96], %broadcast_in_dim3A_94 {strides = array<i32>} : memref<80x128xf32, #tpu.memory_space<vmem>>, vector<16xf32>,
      %broadcast_in_dim3A_98 = arith.constant 0.000000e+00 : f32
      %broadcast_in_dim3A_99 = vector.broadcast %broadcast_in_dim3A_98 : f32 to vector<16xf32>
      %swap3A_100 = arith.index_cast %scan3A_66 : i32 to index
      %swap3A_101 = arith.constant 96 : index
      %swap3A_102 = tpu.vector_load %arg6[%swap3A_100, %swap3A_101] {strides = array<i32>} : memref<80x128xf32, #tpu.memory_space<vmem>>, vector<16xf32>,
      tpu.vector_store %arg6[%swap3A_100, %swap3A_101], %broadcast_in_dim3A_99 {strides = array<i32>} : memref<80x128xf32, #tpu.memory_space<vmem>>, vector<16xf32>,
      %broadcast_in_dim3A_103 = arith.constant 0.000000e+00 : f32
      %broadcast_in_dim3A_104 = vector.broadcast %broadcast_in_dim3A_103 : f32 to vector<16xf32>
      %swap3A_105 = arith.index_cast %scan3A_66 : i32 to index
      %swap3A_106 = arith.constant 112 : index
      %swap3A_107 = tpu.vector_load %arg6[%swap3A_105, %swap3A_106] {strides = array<i32>} : memref<80x128xf32, #tpu.memory_space<vmem>>, vector<16xf32>,
      tpu.vector_store %arg6[%swap3A_105, %swap3A_106], %broadcast_in_dim3A_104 {strides = array<i32>} : memref<80x128xf32, #tpu.memory_space<vmem>>, vector<16xf32>,
      %scan3A_108 = arith.constant 0 : i32
      scf.yield %scan3A_108 : i32
    }
    %scan3A_6 = arith.constant 80 : i32
    %mul3A_7 = arith.constant 80 : i32
    %mul3A_8 = arith.muli %add3A, %mul3A_7 : i32
    "tpu.region"() ({
      %run_scoped3A = tpu.sem_alloc : memref<!tpu.dma_semaphore, #tpu.memory_space<semaphore_mem>>
      %dma_start3A = arith.constant 0 : i32
      %dma_start3A_66 = tpu.memref_slice %arg2[%mul3A_8, %dma_start3A] : memref<2560x128xi32, #tpu.memory_space<hbm>> -> memref<80x128xi32, #tpu.memory_space<hbm>>
      %dma_start3A_67 = arith.constant 0 : i32
      %dma_start3A_68 = tpu.memref_slice %arg2[%mul3A_8, %dma_start3A_67] : memref<2560x128xi32, #tpu.memory_space<hbm>> -> memref<80x128xi32, #tpu.memory_space<hbm>>
      tpu.enqueue_dma source(%dma_start3A_68 : memref<80x128xi32, #tpu.memory_space<hbm>>) target(%arg5 : memref<80x128xi32, #tpu.memory_space<vmem>>) target_semaphore(%run_scoped3A : memref<!tpu.dma_semaphore, #tpu.memory_space<semaphore_mem>>)
      %dma_wait3A = arith.constant 0 : i32
      %dma_wait3A_69 = tpu.memref_slice %arg2[%mul3A_8, %dma_wait3A] : memref<2560x128xi32, #tpu.memory_space<hbm>> -> memref<80x128xi32, #tpu.memory_space<hbm>>
      %dma_wait3A_70 = arith.constant 0 : i32
      %dma_wait3A_71 = tpu.memref_slice %arg2[%mul3A_8, %dma_wait3A_70] : memref<2560x128xi32, #tpu.memory_space<hbm>> -> memref<80x128xi32, #tpu.memory_space<hbm>>
      tpu.wait_dma2 semaphore(%run_scoped3A : memref<!tpu.dma_semaphore, #tpu.memory_space<semaphore_mem>>) src(%dma_wait3A_71 : memref<80x128xi32, #tpu.memory_space<hbm>>) dst(%arg5 : memref<80x128xi32, #tpu.memory_space<vmem>>)
      tpu.yield
    }) : () -> ()
    %broadcast_in_dim3A = arith.constant 1.000000e+00 : f32
    %broadcast_in_dim3A_9 = vector.broadcast %broadcast_in_dim3A : f32 to vector<16xf32>
    %scan3A_10 = arith.constant 0 : i32
    %scan3A_11 = arith.constant 0 : i32
    %scan3A_12 = arith.constant 80 : i32
    %scan3A_13 = arith.addi %scan3A_11, %scan3A_12 : i32
    %scan3A_14 = arith.constant 1 : i32
    %scan3A_15 = scf.for %scan3A_66 = %scan3A_11 to %scan3A_13 step %scan3A_14 iter_args(%scan3A_67 = %scan3A_10) -> (i32)  : i32 {
      %get3A = arith.index_cast %scan3A_66 : i32 to index
      %get3A_68 = arith.constant 0 : index
      %get3A_69 = tpu.vector_load %arg5[%get3A, %get3A_68] {strides = array<i32>} : memref<80x128xi32, #tpu.memory_space<vmem>>, vector<16xi32>,
      %shift_right_arithmetic3A = arith.constant 7 : i32
      %shift_right_arithmetic3A_70 = vector.broadcast %shift_right_arithmetic3A : i32 to vector<16xi32>
      %shift_right_arithmetic3A_71 = arith.shrsi %get3A_69, %shift_right_arithmetic3A_70 : vector<16xi32>
      %and3A_72 = arith.constant 127 : i32
      %and3A_73 = vector.broadcast %and3A_72 : i32 to vector<16xi32>
      %and3A_74 = arith.andi %get3A_69, %and3A_73 : vector<16xi32>
      tpu.vector_store_idx %arg6[%shift_right_arithmetic3A_71, %and3A_74], %broadcast_in_dim3A_9 {add = true} : memref<80x128xf32, #tpu.memory_space<vmem>>[vector<16xi32>, vector<16xi32>], vector<16xf32>,
      %get3A_75 = arith.index_cast %scan3A_66 : i32 to index
      %get3A_76 = arith.constant 16 : index
      %get3A_77 = tpu.vector_load %arg5[%get3A_75, %get3A_76] {strides = array<i32>} : memref<80x128xi32, #tpu.memory_space<vmem>>, vector<16xi32>,
      %shift_right_arithmetic3A_78 = arith.constant 7 : i32
      %shift_right_arithmetic3A_79 = vector.broadcast %shift_right_arithmetic3A_78 : i32 to vector<16xi32>
      %shift_right_arithmetic3A_80 = arith.shrsi %get3A_77, %shift_right_arithmetic3A_79 : vector<16xi32>
      %and3A_81 = arith.constant 127 : i32
      %and3A_82 = vector.broadcast %and3A_81 : i32 to vector<16xi32>
      %and3A_83 = arith.andi %get3A_77, %and3A_82 : vector<16xi32>
      tpu.vector_store_idx %arg6[%shift_right_arithmetic3A_80, %and3A_83], %broadcast_in_dim3A_9 {add = true} : memref<80x128xf32, #tpu.memory_space<vmem>>[vector<16xi32>, vector<16xi32>], vector<16xf32>,
      %get3A_84 = arith.index_cast %scan3A_66 : i32 to index
      %get3A_85 = arith.constant 32 : index
      %get3A_86 = tpu.vector_load %arg5[%get3A_84, %get3A_85] {strides = array<i32>} : memref<80x128xi32, #tpu.memory_space<vmem>>, vector<16xi32>,
      %shift_right_arithmetic3A_87 = arith.constant 7 : i32
      %shift_right_arithmetic3A_88 = vector.broadcast %shift_right_arithmetic3A_87 : i32 to vector<16xi32>
      %shift_right_arithmetic3A_89 = arith.shrsi %get3A_86, %shift_right_arithmetic3A_88 : vector<16xi32>
      %and3A_90 = arith.constant 127 : i32
      %and3A_91 = vector.broadcast %and3A_90 : i32 to vector<16xi32>
      %and3A_92 = arith.andi %get3A_86, %and3A_91 : vector<16xi32>
      tpu.vector_store_idx %arg6[%shift_right_arithmetic3A_89, %and3A_92], %broadcast_in_dim3A_9 {add = true} : memref<80x128xf32, #tpu.memory_space<vmem>>[vector<16xi32>, vector<16xi32>], vector<16xf32>,
      %get3A_93 = arith.index_cast %scan3A_66 : i32 to index
      %get3A_94 = arith.constant 48 : index
      %get3A_95 = tpu.vector_load %arg5[%get3A_93, %get3A_94] {strides = array<i32>} : memref<80x128xi32, #tpu.memory_space<vmem>>, vector<16xi32>,
      %shift_right_arithmetic3A_96 = arith.constant 7 : i32
      %shift_right_arithmetic3A_97 = vector.broadcast %shift_right_arithmetic3A_96 : i32 to vector<16xi32>
      %shift_right_arithmetic3A_98 = arith.shrsi %get3A_95, %shift_right_arithmetic3A_97 : vector<16xi32>
      %and3A_99 = arith.constant 127 : i32
      %and3A_100 = vector.broadcast %and3A_99 : i32 to vector<16xi32>
      %and3A_101 = arith.andi %get3A_95, %and3A_100 : vector<16xi32>
      tpu.vector_store_idx %arg6[%shift_right_arithmetic3A_98, %and3A_101], %broadcast_in_dim3A_9 {add = true} : memref<80x128xf32, #tpu.memory_space<vmem>>[vector<16xi32>, vector<16xi32>], vector<16xf32>,
      %get3A_102 = arith.index_cast %scan3A_66 : i32 to index
      %get3A_103 = arith.constant 64 : index
      %get3A_104 = tpu.vector_load %arg5[%get3A_102, %get3A_103] {strides = array<i32>} : memref<80x128xi32, #tpu.memory_space<vmem>>, vector<16xi32>,
      %shift_right_arithmetic3A_105 = arith.constant 7 : i32
      %shift_right_arithmetic3A_106 = vector.broadcast %shift_right_arithmetic3A_105 : i32 to vector<16xi32>
      %shift_right_arithmetic3A_107 = arith.shrsi %get3A_104, %shift_right_arithmetic3A_106 : vector<16xi32>
      %and3A_108 = arith.constant 127 : i32
      %and3A_109 = vector.broadcast %and3A_108 : i32 to vector<16xi32>
      %and3A_110 = arith.andi %get3A_104, %and3A_109 : vector<16xi32>
      tpu.vector_store_idx %arg6[%shift_right_arithmetic3A_107, %and3A_110], %broadcast_in_dim3A_9 {add = true} : memref<80x128xf32, #tpu.memory_space<vmem>>[vector<16xi32>, vector<16xi32>], vector<16xf32>,
      %get3A_111 = arith.index_cast %scan3A_66 : i32 to index
      %get3A_112 = arith.constant 80 : index
      %get3A_113 = tpu.vector_load %arg5[%get3A_111, %get3A_112] {strides = array<i32>} : memref<80x128xi32, #tpu.memory_space<vmem>>, vector<16xi32>,
      %shift_right_arithmetic3A_114 = arith.constant 7 : i32
      %shift_right_arithmetic3A_115 = vector.broadcast %shift_right_arithmetic3A_114 : i32 to vector<16xi32>
      %shift_right_arithmetic3A_116 = arith.shrsi %get3A_113, %shift_right_arithmetic3A_115 : vector<16xi32>
      %and3A_117 = arith.constant 127 : i32
      %and3A_118 = vector.broadcast %and3A_117 : i32 to vector<16xi32>
      %and3A_119 = arith.andi %get3A_113, %and3A_118 : vector<16xi32>
      tpu.vector_store_idx %arg6[%shift_right_arithmetic3A_116, %and3A_119], %broadcast_in_dim3A_9 {add = true} : memref<80x128xf32, #tpu.memory_space<vmem>>[vector<16xi32>, vector<16xi32>], vector<16xf32>,
      %get3A_120 = arith.index_cast %scan3A_66 : i32 to index
      %get3A_121 = arith.constant 96 : index
      %get3A_122 = tpu.vector_load %arg5[%get3A_120, %get3A_121] {strides = array<i32>} : memref<80x128xi32, #tpu.memory_space<vmem>>, vector<16xi32>,
      %shift_right_arithmetic3A_123 = arith.constant 7 : i32
      %shift_right_arithmetic3A_124 = vector.broadcast %shift_right_arithmetic3A_123 : i32 to vector<16xi32>
      %shift_right_arithmetic3A_125 = arith.shrsi %get3A_122, %shift_right_arithmetic3A_124 : vector<16xi32>
      %and3A_126 = arith.constant 127 : i32
      %and3A_127 = vector.broadcast %and3A_126 : i32 to vector<16xi32>
      %and3A_128 = arith.andi %get3A_122, %and3A_127 : vector<16xi32>
      tpu.vector_store_idx %arg6[%shift_right_arithmetic3A_125, %and3A_128], %broadcast_in_dim3A_9 {add = true} : memref<80x128xf32, #tpu.memory_space<vmem>>[vector<16xi32>, vector<16xi32>], vector<16xf32>,
      %get3A_129 = arith.index_cast %scan3A_66 : i32 to index
      %get3A_130 = arith.constant 112 : index
      %get3A_131 = tpu.vector_load %arg5[%get3A_129, %get3A_130] {strides = array<i32>} : memref<80x128xi32, #tpu.memory_space<vmem>>, vector<16xi32>,
      %shift_right_arithmetic3A_132 = arith.constant 7 : i32
      %shift_right_arithmetic3A_133 = vector.broadcast %shift_right_arithmetic3A_132 : i32 to vector<16xi32>
      %shift_right_arithmetic3A_134 = arith.shrsi %get3A_131, %shift_right_arithmetic3A_133 : vector<16xi32>
      %and3A_135 = arith.constant 127 : i32
      %and3A_136 = vector.broadcast %and3A_135 : i32 to vector<16xi32>
      %and3A_137 = arith.andi %get3A_131, %and3A_136 : vector<16xi32>
      tpu.vector_store_idx %arg6[%shift_right_arithmetic3A_134, %and3A_137], %broadcast_in_dim3A_9 {add = true} : memref<80x128xf32, #tpu.memory_space<vmem>>[vector<16xi32>, vector<16xi32>], vector<16xf32>,
      %scan3A_138 = arith.constant 0 : i32
      scf.yield %scan3A_138 : i32
    }
    %scan3A_16 = arith.constant 80 : i32
    %iota3A = tpu.iota {dimensions = array<i32: 0>} : vector<16xi32>
    %add3A_17 = arith.constant 0 : i32
    %add3A_18 = vector.broadcast %add3A_17 : i32 to vector<16xi32>
    %add3A_19 = arith.addi %iota3A, %add3A_18 : vector<16xi32>
    %swap3A = arith.constant 0 : index
    %swap3A_20 = tpu.vector_load %arg7[%swap3A] {strides = array<i32>} : memref<80xi32, #tpu.memory_space<vmem>>, vector<16xi32>,
    tpu.vector_store %arg7[%swap3A], %add3A_19 {strides = array<i32>} : memref<80xi32, #tpu.memory_space<vmem>>, vector<16xi32>,
    %iota3A_21 = tpu.iota {dimensions = array<i32: 0>} : vector<16xi32>
    %add3A_22 = arith.constant 16 : i32
    %add3A_23 = vector.broadcast %add3A_22 : i32 to vector<16xi32>
    %add3A_24 = arith.addi %iota3A_21, %add3A_23 : vector<16xi32>
    %swap3A_25 = arith.constant 16 : index
    %swap3A_26 = tpu.vector_load %arg7[%swap3A_25] {strides = array<i32>} : memref<80xi32, #tpu.memory_space<vmem>>, vector<16xi32>,
    tpu.vector_store %arg7[%swap3A_25], %add3A_24 {strides = array<i32>} : memref<80xi32, #tpu.memory_space<vmem>>, vector<16xi32>,
    %iota3A_27 = tpu.iota {dimensions = array<i32: 0>} : vector<16xi32>
    %add3A_28 = arith.constant 32 : i32
    %add3A_29 = vector.broadcast %add3A_28 : i32 to vector<16xi32>
    %add3A_30 = arith.addi %iota3A_27, %add3A_29 : vector<16xi32>
    %swap3A_31 = arith.constant 32 : index
    %swap3A_32 = tpu.vector_load %arg7[%swap3A_31] {strides = array<i32>} : memref<80xi32, #tpu.memory_space<vmem>>, vector<16xi32>,
    tpu.vector_store %arg7[%swap3A_31], %add3A_30 {strides = array<i32>} : memref<80xi32, #tpu.memory_space<vmem>>, vector<16xi32>,
    %iota3A_33 = tpu.iota {dimensions = array<i32: 0>} : vector<16xi32>
    %add3A_34 = arith.constant 48 : i32
    %add3A_35 = vector.broadcast %add3A_34 : i32 to vector<16xi32>
    %add3A_36 = arith.addi %iota3A_33, %add3A_35 : vector<16xi32>
    %swap3A_37 = arith.constant 48 : index
    %swap3A_38 = tpu.vector_load %arg7[%swap3A_37] {strides = array<i32>} : memref<80xi32, #tpu.memory_space<vmem>>, vector<16xi32>,
    tpu.vector_store %arg7[%swap3A_37], %add3A_36 {strides = array<i32>} : memref<80xi32, #tpu.memory_space<vmem>>, vector<16xi32>,
    %iota3A_39 = tpu.iota {dimensions = array<i32: 0>} : vector<16xi32>
    %add3A_40 = arith.constant 64 : i32
    %add3A_41 = vector.broadcast %add3A_40 : i32 to vector<16xi32>
    %add3A_42 = arith.addi %iota3A_39, %add3A_41 : vector<16xi32>
    %swap3A_43 = arith.constant 64 : index
    %swap3A_44 = tpu.vector_load %arg7[%swap3A_43] {strides = array<i32>} : memref<80xi32, #tpu.memory_space<vmem>>, vector<16xi32>,
    tpu.vector_store %arg7[%swap3A_43], %add3A_42 {strides = array<i32>} : memref<80xi32, #tpu.memory_space<vmem>>, vector<16xi32>,
    %eq3A = arith.constant 0 : i32
    %eq3A_45 = arith.cmpi eq, %arg1, %eq3A : i32
    %convert_element_type3A = arith.extui %eq3A_45 : i1 to i32
    %cond3A = arith.constant 0 : i32
    %cond3A_46 = arith.cmpi ne, %convert_element_type3A, %cond3A : i32
    scf.if %cond3A_46 {
      "tpu.region"() ({
        %run_scoped3A = tpu.sem_alloc : memref<!tpu.dma_semaphore, #tpu.memory_space<semaphore_mem>>
        tpu.enqueue_dma source(%arg6 : memref<80x128xf32, #tpu.memory_space<vmem>>) target(%arg8 : memref<80x128xf32, #tpu.memory_space<vmem_shared>>) target_semaphore(%run_scoped3A : memref<!tpu.dma_semaphore, #tpu.memory_space<semaphore_mem>>)
        tpu.wait_dma2 semaphore(%run_scoped3A : memref<!tpu.dma_semaphore, #tpu.memory_space<semaphore_mem>>) src(%arg6 : memref<80x128xf32, #tpu.memory_space<vmem>>) dst(%arg8 : memref<80x128xf32, #tpu.memory_space<vmem_shared>>)
        tpu.yield
      }) : () -> ()
    } else {
    }
    %barrier3A = arith.constant 0 : index
    tpu.barrier barrier_id(%barrier3A)
    %ne3A = arith.constant 0 : i32
    %ne3A_47 = arith.cmpi ne, %arg1, %ne3A : i32
    %convert_element_type3A_48 = arith.extui %ne3A_47 : i1 to i32
    %cond3A_49 = arith.constant 0 : i32
    %cond3A_50 = arith.cmpi ne, %convert_element_type3A_48, %cond3A_49 : i32
    scf.if %cond3A_50 {
      "tpu.region"() ({
        %run_scoped3A = tpu.sem_alloc : memref<!tpu.dma_semaphore, #tpu.memory_space<semaphore_mem>>
        %dma_start3A = arith.constant 0 : i32
        %dma_start3A_66 = arith.constant 0 : i32
        %dma_start3A_67 = tpu.memref_slice %arg8[%dma_start3A, %dma_start3A_66] : memref<80x128xf32, #tpu.memory_space<vmem_shared>> -> memref<80x128xf32, #tpu.memory_space<vmem_shared>>
        tpu.enqueue_indirect_dma source(%arg6 : memref<80x128xf32, #tpu.memory_space<vmem>>) target(%dma_start3A_67 : memref<80x128xf32, #tpu.memory_space<vmem_shared>>) offsets(%arg7 : memref<80xi32, #tpu.memory_space<vmem>>) semaphore(%run_scoped3A : memref<!tpu.dma_semaphore, #tpu.memory_space<semaphore_mem>>) {add = true}
        %dma_wait3A = arith.constant 0 : i32
        %dma_wait3A_68 = arith.constant 0 : i32
        %dma_wait3A_69 = tpu.memref_slice %arg8[%dma_wait3A, %dma_wait3A_68] : memref<80x128xf32, #tpu.memory_space<vmem_shared>> -> memref<80x128xf32, #tpu.memory_space<vmem_shared>>
        tpu.wait_indirect_dma semaphore(%run_scoped3A : memref<!tpu.dma_semaphore, #tpu.memory_space<semaphore_mem>>) src(%arg6 : memref<80x128xf32, #tpu.memory_space<vmem>>) dst(%dma_wait3A_69 : memref<80x128xf32, #tpu.memory_space<vmem_shared>>)
        tpu.yield
      }) : () -> ()
    } else {
    }
    %barrier3A_51 = arith.constant 0 : index
    tpu.barrier barrier_id(%barrier3A_51)
    %eq3A_52 = arith.constant 0 : i32
    %eq3A_53 = arith.cmpi eq, %arg0, %eq3A_52 : i32
    %lt3A = arith.constant 10 : i32
    %lt3A_54 = arith.cmpi slt, %arg1, %lt3A : i32
    %and3A = arith.andi %eq3A_53, %lt3A_54 : i1
    %convert_element_type3A_55 = arith.extui %and3A : i1 to i32
    %cond3A_56 = arith.constant 0 : i32
    %cond3A_57 = arith.cmpi ne, %convert_element_type3A_55, %cond3A_56 : i32
    scf.if %cond3A_57 {
      %mul3A_66 = arith.constant 8 : i32
      %mul3A_67 = arith.muli %arg1, %mul3A_66 : i32
      %mul3A_68 = arith.constant 8 : i32
      %mul3A_69 = arith.muli %arg1, %mul3A_68 : i32
      "tpu.region"() ({
        %run_scoped3A = tpu.sem_alloc : memref<!tpu.dma_semaphore, #tpu.memory_space<semaphore_mem>>
        %dma_start3A = arith.constant 0 : i32
        %dma_start3A_70 = tpu.memref_slice %arg3[%mul3A_69, %dma_start3A] : memref<80x128xf32, #tpu.memory_space<hbm>> -> memref<8x128xf32, #tpu.memory_space<hbm>>
        %dma_start3A_71 = arith.constant 0 : i32
        %dma_start3A_72 = tpu.memref_slice %arg8[%mul3A_67, %dma_start3A_71] : memref<80x128xf32, #tpu.memory_space<vmem_shared>> -> memref<8x128xf32, #tpu.memory_space<vmem_shared>>
        tpu.enqueue_dma source(%dma_start3A_72 : memref<8x128xf32, #tpu.memory_space<vmem_shared>>) target(%dma_start3A_70 : memref<8x128xf32, #tpu.memory_space<hbm>>) target_semaphore(%run_scoped3A : memref<!tpu.dma_semaphore, #tpu.memory_space<semaphore_mem>>)
        %dma_wait3A = arith.constant 0 : i32
        %dma_wait3A_73 = tpu.memref_slice %arg3[%mul3A_69, %dma_wait3A] : memref<80x128xf32, #tpu.memory_space<hbm>> -> memref<8x128xf32, #tpu.memory_space<hbm>>
        %dma_wait3A_74 = arith.constant 0 : i32
        %dma_wait3A_75 = tpu.memref_slice %arg8[%mul3A_67, %dma_wait3A_74] : memref<80x128xf32, #tpu.memory_space<vmem_shared>> -> memref<8x128xf32, #tpu.memory_space<vmem_shared>>
        tpu.wait_dma2 semaphore(%run_scoped3A : memref<!tpu.dma_semaphore, #tpu.memory_space<semaphore_mem>>) src(%dma_wait3A_75 : memref<8x128xf32, #tpu.memory_space<vmem_shared>>) dst(%dma_wait3A_73 : memref<8x128xf32, #tpu.memory_space<hbm>>)
        tpu.yield
      }) : () -> ()
    } else {
    }
    %eq3A_58 = arith.constant 1 : i32
    %eq3A_59 = arith.cmpi eq, %arg0, %eq3A_58 : i32
    %lt3A_60 = arith.constant 10 : i32
    %lt3A_61 = arith.cmpi slt, %arg1, %lt3A_60 : i32
    %and3A_62 = arith.andi %eq3A_59, %lt3A_61 : i1
    %convert_element_type3A_63 = arith.extui %and3A_62 : i1 to i32
    %cond3A_64 = arith.constant 0 : i32
    %cond3A_65 = arith.cmpi ne, %convert_element_type3A_63, %cond3A_64 : i32
    scf.if %cond3A_65 {
      %mul3A_66 = arith.constant 8 : i32
      %mul3A_67 = arith.muli %arg1, %mul3A_66 : i32
      %mul3A_68 = arith.constant 8 : i32
      %mul3A_69 = arith.muli %arg1, %mul3A_68 : i32
      "tpu.region"() ({
        %run_scoped3A = tpu.sem_alloc : memref<!tpu.dma_semaphore, #tpu.memory_space<semaphore_mem>>
        %dma_start3A = arith.constant 0 : i32
        %dma_start3A_70 = tpu.memref_slice %arg4[%mul3A_69, %dma_start3A] : memref<80x128xf32, #tpu.memory_space<hbm>> -> memref<8x128xf32, #tpu.memory_space<hbm>>
        %dma_start3A_71 = arith.constant 0 : i32
        %dma_start3A_72 = tpu.memref_slice %arg8[%mul3A_67, %dma_start3A_71] : memref<80x128xf32, #tpu.memory_space<vmem_shared>> -> memref<8x128xf32, #tpu.memory_space<vmem_shared>>
        tpu.enqueue_dma source(%dma_start3A_72 : memref<8x128xf32, #tpu.memory_space<vmem_shared>>) target(%dma_start3A_70 : memref<8x128xf32, #tpu.memory_space<hbm>>) target_semaphore(%run_scoped3A : memref<!tpu.dma_semaphore, #tpu.memory_space<semaphore_mem>>)
        %dma_wait3A = arith.constant 0 : i32
        %dma_wait3A_73 = tpu.memref_slice %arg4[%mul3A_69, %dma_wait3A] : memref<80x128xf32, #tpu.memory_space<hbm>> -> memref<8x128xf32, #tpu.memory_space<hbm>>
        %dma_wait3A_74 = arith.constant 0 : i32
        %dma_wait3A_75 = tpu.memref_slice %arg8[%mul3A_67, %dma_wait3A_74] : memref<80x128xf32, #tpu.memory_space<vmem_shared>> -> memref<8x128xf32, #tpu.memory_space<vmem_shared>>
        tpu.wait_dma2 semaphore(%run_scoped3A : memref<!tpu.dma_semaphore, #tpu.memory_space<semaphore_mem>>) src(%dma_wait3A_75 : memref<8x128xf32, #tpu.memory_space<vmem_shared>>) dst(%dma_wait3A_73 : memref<8x128xf32, #tpu.memory_space<hbm>>)
        tpu.yield
      }) : () -> ()
    } else {
    }
    return
  }
}

#map = affine_map<(d0, d1) -> (0, 0)>
module attributes {stable_mosaic.version = 14 : i64} {
  func.func @_edge_kernel(%arg0: i32, %arg1: i32, %arg2: memref<10240x128xf32, #tpu.memory_space<hbm>>, %arg3: memref<640x128xf32, #tpu.memory_space<hbm>>, %arg4: memref<2640x128xi32, #tpu.memory_space<hbm>>, %arg5: memref<2560x128xi32, #tpu.memory_space<hbm>>, %arg6: memref<10240x128xf32, #tpu.memory_space<hbm>>, %arg7: memref<10240x128xf32, #tpu.memory_space<hbm>>, %arg8: memref<120x128xi32, #tpu.memory_space<vmem>>, %arg9: memref<128xi32, #tpu.memory_space<vmem>>, %arg10: memref<128xi32, #tpu.memory_space<vmem>>, %arg11: memref<128x128xf32, #tpu.memory_space<vmem>>, %arg12: memref<128x128xf32, #tpu.memory_space<vmem>>, %arg13: memref<10240x128xf32, #tpu.memory_space<vmem_shared>>, %arg14: memref<!tpu.dma_semaphore, #tpu.memory_space<semaphore_mem>>, %arg15: memref<!tpu.dma_semaphore, #tpu.memory_space<semaphore_mem>>, %arg16: memref<!tpu.dma_semaphore, #tpu.memory_space<semaphore_mem>>, %arg17: memref<!tpu.dma_semaphore, #tpu.memory_space<semaphore_mem>>) attributes {dimension_semantics = [#tpu.dimension_semantics<core_parallel>, #tpu.dimension_semantics<subcore_parallel>], iteration_bounds = array<i64: 2, 16>, scalar_prefetch = 0 : i64, scratch_operands = 10 : i64, tpu.core_type = #tpu.core_type<sc_vector_subcore>, window_params = [{transform_indices = #map}, {transform_indices = #map}, {transform_indices = #map}, {transform_indices = #map}, {transform_indices = #map}, {transform_indices = #map}]} {
    %eq3A = arith.constant 0 : i32
    %eq3A_0 = arith.cmpi eq, %arg0, %eq3A : i32
    %convert_element_type3A = arith.extui %eq3A_0 : i1 to i32
    %cond3A = arith.constant 0 : i32
    %cond3A_1 = arith.cmpi ne, %convert_element_type3A, %cond3A : i32
    scf.if %cond3A_1 {
      %mul3A_71 = arith.constant 640 : i32
      %mul3A_72 = arith.muli %arg1, %mul3A_71 : i32
      %mul3A_73 = arith.constant 640 : i32
      %mul3A_74 = arith.muli %arg1, %mul3A_73 : i32
      "tpu.region"() ({
        %run_scoped3A = tpu.sem_alloc : memref<!tpu.dma_semaphore, #tpu.memory_space<semaphore_mem>>
        %dma_start3A_75 = arith.constant 0 : i32
        %dma_start3A_76 = tpu.memref_slice %arg13[%mul3A_74, %dma_start3A_75] : memref<10240x128xf32, #tpu.memory_space<vmem_shared>> -> memref<640x128xf32, #tpu.memory_space<vmem_shared>>
        %dma_start3A_77 = arith.constant 0 : i32
        %dma_start3A_78 = tpu.memref_slice %arg2[%mul3A_72, %dma_start3A_77] : memref<10240x128xf32, #tpu.memory_space<hbm>> -> memref<640x128xf32, #tpu.memory_space<hbm>>
        tpu.enqueue_dma source(%dma_start3A_78 : memref<640x128xf32, #tpu.memory_space<hbm>>) target(%dma_start3A_76 : memref<640x128xf32, #tpu.memory_space<vmem_shared>>) target_semaphore(%run_scoped3A : memref<!tpu.dma_semaphore, #tpu.memory_space<semaphore_mem>>)
        %dma_wait3A = arith.constant 0 : i32
        %dma_wait3A_79 = tpu.memref_slice %arg13[%mul3A_74, %dma_wait3A] : memref<10240x128xf32, #tpu.memory_space<vmem_shared>> -> memref<640x128xf32, #tpu.memory_space<vmem_shared>>
        %dma_wait3A_80 = arith.constant 0 : i32
        %dma_wait3A_81 = tpu.memref_slice %arg2[%mul3A_72, %dma_wait3A_80] : memref<10240x128xf32, #tpu.memory_space<hbm>> -> memref<640x128xf32, #tpu.memory_space<hbm>>
        tpu.wait_dma2 semaphore(%run_scoped3A : memref<!tpu.dma_semaphore, #tpu.memory_space<semaphore_mem>>) src(%dma_wait3A_81 : memref<640x128xf32, #tpu.memory_space<hbm>>) dst(%dma_wait3A_79 : memref<640x128xf32, #tpu.memory_space<vmem_shared>>)
        tpu.yield
      }) : () -> ()
    } else {
    }
    %eq3A_2 = arith.constant 1 : i32
    %eq3A_3 = arith.cmpi eq, %arg0, %eq3A_2 : i32
    %convert_element_type3A_4 = arith.extui %eq3A_3 : i1 to i32
    %cond3A_5 = arith.constant 0 : i32
    %cond3A_6 = arith.cmpi ne, %convert_element_type3A_4, %cond3A_5 : i32
    scf.if %cond3A_6 {
      %mul3A_71 = arith.constant 640 : i32
      %mul3A_72 = arith.muli %arg1, %mul3A_71 : i32
      "tpu.region"() ({
        %run_scoped3A = tpu.sem_alloc : memref<!tpu.dma_semaphore, #tpu.memory_space<semaphore_mem>>
        %dma_start3A_73 = arith.constant 0 : i32
        %dma_start3A_74 = tpu.memref_slice %arg13[%mul3A_72, %dma_start3A_73] : memref<10240x128xf32, #tpu.memory_space<vmem_shared>> -> memref<640x128xf32, #tpu.memory_space<vmem_shared>>
        tpu.enqueue_dma source(%arg3 : memref<640x128xf32, #tpu.memory_space<hbm>>) target(%dma_start3A_74 : memref<640x128xf32, #tpu.memory_space<vmem_shared>>) target_semaphore(%run_scoped3A : memref<!tpu.dma_semaphore, #tpu.memory_space<semaphore_mem>>)
        %dma_wait3A = arith.constant 0 : i32
        %dma_wait3A_75 = tpu.memref_slice %arg13[%mul3A_72, %dma_wait3A] : memref<10240x128xf32, #tpu.memory_space<vmem_shared>> -> memref<640x128xf32, #tpu.memory_space<vmem_shared>>
        tpu.wait_dma2 semaphore(%run_scoped3A : memref<!tpu.dma_semaphore, #tpu.memory_space<semaphore_mem>>) src(%arg3 : memref<640x128xf32, #tpu.memory_space<hbm>>) dst(%dma_wait3A_75 : memref<640x128xf32, #tpu.memory_space<vmem_shared>>)
        tpu.yield
      }) : () -> ()
    } else {
    }
    %barrier3A = arith.constant 0 : index
    tpu.barrier barrier_id(%barrier3A)
    %eq3A_7 = arith.constant 1 : i32
    %eq3A_8 = arith.cmpi eq, %arg0, %eq3A_7 : i32
    %jit3A = arith.constant 120 : i32
    %jit3A_9 = arith.constant 40 : i32
    %select_n3A = arith.select %eq3A_8, %jit3A, %jit3A_9 : i32
    %eq3A_10 = arith.constant 1 : i32
    %eq3A_11 = arith.cmpi eq, %arg0, %eq3A_10 : i32
    %mul3A = arith.constant 120 : i32
    %mul3A_12 = arith.muli %arg1, %mul3A : i32
    %mul3A_13 = arith.constant 40 : i32
    %mul3A_14 = arith.muli %arg1, %mul3A_13 : i32
    %add3A = arith.constant 1920 : i32
    %add3A_15 = arith.addi %add3A, %mul3A_14 : i32
    %select_n3A_16 = arith.select %eq3A_11, %mul3A_12, %add3A_15 : i32
    "tpu.region"() ({
      %run_scoped3A = tpu.sem_alloc : memref<!tpu.dma_semaphore, #tpu.memory_space<semaphore_mem>>
      %dma_start3A_71 = arith.constant 0 : i32
      %dma_start3A_72 = tpu.memref_slice %arg4[%select_n3A_16, %dma_start3A_71] : memref<2640x128xi32, #tpu.memory_space<hbm>> -> memref<120x128xi32, #tpu.memory_space<hbm>>
      %dma_start3A_73 = arith.constant 0 : i32
      %dma_start3A_74 = tpu.memref_slice %arg4[%select_n3A_16, %dma_start3A_73] : memref<2640x128xi32, #tpu.memory_space<hbm>> -> memref<120x128xi32, #tpu.memory_space<hbm>>
      tpu.enqueue_dma source(%dma_start3A_74 : memref<120x128xi32, #tpu.memory_space<hbm>>) target(%arg8 : memref<120x128xi32, #tpu.memory_space<vmem>>) target_semaphore(%run_scoped3A : memref<!tpu.dma_semaphore, #tpu.memory_space<semaphore_mem>>)
      %dma_wait3A = arith.constant 0 : i32
      %dma_wait3A_75 = tpu.memref_slice %arg4[%select_n3A_16, %dma_wait3A] : memref<2640x128xi32, #tpu.memory_space<hbm>> -> memref<120x128xi32, #tpu.memory_space<hbm>>
      %dma_wait3A_76 = arith.constant 0 : i32
      %dma_wait3A_77 = tpu.memref_slice %arg4[%select_n3A_16, %dma_wait3A_76] : memref<2640x128xi32, #tpu.memory_space<hbm>> -> memref<120x128xi32, #tpu.memory_space<hbm>>
      tpu.wait_dma2 semaphore(%run_scoped3A : memref<!tpu.dma_semaphore, #tpu.memory_space<semaphore_mem>>) src(%dma_wait3A_77 : memref<120x128xi32, #tpu.memory_space<hbm>>) dst(%arg8 : memref<120x128xi32, #tpu.memory_space<vmem>>)
      tpu.yield
    }) : () -> ()
    %add3A_17 = arith.constant 0 : i32
    %add3A_18 = arith.addi %select_n3A_16, %add3A_17 : i32
    %dma_start3A = arith.constant 0 : i32
    %dma_start3A_19 = tpu.memref_slice %arg5[%add3A_18, %dma_start3A] : memref<2560x128xi32, #tpu.memory_space<hbm>> -> memref<1x128xi32, #tpu.memory_space<hbm>>
    %dma_start3A_20 = tpu.memref_squeeze %dma_start3A_19 : memref<1x128xi32, #tpu.memory_space<hbm>> -> memref<128xi32, #tpu.memory_space<hbm>>
    %dma_start3A_21 = arith.constant 0 : i32
    %dma_start3A_22 = tpu.memref_slice %arg5[%add3A_18, %dma_start3A_21] : memref<2560x128xi32, #tpu.memory_space<hbm>> -> memref<1x128xi32, #tpu.memory_space<hbm>>
    %dma_start3A_23 = tpu.memref_squeeze %dma_start3A_22 : memref<1x128xi32, #tpu.memory_space<hbm>> -> memref<128xi32, #tpu.memory_space<hbm>>
    tpu.enqueue_dma source(%dma_start3A_23 : memref<128xi32, #tpu.memory_space<hbm>>) target(%arg9 : memref<128xi32, #tpu.memory_space<vmem>>) target_semaphore(%arg16 : memref<!tpu.dma_semaphore, #tpu.memory_space<semaphore_mem>>)
    %dma_start3A_24 = arith.constant 0 : i32
    %dma_start3A_25 = arith.constant 0 : i32
    %dma_start3A_26 = tpu.memref_slice %arg8[%dma_start3A_24, %dma_start3A_25] : memref<120x128xi32, #tpu.memory_space<vmem>> -> memref<1x128xi32, #tpu.memory_space<vmem>>
    %dma_start3A_27 = tpu.memref_squeeze %dma_start3A_26 : memref<1x128xi32, #tpu.memory_space<vmem>> -> memref<128xi32, #tpu.memory_space<vmem>>
    %dma_start3A_28 = arith.constant 0 : i32
    %dma_start3A_29 = arith.constant 0 : i32
    %dma_start3A_30 = tpu.memref_slice %arg2[%dma_start3A_28, %dma_start3A_29] : memref<10240x128xf32, #tpu.memory_space<hbm>> -> memref<10240x128xf32, #tpu.memory_space<hbm>>
    tpu.enqueue_indirect_dma source(%dma_start3A_30 : memref<10240x128xf32, #tpu.memory_space<hbm>>) target(%arg11 : memref<128x128xf32, #tpu.memory_space<vmem>>) offsets(%dma_start3A_27 : memref<128xi32, #tpu.memory_space<vmem>>) semaphore(%arg14 : memref<!tpu.dma_semaphore, #tpu.memory_space<semaphore_mem>>)
    %jit3A_31 = arith.constant 2 : i32
    %div3A = arith.divsi %select_n3A, %jit3A_31 : i32
    %sign3A = arith.constant 0 : i32
    %sign3A_32 = arith.cmpi sgt, %select_n3A, %sign3A : i32
    %sign3A_33 = arith.extui %sign3A_32 : i1 to i32
    %sign3A_34 = arith.constant 0 : i32
    %sign3A_35 = arith.cmpi slt, %select_n3A, %sign3A_34 : i32
    %sign3A_36 = arith.extui %sign3A_35 : i1 to i32
    %sign3A_37 = arith.subi %sign3A_33, %sign3A_36 : i32
    %sign3A_38 = arith.constant 0 : i32
    %sign3A_39 = arith.cmpi sgt, %jit3A_31, %sign3A_38 : i32
    %sign3A_40 = arith.extui %sign3A_39 : i1 to i32
    %sign3A_41 = arith.constant 0 : i32
    %sign3A_42 = arith.cmpi slt, %jit3A_31, %sign3A_41 : i32
    %sign3A_43 = arith.extui %sign3A_42 : i1 to i32
    %sign3A_44 = arith.subi %sign3A_40, %sign3A_43 : i32
    %ne3A = arith.cmpi ne, %sign3A_37, %sign3A_44 : i32
    %rem3A = arith.remsi %select_n3A, %jit3A_31 : i32
    %ne3A_45 = arith.constant 0 : i32
    %ne3A_46 = arith.cmpi ne, %rem3A, %ne3A_45 : i32
    %and3A = arith.andi %ne3A, %ne3A_46 : i1
    %sub3A = arith.constant 1 : i32
    %sub3A_47 = arith.subi %div3A, %sub3A : i32
    %select_n3A_48 = arith.select %and3A, %sub3A_47, %div3A : i32
    %while3A = arith.constant 0 : i32
    %while3A_49 = arith.constant 0 : i32
    %while3A_50 = arith.subi %select_n3A_48, %while3A : i32
    %while3A_51 = arith.addi %while3A, %while3A_50 : i32
    %while3A_52 = arith.constant 1 : i32
    %while3A_53 = arith.divsi %while3A_50, %while3A_52 : i32
    %while3A_54 = arith.muli %while3A_53, %while3A_52 : i32
    %while3A_55 = arith.addi %while3A, %while3A_54 : i32
    %while3A_56 = arith.constant 1 : i32
    %while3A_57 = scf.for %while3A_71 = %while3A to %while3A_55 step %while3A_56 iter_args(%while3A_72 = %while3A_49) -> (i32)  : i32 {
      %mul3A_73 = arith.constant 2 : i32
      %mul3A_74 = arith.muli %mul3A_73, %while3A_71 : i32
      %add3A_75 = arith.constant 0 : i32
      %add3A_76 = arith.addi %mul3A_74, %add3A_75 : i32
      %add3A_77 = arith.constant 1 : i32
      %add3A_78 = arith.addi %add3A_76, %add3A_77 : i32
      %lt3A = arith.cmpi slt, %add3A_78, %select_n3A : i32
      %convert_element_type3A_79 = arith.extui %lt3A : i1 to i32
      %cond3A_80 = arith.constant 0 : i32
      %cond3A_81 = arith.cmpi ne, %convert_element_type3A_79, %cond3A_80 : i32
      scf.if %cond3A_81 {
        %add3A_118 = arith.constant 1 : i32
        %add3A_119 = arith.addi %add3A_76, %add3A_118 : i32
        %add3A_120 = arith.addi %select_n3A_16, %add3A_119 : i32
        %dma_start3A_121 = arith.constant 0 : i32
        %dma_start3A_122 = tpu.memref_slice %arg5[%add3A_120, %dma_start3A_121] : memref<2560x128xi32, #tpu.memory_space<hbm>> -> memref<1x128xi32, #tpu.memory_space<hbm>>
        %dma_start3A_123 = tpu.memref_squeeze %dma_start3A_122 : memref<1x128xi32, #tpu.memory_space<hbm>> -> memref<128xi32, #tpu.memory_space<hbm>>
        %dma_start3A_124 = arith.constant 0 : i32
        %dma_start3A_125 = tpu.memref_slice %arg5[%add3A_120, %dma_start3A_124] : memref<2560x128xi32, #tpu.memory_space<hbm>> -> memref<1x128xi32, #tpu.memory_space<hbm>>
        %dma_start3A_126 = tpu.memref_squeeze %dma_start3A_125 : memref<1x128xi32, #tpu.memory_space<hbm>> -> memref<128xi32, #tpu.memory_space<hbm>>
        tpu.enqueue_dma source(%dma_start3A_126 : memref<128xi32, #tpu.memory_space<hbm>>) target(%arg10 : memref<128xi32, #tpu.memory_space<vmem>>) target_semaphore(%arg17 : memref<!tpu.dma_semaphore, #tpu.memory_space<semaphore_mem>>)
        %add3A_127 = arith.constant 1 : i32
        %add3A_128 = arith.addi %add3A_76, %add3A_127 : i32
        %dma_start3A_129 = arith.constant 0 : i32
        %dma_start3A_130 = tpu.memref_slice %arg8[%add3A_128, %dma_start3A_129] : memref<120x128xi32, #tpu.memory_space<vmem>> -> memref<1x128xi32, #tpu.memory_space<vmem>>
        %dma_start3A_131 = tpu.memref_squeeze %dma_start3A_130 : memref<1x128xi32, #tpu.memory_space<vmem>> -> memref<128xi32, #tpu.memory_space<vmem>>
        %dma_start3A_132 = arith.constant 0 : i32
        %dma_start3A_133 = arith.constant 0 : i32
        %dma_start3A_134 = tpu.memref_slice %arg2[%dma_start3A_132, %dma_start3A_133] : memref<10240x128xf32, #tpu.memory_space<hbm>> -> memref<10240x128xf32, #tpu.memory_space<hbm>>
        tpu.enqueue_indirect_dma source(%dma_start3A_134 : memref<10240x128xf32, #tpu.memory_space<hbm>>) target(%arg12 : memref<128x128xf32, #tpu.memory_space<vmem>>) offsets(%dma_start3A_131 : memref<128xi32, #tpu.memory_space<vmem>>) semaphore(%arg15 : memref<!tpu.dma_semaphore, #tpu.memory_space<semaphore_mem>>)
      } else {
      }
      %dma_wait3A = arith.constant 0 : i32
      %dma_wait3A_82 = tpu.memref_slice %arg8[%add3A_76, %dma_wait3A] : memref<120x128xi32, #tpu.memory_space<vmem>> -> memref<1x128xi32, #tpu.memory_space<vmem>>
      %dma_wait3A_83 = tpu.memref_squeeze %dma_wait3A_82 : memref<1x128xi32, #tpu.memory_space<vmem>> -> memref<128xi32, #tpu.memory_space<vmem>>
      %dma_wait3A_84 = arith.constant 0 : i32
      %dma_wait3A_85 = arith.constant 0 : i32
      %dma_wait3A_86 = tpu.memref_slice %arg2[%dma_wait3A_84, %dma_wait3A_85] : memref<10240x128xf32, #tpu.memory_space<hbm>> -> memref<10240x128xf32, #tpu.memory_space<hbm>>
      tpu.wait_indirect_dma semaphore(%arg14 : memref<!tpu.dma_semaphore, #tpu.memory_space<semaphore_mem>>) src(%dma_wait3A_86 : memref<10240x128xf32, #tpu.memory_space<hbm>>) dst(%arg11 : memref<128x128xf32, #tpu.memory_space<vmem>>)
      %add3A_87 = arith.addi %select_n3A_16, %add3A_76 : i32
      %dma_wait3A_88 = arith.constant 0 : i32
      %dma_wait3A_89 = tpu.memref_slice %arg5[%add3A_87, %dma_wait3A_88] : memref<2560x128xi32, #tpu.memory_space<hbm>> -> memref<1x128xi32, #tpu.memory_space<hbm>>
      %dma_wait3A_90 = tpu.memref_squeeze %dma_wait3A_89 : memref<1x128xi32, #tpu.memory_space<hbm>> -> memref<128xi32, #tpu.memory_space<hbm>>
      %dma_wait3A_91 = arith.constant 0 : i32
      %dma_wait3A_92 = tpu.memref_slice %arg5[%add3A_87, %dma_wait3A_91] : memref<2560x128xi32, #tpu.memory_space<hbm>> -> memref<1x128xi32, #tpu.memory_space<hbm>>
      %dma_wait3A_93 = tpu.memref_squeeze %dma_wait3A_92 : memref<1x128xi32, #tpu.memory_space<hbm>> -> memref<128xi32, #tpu.memory_space<hbm>>
      tpu.wait_dma2 semaphore(%arg16 : memref<!tpu.dma_semaphore, #tpu.memory_space<semaphore_mem>>) src(%dma_wait3A_93 : memref<128xi32, #tpu.memory_space<hbm>>) dst(%arg9 : memref<128xi32, #tpu.memory_space<vmem>>)
      "tpu.region"() ({
        %run_scoped3A = tpu.sem_alloc : memref<!tpu.dma_semaphore, #tpu.memory_space<semaphore_mem>>
        %dma_start3A_118 = arith.constant 0 : i32
        %dma_start3A_119 = arith.constant 0 : i32
        %dma_start3A_120 = tpu.memref_slice %arg13[%dma_start3A_118, %dma_start3A_119] : memref<10240x128xf32, #tpu.memory_space<vmem_shared>> -> memref<10240x128xf32, #tpu.memory_space<vmem_shared>>
        tpu.enqueue_indirect_dma source(%arg11 : memref<128x128xf32, #tpu.memory_space<vmem>>) target(%dma_start3A_120 : memref<10240x128xf32, #tpu.memory_space<vmem_shared>>) offsets(%arg9 : memref<128xi32, #tpu.memory_space<vmem>>) semaphore(%run_scoped3A : memref<!tpu.dma_semaphore, #tpu.memory_space<semaphore_mem>>) {add = true}
        %dma_wait3A_121 = arith.constant 0 : i32
        %dma_wait3A_122 = arith.constant 0 : i32
        %dma_wait3A_123 = tpu.memref_slice %arg13[%dma_wait3A_121, %dma_wait3A_122] : memref<10240x128xf32, #tpu.memory_space<vmem_shared>> -> memref<10240x128xf32, #tpu.memory_space<vmem_shared>>
        tpu.wait_indirect_dma semaphore(%run_scoped3A : memref<!tpu.dma_semaphore, #tpu.memory_space<semaphore_mem>>) src(%arg11 : memref<128x128xf32, #tpu.memory_space<vmem>>) dst(%dma_wait3A_123 : memref<10240x128xf32, #tpu.memory_space<vmem_shared>>)
        tpu.yield
      }) : () -> ()
      %mul3A_94 = arith.constant 2 : i32
      %mul3A_95 = arith.muli %mul3A_94, %while3A_71 : i32
      %add3A_96 = arith.constant 1 : i32
      %add3A_97 = arith.addi %mul3A_95, %add3A_96 : i32
      %add3A_98 = arith.constant 1 : i32
      %add3A_99 = arith.addi %add3A_97, %add3A_98 : i32
      %lt3A_100 = arith.cmpi slt, %add3A_99, %select_n3A : i32
      %convert_element_type3A_101 = arith.extui %lt3A_100 : i1 to i32
      %cond3A_102 = arith.constant 0 : i32
      %cond3A_103 = arith.cmpi ne, %convert_element_type3A_101, %cond3A_102 : i32
      scf.if %cond3A_103 {
        %add3A_118 = arith.constant 1 : i32
        %add3A_119 = arith.addi %add3A_97, %add3A_118 : i32
        %add3A_120 = arith.addi %select_n3A_16, %add3A_119 : i32
        %dma_start3A_121 = arith.constant 0 : i32
        %dma_start3A_122 = tpu.memref_slice %arg5[%add3A_120, %dma_start3A_121] : memref<2560x128xi32, #tpu.memory_space<hbm>> -> memref<1x128xi32, #tpu.memory_space<hbm>>
        %dma_start3A_123 = tpu.memref_squeeze %dma_start3A_122 : memref<1x128xi32, #tpu.memory_space<hbm>> -> memref<128xi32, #tpu.memory_space<hbm>>
        %dma_start3A_124 = arith.constant 0 : i32
        %dma_start3A_125 = tpu.memref_slice %arg5[%add3A_120, %dma_start3A_124] : memref<2560x128xi32, #tpu.memory_space<hbm>> -> memref<1x128xi32, #tpu.memory_space<hbm>>
        %dma_start3A_126 = tpu.memref_squeeze %dma_start3A_125 : memref<1x128xi32, #tpu.memory_space<hbm>> -> memref<128xi32, #tpu.memory_space<hbm>>
        tpu.enqueue_dma source(%dma_start3A_126 : memref<128xi32, #tpu.memory_space<hbm>>) target(%arg9 : memref<128xi32, #tpu.memory_space<vmem>>) target_semaphore(%arg16 : memref<!tpu.dma_semaphore, #tpu.memory_space<semaphore_mem>>)
        %add3A_127 = arith.constant 1 : i32
        %add3A_128 = arith.addi %add3A_97, %add3A_127 : i32
        %dma_start3A_129 = arith.constant 0 : i32
        %dma_start3A_130 = tpu.memref_slice %arg8[%add3A_128, %dma_start3A_129] : memref<120x128xi32, #tpu.memory_space<vmem>> -> memref<1x128xi32, #tpu.memory_space<vmem>>
        %dma_start3A_131 = tpu.memref_squeeze %dma_start3A_130 : memref<1x128xi32, #tpu.memory_space<vmem>> -> memref<128xi32, #tpu.memory_space<vmem>>
        %dma_start3A_132 = arith.constant 0 : i32
        %dma_start3A_133 = arith.constant 0 : i32
        %dma_start3A_134 = tpu.memref_slice %arg2[%dma_start3A_132, %dma_start3A_133] : memref<10240x128xf32, #tpu.memory_space<hbm>> -> memref<10240x128xf32, #tpu.memory_space<hbm>>
        tpu.enqueue_indirect_dma source(%dma_start3A_134 : memref<10240x128xf32, #tpu.memory_space<hbm>>) target(%arg11 : memref<128x128xf32, #tpu.memory_space<vmem>>) offsets(%dma_start3A_131 : memref<128xi32, #tpu.memory_space<vmem>>) semaphore(%arg14 : memref<!tpu.dma_semaphore, #tpu.memory_space<semaphore_mem>>)
      } else {
      }
      %dma_wait3A_104 = arith.constant 0 : i32
      %dma_wait3A_105 = tpu.memref_slice %arg8[%add3A_97, %dma_wait3A_104] : memref<120x128xi32, #tpu.memory_space<vmem>> -> memref<1x128xi32, #tpu.memory_space<vmem>>
      %dma_wait3A_106 = tpu.memref_squeeze %dma_wait3A_105 : memref<1x128xi32, #tpu.memory_space<vmem>> -> memref<128xi32, #tpu.memory_space<vmem>>
      %dma_wait3A_107 = arith.constant 0 : i32
      %dma_wait3A_108 = arith.constant 0 : i32
      %dma_wait3A_109 = tpu.memref_slice %arg2[%dma_wait3A_107, %dma_wait3A_108] : memref<10240x128xf32, #tpu.memory_space<hbm>> -> memref<10240x128xf32, #tpu.memory_space<hbm>>
      tpu.wait_indirect_dma semaphore(%arg15 : memref<!tpu.dma_semaphore, #tpu.memory_space<semaphore_mem>>) src(%dma_wait3A_109 : memref<10240x128xf32, #tpu.memory_space<hbm>>) dst(%arg12 : memref<128x128xf32, #tpu.memory_space<vmem>>)
      %add3A_110 = arith.addi %select_n3A_16, %add3A_97 : i32
      %dma_wait3A_111 = arith.constant 0 : i32
      %dma_wait3A_112 = tpu.memref_slice %arg5[%add3A_110, %dma_wait3A_111] : memref<2560x128xi32, #tpu.memory_space<hbm>> -> memref<1x128xi32, #tpu.memory_space<hbm>>
      %dma_wait3A_113 = tpu.memref_squeeze %dma_wait3A_112 : memref<1x128xi32, #tpu.memory_space<hbm>> -> memref<128xi32, #tpu.memory_space<hbm>>
      %dma_wait3A_114 = arith.constant 0 : i32
      %dma_wait3A_115 = tpu.memref_slice %arg5[%add3A_110, %dma_wait3A_114] : memref<2560x128xi32, #tpu.memory_space<hbm>> -> memref<1x128xi32, #tpu.memory_space<hbm>>
      %dma_wait3A_116 = tpu.memref_squeeze %dma_wait3A_115 : memref<1x128xi32, #tpu.memory_space<hbm>> -> memref<128xi32, #tpu.memory_space<hbm>>
      tpu.wait_dma2 semaphore(%arg17 : memref<!tpu.dma_semaphore, #tpu.memory_space<semaphore_mem>>) src(%dma_wait3A_116 : memref<128xi32, #tpu.memory_space<hbm>>) dst(%arg10 : memref<128xi32, #tpu.memory_space<vmem>>)
      "tpu.region"() ({
        %run_scoped3A = tpu.sem_alloc : memref<!tpu.dma_semaphore, #tpu.memory_space<semaphore_mem>>
        %dma_start3A_118 = arith.constant 0 : i32
        %dma_start3A_119 = arith.constant 0 : i32
        %dma_start3A_120 = tpu.memref_slice %arg13[%dma_start3A_118, %dma_start3A_119] : memref<10240x128xf32, #tpu.memory_space<vmem_shared>> -> memref<10240x128xf32, #tpu.memory_space<vmem_shared>>
        tpu.enqueue_indirect_dma source(%arg12 : memref<128x128xf32, #tpu.memory_space<vmem>>) target(%dma_start3A_120 : memref<10240x128xf32, #tpu.memory_space<vmem_shared>>) offsets(%arg10 : memref<128xi32, #tpu.memory_space<vmem>>) semaphore(%run_scoped3A : memref<!tpu.dma_semaphore, #tpu.memory_space<semaphore_mem>>) {add = true}
        %dma_wait3A_121 = arith.constant 0 : i32
        %dma_wait3A_122 = arith.constant 0 : i32
        %dma_wait3A_123 = tpu.memref_slice %arg13[%dma_wait3A_121, %dma_wait3A_122] : memref<10240x128xf32, #tpu.memory_space<vmem_shared>> -> memref<10240x128xf32, #tpu.memory_space<vmem_shared>>
        tpu.wait_indirect_dma semaphore(%run_scoped3A : memref<!tpu.dma_semaphore, #tpu.memory_space<semaphore_mem>>) src(%arg12 : memref<128x128xf32, #tpu.memory_space<vmem>>) dst(%dma_wait3A_123 : memref<10240x128xf32, #tpu.memory_space<vmem_shared>>)
        tpu.yield
      }) : () -> ()
      %while3A_117 = arith.constant 0 : i32
      scf.yield %while3A_117 : i32
    }
    %while3A_58 = arith.constant 1 : i32
    %while3A_59 = scf.for %while3A_71 = %while3A_55 to %while3A_51 step %while3A_58 iter_args(%while3A_72 = %while3A_57) -> (i32)  : i32 {
      %mul3A_73 = arith.constant 2 : i32
      %mul3A_74 = arith.muli %mul3A_73, %while3A_71 : i32
      %add3A_75 = arith.constant 0 : i32
      %add3A_76 = arith.addi %mul3A_74, %add3A_75 : i32
      %add3A_77 = arith.constant 1 : i32
      %add3A_78 = arith.addi %add3A_76, %add3A_77 : i32
      %lt3A = arith.cmpi slt, %add3A_78, %select_n3A : i32
      %convert_element_type3A_79 = arith.extui %lt3A : i1 to i32
      %cond3A_80 = arith.constant 0 : i32
      %cond3A_81 = arith.cmpi ne, %convert_element_type3A_79, %cond3A_80 : i32
      scf.if %cond3A_81 {
        %add3A_118 = arith.constant 1 : i32
        %add3A_119 = arith.addi %add3A_76, %add3A_118 : i32
        %add3A_120 = arith.addi %select_n3A_16, %add3A_119 : i32
        %dma_start3A_121 = arith.constant 0 : i32
        %dma_start3A_122 = tpu.memref_slice %arg5[%add3A_120, %dma_start3A_121] : memref<2560x128xi32, #tpu.memory_space<hbm>> -> memref<1x128xi32, #tpu.memory_space<hbm>>
        %dma_start3A_123 = tpu.memref_squeeze %dma_start3A_122 : memref<1x128xi32, #tpu.memory_space<hbm>> -> memref<128xi32, #tpu.memory_space<hbm>>
        %dma_start3A_124 = arith.constant 0 : i32
        %dma_start3A_125 = tpu.memref_slice %arg5[%add3A_120, %dma_start3A_124] : memref<2560x128xi32, #tpu.memory_space<hbm>> -> memref<1x128xi32, #tpu.memory_space<hbm>>
        %dma_start3A_126 = tpu.memref_squeeze %dma_start3A_125 : memref<1x128xi32, #tpu.memory_space<hbm>> -> memref<128xi32, #tpu.memory_space<hbm>>
        tpu.enqueue_dma source(%dma_start3A_126 : memref<128xi32, #tpu.memory_space<hbm>>) target(%arg10 : memref<128xi32, #tpu.memory_space<vmem>>) target_semaphore(%arg17 : memref<!tpu.dma_semaphore, #tpu.memory_space<semaphore_mem>>)
        %add3A_127 = arith.constant 1 : i32
        %add3A_128 = arith.addi %add3A_76, %add3A_127 : i32
        %dma_start3A_129 = arith.constant 0 : i32
        %dma_start3A_130 = tpu.memref_slice %arg8[%add3A_128, %dma_start3A_129] : memref<120x128xi32, #tpu.memory_space<vmem>> -> memref<1x128xi32, #tpu.memory_space<vmem>>
        %dma_start3A_131 = tpu.memref_squeeze %dma_start3A_130 : memref<1x128xi32, #tpu.memory_space<vmem>> -> memref<128xi32, #tpu.memory_space<vmem>>
        %dma_start3A_132 = arith.constant 0 : i32
        %dma_start3A_133 = arith.constant 0 : i32
        %dma_start3A_134 = tpu.memref_slice %arg2[%dma_start3A_132, %dma_start3A_133] : memref<10240x128xf32, #tpu.memory_space<hbm>> -> memref<10240x128xf32, #tpu.memory_space<hbm>>
        tpu.enqueue_indirect_dma source(%dma_start3A_134 : memref<10240x128xf32, #tpu.memory_space<hbm>>) target(%arg12 : memref<128x128xf32, #tpu.memory_space<vmem>>) offsets(%dma_start3A_131 : memref<128xi32, #tpu.memory_space<vmem>>) semaphore(%arg15 : memref<!tpu.dma_semaphore, #tpu.memory_space<semaphore_mem>>)
      } else {
      }
      %dma_wait3A = arith.constant 0 : i32
      %dma_wait3A_82 = tpu.memref_slice %arg8[%add3A_76, %dma_wait3A] : memref<120x128xi32, #tpu.memory_space<vmem>> -> memref<1x128xi32, #tpu.memory_space<vmem>>
      %dma_wait3A_83 = tpu.memref_squeeze %dma_wait3A_82 : memref<1x128xi32, #tpu.memory_space<vmem>> -> memref<128xi32, #tpu.memory_space<vmem>>
      %dma_wait3A_84 = arith.constant 0 : i32
      %dma_wait3A_85 = arith.constant 0 : i32
      %dma_wait3A_86 = tpu.memref_slice %arg2[%dma_wait3A_84, %dma_wait3A_85] : memref<10240x128xf32, #tpu.memory_space<hbm>> -> memref<10240x128xf32, #tpu.memory_space<hbm>>
      tpu.wait_indirect_dma semaphore(%arg14 : memref<!tpu.dma_semaphore, #tpu.memory_space<semaphore_mem>>) src(%dma_wait3A_86 : memref<10240x128xf32, #tpu.memory_space<hbm>>) dst(%arg11 : memref<128x128xf32, #tpu.memory_space<vmem>>)
      %add3A_87 = arith.addi %select_n3A_16, %add3A_76 : i32
      %dma_wait3A_88 = arith.constant 0 : i32
      %dma_wait3A_89 = tpu.memref_slice %arg5[%add3A_87, %dma_wait3A_88] : memref<2560x128xi32, #tpu.memory_space<hbm>> -> memref<1x128xi32, #tpu.memory_space<hbm>>
      %dma_wait3A_90 = tpu.memref_squeeze %dma_wait3A_89 : memref<1x128xi32, #tpu.memory_space<hbm>> -> memref<128xi32, #tpu.memory_space<hbm>>
      %dma_wait3A_91 = arith.constant 0 : i32
      %dma_wait3A_92 = tpu.memref_slice %arg5[%add3A_87, %dma_wait3A_91] : memref<2560x128xi32, #tpu.memory_space<hbm>> -> memref<1x128xi32, #tpu.memory_space<hbm>>
      %dma_wait3A_93 = tpu.memref_squeeze %dma_wait3A_92 : memref<1x128xi32, #tpu.memory_space<hbm>> -> memref<128xi32, #tpu.memory_space<hbm>>
      tpu.wait_dma2 semaphore(%arg16 : memref<!tpu.dma_semaphore, #tpu.memory_space<semaphore_mem>>) src(%dma_wait3A_93 : memref<128xi32, #tpu.memory_space<hbm>>) dst(%arg9 : memref<128xi32, #tpu.memory_space<vmem>>)
      "tpu.region"() ({
        %run_scoped3A = tpu.sem_alloc : memref<!tpu.dma_semaphore, #tpu.memory_space<semaphore_mem>>
        %dma_start3A_118 = arith.constant 0 : i32
        %dma_start3A_119 = arith.constant 0 : i32
        %dma_start3A_120 = tpu.memref_slice %arg13[%dma_start3A_118, %dma_start3A_119] : memref<10240x128xf32, #tpu.memory_space<vmem_shared>> -> memref<10240x128xf32, #tpu.memory_space<vmem_shared>>
        tpu.enqueue_indirect_dma source(%arg11 : memref<128x128xf32, #tpu.memory_space<vmem>>) target(%dma_start3A_120 : memref<10240x128xf32, #tpu.memory_space<vmem_shared>>) offsets(%arg9 : memref<128xi32, #tpu.memory_space<vmem>>) semaphore(%run_scoped3A : memref<!tpu.dma_semaphore, #tpu.memory_space<semaphore_mem>>) {add = true}
        %dma_wait3A_121 = arith.constant 0 : i32
        %dma_wait3A_122 = arith.constant 0 : i32
        %dma_wait3A_123 = tpu.memref_slice %arg13[%dma_wait3A_121, %dma_wait3A_122] : memref<10240x128xf32, #tpu.memory_space<vmem_shared>> -> memref<10240x128xf32, #tpu.memory_space<vmem_shared>>
        tpu.wait_indirect_dma semaphore(%run_scoped3A : memref<!tpu.dma_semaphore, #tpu.memory_space<semaphore_mem>>) src(%arg11 : memref<128x128xf32, #tpu.memory_space<vmem>>) dst(%dma_wait3A_123 : memref<10240x128xf32, #tpu.memory_space<vmem_shared>>)
        tpu.yield
      }) : () -> ()
      %mul3A_94 = arith.constant 2 : i32
      %mul3A_95 = arith.muli %mul3A_94, %while3A_71 : i32
      %add3A_96 = arith.constant 1 : i32
      %add3A_97 = arith.addi %mul3A_95, %add3A_96 : i32
      %add3A_98 = arith.constant 1 : i32
      %add3A_99 = arith.addi %add3A_97, %add3A_98 : i32
      %lt3A_100 = arith.cmpi slt, %add3A_99, %select_n3A : i32
      %convert_element_type3A_101 = arith.extui %lt3A_100 : i1 to i32
      %cond3A_102 = arith.constant 0 : i32
      %cond3A_103 = arith.cmpi ne, %convert_element_type3A_101, %cond3A_102 : i32
      scf.if %cond3A_103 {
        %add3A_118 = arith.constant 1 : i32
        %add3A_119 = arith.addi %add3A_97, %add3A_118 : i32
        %add3A_120 = arith.addi %select_n3A_16, %add3A_119 : i32
        %dma_start3A_121 = arith.constant 0 : i32
        %dma_start3A_122 = tpu.memref_slice %arg5[%add3A_120, %dma_start3A_121] : memref<2560x128xi32, #tpu.memory_space<hbm>> -> memref<1x128xi32, #tpu.memory_space<hbm>>
        %dma_start3A_123 = tpu.memref_squeeze %dma_start3A_122 : memref<1x128xi32, #tpu.memory_space<hbm>> -> memref<128xi32, #tpu.memory_space<hbm>>
        %dma_start3A_124 = arith.constant 0 : i32
        %dma_start3A_125 = tpu.memref_slice %arg5[%add3A_120, %dma_start3A_124] : memref<2560x128xi32, #tpu.memory_space<hbm>> -> memref<1x128xi32, #tpu.memory_space<hbm>>
        %dma_start3A_126 = tpu.memref_squeeze %dma_start3A_125 : memref<1x128xi32, #tpu.memory_space<hbm>> -> memref<128xi32, #tpu.memory_space<hbm>>
        tpu.enqueue_dma source(%dma_start3A_126 : memref<128xi32, #tpu.memory_space<hbm>>) target(%arg9 : memref<128xi32, #tpu.memory_space<vmem>>) target_semaphore(%arg16 : memref<!tpu.dma_semaphore, #tpu.memory_space<semaphore_mem>>)
        %add3A_127 = arith.constant 1 : i32
        %add3A_128 = arith.addi %add3A_97, %add3A_127 : i32
        %dma_start3A_129 = arith.constant 0 : i32
        %dma_start3A_130 = tpu.memref_slice %arg8[%add3A_128, %dma_start3A_129] : memref<120x128xi32, #tpu.memory_space<vmem>> -> memref<1x128xi32, #tpu.memory_space<vmem>>
        %dma_start3A_131 = tpu.memref_squeeze %dma_start3A_130 : memref<1x128xi32, #tpu.memory_space<vmem>> -> memref<128xi32, #tpu.memory_space<vmem>>
        %dma_start3A_132 = arith.constant 0 : i32
        %dma_start3A_133 = arith.constant 0 : i32
        %dma_start3A_134 = tpu.memref_slice %arg2[%dma_start3A_132, %dma_start3A_133] : memref<10240x128xf32, #tpu.memory_space<hbm>> -> memref<10240x128xf32, #tpu.memory_space<hbm>>
        tpu.enqueue_indirect_dma source(%dma_start3A_134 : memref<10240x128xf32, #tpu.memory_space<hbm>>) target(%arg11 : memref<128x128xf32, #tpu.memory_space<vmem>>) offsets(%dma_start3A_131 : memref<128xi32, #tpu.memory_space<vmem>>) semaphore(%arg14 : memref<!tpu.dma_semaphore, #tpu.memory_space<semaphore_mem>>)
      } else {
      }
      %dma_wait3A_104 = arith.constant 0 : i32
      %dma_wait3A_105 = tpu.memref_slice %arg8[%add3A_97, %dma_wait3A_104] : memref<120x128xi32, #tpu.memory_space<vmem>> -> memref<1x128xi32, #tpu.memory_space<vmem>>
      %dma_wait3A_106 = tpu.memref_squeeze %dma_wait3A_105 : memref<1x128xi32, #tpu.memory_space<vmem>> -> memref<128xi32, #tpu.memory_space<vmem>>
      %dma_wait3A_107 = arith.constant 0 : i32
      %dma_wait3A_108 = arith.constant 0 : i32
      %dma_wait3A_109 = tpu.memref_slice %arg2[%dma_wait3A_107, %dma_wait3A_108] : memref<10240x128xf32, #tpu.memory_space<hbm>> -> memref<10240x128xf32, #tpu.memory_space<hbm>>
      tpu.wait_indirect_dma semaphore(%arg15 : memref<!tpu.dma_semaphore, #tpu.memory_space<semaphore_mem>>) src(%dma_wait3A_109 : memref<10240x128xf32, #tpu.memory_space<hbm>>) dst(%arg12 : memref<128x128xf32, #tpu.memory_space<vmem>>)
      %add3A_110 = arith.addi %select_n3A_16, %add3A_97 : i32
      %dma_wait3A_111 = arith.constant 0 : i32
      %dma_wait3A_112 = tpu.memref_slice %arg5[%add3A_110, %dma_wait3A_111] : memref<2560x128xi32, #tpu.memory_space<hbm>> -> memref<1x128xi32, #tpu.memory_space<hbm>>
      %dma_wait3A_113 = tpu.memref_squeeze %dma_wait3A_112 : memref<1x128xi32, #tpu.memory_space<hbm>> -> memref<128xi32, #tpu.memory_space<hbm>>
      %dma_wait3A_114 = arith.constant 0 : i32
      %dma_wait3A_115 = tpu.memref_slice %arg5[%add3A_110, %dma_wait3A_114] : memref<2560x128xi32, #tpu.memory_space<hbm>> -> memref<1x128xi32, #tpu.memory_space<hbm>>
      %dma_wait3A_116 = tpu.memref_squeeze %dma_wait3A_115 : memref<1x128xi32, #tpu.memory_space<hbm>> -> memref<128xi32, #tpu.memory_space<hbm>>
      tpu.wait_dma2 semaphore(%arg17 : memref<!tpu.dma_semaphore, #tpu.memory_space<semaphore_mem>>) src(%dma_wait3A_116 : memref<128xi32, #tpu.memory_space<hbm>>) dst(%arg10 : memref<128xi32, #tpu.memory_space<vmem>>)
      "tpu.region"() ({
        %run_scoped3A = tpu.sem_alloc : memref<!tpu.dma_semaphore, #tpu.memory_space<semaphore_mem>>
        %dma_start3A_118 = arith.constant 0 : i32
        %dma_start3A_119 = arith.constant 0 : i32
        %dma_start3A_120 = tpu.memref_slice %arg13[%dma_start3A_118, %dma_start3A_119] : memref<10240x128xf32, #tpu.memory_space<vmem_shared>> -> memref<10240x128xf32, #tpu.memory_space<vmem_shared>>
        tpu.enqueue_indirect_dma source(%arg12 : memref<128x128xf32, #tpu.memory_space<vmem>>) target(%dma_start3A_120 : memref<10240x128xf32, #tpu.memory_space<vmem_shared>>) offsets(%arg10 : memref<128xi32, #tpu.memory_space<vmem>>) semaphore(%run_scoped3A : memref<!tpu.dma_semaphore, #tpu.memory_space<semaphore_mem>>) {add = true}
        %dma_wait3A_121 = arith.constant 0 : i32
        %dma_wait3A_122 = arith.constant 0 : i32
        %dma_wait3A_123 = tpu.memref_slice %arg13[%dma_wait3A_121, %dma_wait3A_122] : memref<10240x128xf32, #tpu.memory_space<vmem_shared>> -> memref<10240x128xf32, #tpu.memory_space<vmem_shared>>
        tpu.wait_indirect_dma semaphore(%run_scoped3A : memref<!tpu.dma_semaphore, #tpu.memory_space<semaphore_mem>>) src(%arg12 : memref<128x128xf32, #tpu.memory_space<vmem>>) dst(%dma_wait3A_123 : memref<10240x128xf32, #tpu.memory_space<vmem_shared>>)
        tpu.yield
      }) : () -> ()
      %while3A_117 = arith.constant 0 : i32
      scf.yield %while3A_117 : i32
    }
    %barrier3A_60 = arith.constant 0 : index
    tpu.barrier barrier_id(%barrier3A_60)
    %eq3A_61 = arith.constant 0 : i32
    %eq3A_62 = arith.cmpi eq, %arg0, %eq3A_61 : i32
    %convert_element_type3A_63 = arith.extui %eq3A_62 : i1 to i32
    %cond3A_64 = arith.constant 0 : i32
    %cond3A_65 = arith.cmpi ne, %convert_element_type3A_63, %cond3A_64 : i32
    scf.if %cond3A_65 {
      %mul3A_71 = arith.constant 640 : i32
      %mul3A_72 = arith.muli %arg1, %mul3A_71 : i32
      %mul3A_73 = arith.constant 640 : i32
      %mul3A_74 = arith.muli %arg1, %mul3A_73 : i32
      "tpu.region"() ({
        %run_scoped3A = tpu.sem_alloc : memref<!tpu.dma_semaphore, #tpu.memory_space<semaphore_mem>>
        %dma_start3A_75 = arith.constant 0 : i32
        %dma_start3A_76 = tpu.memref_slice %arg6[%mul3A_74, %dma_start3A_75] : memref<10240x128xf32, #tpu.memory_space<hbm>> -> memref<640x128xf32, #tpu.memory_space<hbm>>
        %dma_start3A_77 = arith.constant 0 : i32
        %dma_start3A_78 = tpu.memref_slice %arg13[%mul3A_72, %dma_start3A_77] : memref<10240x128xf32, #tpu.memory_space<vmem_shared>> -> memref<640x128xf32, #tpu.memory_space<vmem_shared>>
        tpu.enqueue_dma source(%dma_start3A_78 : memref<640x128xf32, #tpu.memory_space<vmem_shared>>) target(%dma_start3A_76 : memref<640x128xf32, #tpu.memory_space<hbm>>) target_semaphore(%run_scoped3A : memref<!tpu.dma_semaphore, #tpu.memory_space<semaphore_mem>>)
        %dma_wait3A = arith.constant 0 : i32
        %dma_wait3A_79 = tpu.memref_slice %arg6[%mul3A_74, %dma_wait3A] : memref<10240x128xf32, #tpu.memory_space<hbm>> -> memref<640x128xf32, #tpu.memory_space<hbm>>
        %dma_wait3A_80 = arith.constant 0 : i32
        %dma_wait3A_81 = tpu.memref_slice %arg13[%mul3A_72, %dma_wait3A_80] : memref<10240x128xf32, #tpu.memory_space<vmem_shared>> -> memref<640x128xf32, #tpu.memory_space<vmem_shared>>
        tpu.wait_dma2 semaphore(%run_scoped3A : memref<!tpu.dma_semaphore, #tpu.memory_space<semaphore_mem>>) src(%dma_wait3A_81 : memref<640x128xf32, #tpu.memory_space<vmem_shared>>) dst(%dma_wait3A_79 : memref<640x128xf32, #tpu.memory_space<hbm>>)
        tpu.yield
      }) : () -> ()
    } else {
    }
    %eq3A_66 = arith.constant 1 : i32
    %eq3A_67 = arith.cmpi eq, %arg0, %eq3A_66 : i32
    %convert_element_type3A_68 = arith.extui %eq3A_67 : i1 to i32
    %cond3A_69 = arith.constant 0 : i32
    %cond3A_70 = arith.cmpi ne, %convert_element_type3A_68, %cond3A_69 : i32
    scf.if %cond3A_70 {
      %mul3A_71 = arith.constant 640 : i32
      %mul3A_72 = arith.muli %arg1, %mul3A_71 : i32
      %mul3A_73 = arith.constant 640 : i32
      %mul3A_74 = arith.muli %arg1, %mul3A_73 : i32
      "tpu.region"() ({
        %run_scoped3A = tpu.sem_alloc : memref<!tpu.dma_semaphore, #tpu.memory_space<semaphore_mem>>
        %dma_start3A_75 = arith.constant 0 : i32
        %dma_start3A_76 = tpu.memref_slice %arg7[%mul3A_74, %dma_start3A_75] : memref<10240x128xf32, #tpu.memory_space<hbm>> -> memref<640x128xf32, #tpu.memory_space<hbm>>
        %dma_start3A_77 = arith.constant 0 : i32
        %dma_start3A_78 = tpu.memref_slice %arg13[%mul3A_72, %dma_start3A_77] : memref<10240x128xf32, #tpu.memory_space<vmem_shared>> -> memref<640x128xf32, #tpu.memory_space<vmem_shared>>
        tpu.enqueue_dma source(%dma_start3A_78 : memref<640x128xf32, #tpu.memory_space<vmem_shared>>) target(%dma_start3A_76 : memref<640x128xf32, #tpu.memory_space<hbm>>) target_semaphore(%run_scoped3A : memref<!tpu.dma_semaphore, #tpu.memory_space<semaphore_mem>>)
        %dma_wait3A = arith.constant 0 : i32
        %dma_wait3A_79 = tpu.memref_slice %arg7[%mul3A_74, %dma_wait3A] : memref<10240x128xf32, #tpu.memory_space<hbm>> -> memref<640x128xf32, #tpu.memory_space<hbm>>
        %dma_wait3A_80 = arith.constant 0 : i32
        %dma_wait3A_81 = tpu.memref_slice %arg13[%mul3A_72, %dma_wait3A_80] : memref<10240x128xf32, #tpu.memory_space<vmem_shared>> -> memref<640x128xf32, #tpu.memory_space<vmem_shared>>
        tpu.wait_dma2 semaphore(%run_scoped3A : memref<!tpu.dma_semaphore, #tpu.memory_space<semaphore_mem>>) src(%dma_wait3A_81 : memref<640x128xf32, #tpu.memory_space<vmem_shared>>) dst(%dma_wait3A_79 : memref<640x128xf32, #tpu.memory_space<hbm>>)
        tpu.yield
      }) : () -> ()
    } else {
    }
    return
  }
}

#map = affine_map<(d0, d1) -> (0, 0)>
module attributes {stable_mosaic.version = 14 : i64} {
  func.func @_edge_kernel(%arg0: i32, %arg1: i32, %arg2: memref<10240x128xf32, #tpu.memory_space<hbm>>, %arg3: memref<640x128xf32, #tpu.memory_space<hbm>>, %arg4: memref<2640x128xi32, #tpu.memory_space<hbm>>, %arg5: memref<2560x128xi32, #tpu.memory_space<hbm>>, %arg6: memref<10240x128xf32, #tpu.memory_space<hbm>>, %arg7: memref<10240x128xf32, #tpu.memory_space<hbm>>, %arg8: memref<120x128xi32, #tpu.memory_space<vmem>>, %arg9: memref<128xi32, #tpu.memory_space<vmem>>, %arg10: memref<128xi32, #tpu.memory_space<vmem>>, %arg11: memref<128x128xf32, #tpu.memory_space<vmem>>, %arg12: memref<128x128xf32, #tpu.memory_space<vmem>>, %arg13: memref<10240x128xf32, #tpu.memory_space<vmem_shared>>, %arg14: memref<!tpu.dma_semaphore, #tpu.memory_space<semaphore_mem>>, %arg15: memref<!tpu.dma_semaphore, #tpu.memory_space<semaphore_mem>>, %arg16: memref<!tpu.dma_semaphore, #tpu.memory_space<semaphore_mem>>, %arg17: memref<!tpu.dma_semaphore, #tpu.memory_space<semaphore_mem>>) attributes {dimension_semantics = [#tpu.dimension_semantics<core_parallel>, #tpu.dimension_semantics<subcore_parallel>], iteration_bounds = array<i64: 2, 16>, scalar_prefetch = 0 : i64, scratch_operands = 10 : i64, tpu.core_type = #tpu.core_type<sc_vector_subcore>, window_params = [{transform_indices = #map}, {transform_indices = #map}, {transform_indices = #map}, {transform_indices = #map}, {transform_indices = #map}, {transform_indices = #map}]} {
    %eq3A = arith.constant 0 : i32
    %eq3A_0 = arith.cmpi eq, %arg0, %eq3A : i32
    %convert_element_type3A = arith.extui %eq3A_0 : i1 to i32
    %cond3A = arith.constant 0 : i32
    %cond3A_1 = arith.cmpi ne, %convert_element_type3A, %cond3A : i32
    scf.if %cond3A_1 {
      %mul3A_71 = arith.constant 640 : i32
      %mul3A_72 = arith.muli %arg1, %mul3A_71 : i32
      %mul3A_73 = arith.constant 640 : i32
      %mul3A_74 = arith.muli %arg1, %mul3A_73 : i32
      "tpu.region"() ({
        %run_scoped3A = tpu.sem_alloc : memref<!tpu.dma_semaphore, #tpu.memory_space<semaphore_mem>>
        %dma_start3A_75 = arith.constant 0 : i32
        %dma_start3A_76 = tpu.memref_slice %arg13[%mul3A_74, %dma_start3A_75] : memref<10240x128xf32, #tpu.memory_space<vmem_shared>> -> memref<640x128xf32, #tpu.memory_space<vmem_shared>>
        %dma_start3A_77 = arith.constant 0 : i32
        %dma_start3A_78 = tpu.memref_slice %arg2[%mul3A_72, %dma_start3A_77] : memref<10240x128xf32, #tpu.memory_space<hbm>> -> memref<640x128xf32, #tpu.memory_space<hbm>>
        tpu.enqueue_dma source(%dma_start3A_78 : memref<640x128xf32, #tpu.memory_space<hbm>>) target(%dma_start3A_76 : memref<640x128xf32, #tpu.memory_space<vmem_shared>>) target_semaphore(%run_scoped3A : memref<!tpu.dma_semaphore, #tpu.memory_space<semaphore_mem>>)
        %dma_wait3A = arith.constant 0 : i32
        %dma_wait3A_79 = tpu.memref_slice %arg13[%mul3A_74, %dma_wait3A] : memref<10240x128xf32, #tpu.memory_space<vmem_shared>> -> memref<640x128xf32, #tpu.memory_space<vmem_shared>>
        %dma_wait3A_80 = arith.constant 0 : i32
        %dma_wait3A_81 = tpu.memref_slice %arg2[%mul3A_72, %dma_wait3A_80] : memref<10240x128xf32, #tpu.memory_space<hbm>> -> memref<640x128xf32, #tpu.memory_space<hbm>>
        tpu.wait_dma2 semaphore(%run_scoped3A : memref<!tpu.dma_semaphore, #tpu.memory_space<semaphore_mem>>) src(%dma_wait3A_81 : memref<640x128xf32, #tpu.memory_space<hbm>>) dst(%dma_wait3A_79 : memref<640x128xf32, #tpu.memory_space<vmem_shared>>)
        tpu.yield
      }) : () -> ()
    } else {
    }
    %eq3A_2 = arith.constant 1 : i32
    %eq3A_3 = arith.cmpi eq, %arg0, %eq3A_2 : i32
    %convert_element_type3A_4 = arith.extui %eq3A_3 : i1 to i32
    %cond3A_5 = arith.constant 0 : i32
    %cond3A_6 = arith.cmpi ne, %convert_element_type3A_4, %cond3A_5 : i32
    scf.if %cond3A_6 {
      %mul3A_71 = arith.constant 640 : i32
      %mul3A_72 = arith.muli %arg1, %mul3A_71 : i32
      "tpu.region"() ({
        %run_scoped3A = tpu.sem_alloc : memref<!tpu.dma_semaphore, #tpu.memory_space<semaphore_mem>>
        %dma_start3A_73 = arith.constant 0 : i32
        %dma_start3A_74 = tpu.memref_slice %arg13[%mul3A_72, %dma_start3A_73] : memref<10240x128xf32, #tpu.memory_space<vmem_shared>> -> memref<640x128xf32, #tpu.memory_space<vmem_shared>>
        tpu.enqueue_dma source(%arg3 : memref<640x128xf32, #tpu.memory_space<hbm>>) target(%dma_start3A_74 : memref<640x128xf32, #tpu.memory_space<vmem_shared>>) target_semaphore(%run_scoped3A : memref<!tpu.dma_semaphore, #tpu.memory_space<semaphore_mem>>)
        %dma_wait3A = arith.constant 0 : i32
        %dma_wait3A_75 = tpu.memref_slice %arg13[%mul3A_72, %dma_wait3A] : memref<10240x128xf32, #tpu.memory_space<vmem_shared>> -> memref<640x128xf32, #tpu.memory_space<vmem_shared>>
        tpu.wait_dma2 semaphore(%run_scoped3A : memref<!tpu.dma_semaphore, #tpu.memory_space<semaphore_mem>>) src(%arg3 : memref<640x128xf32, #tpu.memory_space<hbm>>) dst(%dma_wait3A_75 : memref<640x128xf32, #tpu.memory_space<vmem_shared>>)
        tpu.yield
      }) : () -> ()
    } else {
    }
    %barrier3A = arith.constant 0 : index
    tpu.barrier barrier_id(%barrier3A)
    %eq3A_7 = arith.constant 1 : i32
    %eq3A_8 = arith.cmpi eq, %arg0, %eq3A_7 : i32
    %jit3A = arith.constant 120 : i32
    %jit3A_9 = arith.constant 40 : i32
    %select_n3A = arith.select %eq3A_8, %jit3A, %jit3A_9 : i32
    %eq3A_10 = arith.constant 1 : i32
    %eq3A_11 = arith.cmpi eq, %arg0, %eq3A_10 : i32
    %mul3A = arith.constant 120 : i32
    %mul3A_12 = arith.muli %arg1, %mul3A : i32
    %mul3A_13 = arith.constant 40 : i32
    %mul3A_14 = arith.muli %arg1, %mul3A_13 : i32
    %add3A = arith.constant 1920 : i32
    %add3A_15 = arith.addi %add3A, %mul3A_14 : i32
    %select_n3A_16 = arith.select %eq3A_11, %mul3A_12, %add3A_15 : i32
    "tpu.region"() ({
      %run_scoped3A = tpu.sem_alloc : memref<!tpu.dma_semaphore, #tpu.memory_space<semaphore_mem>>
      %dma_start3A_71 = arith.constant 0 : i32
      %dma_start3A_72 = tpu.memref_slice %arg4[%select_n3A_16, %dma_start3A_71] : memref<2640x128xi32, #tpu.memory_space<hbm>> -> memref<120x128xi32, #tpu.memory_space<hbm>>
      %dma_start3A_73 = arith.constant 0 : i32
      %dma_start3A_74 = tpu.memref_slice %arg4[%select_n3A_16, %dma_start3A_73] : memref<2640x128xi32, #tpu.memory_space<hbm>> -> memref<120x128xi32, #tpu.memory_space<hbm>>
      tpu.enqueue_dma source(%dma_start3A_74 : memref<120x128xi32, #tpu.memory_space<hbm>>) target(%arg8 : memref<120x128xi32, #tpu.memory_space<vmem>>) target_semaphore(%run_scoped3A : memref<!tpu.dma_semaphore, #tpu.memory_space<semaphore_mem>>)
      %dma_wait3A = arith.constant 0 : i32
      %dma_wait3A_75 = tpu.memref_slice %arg4[%select_n3A_16, %dma_wait3A] : memref<2640x128xi32, #tpu.memory_space<hbm>> -> memref<120x128xi32, #tpu.memory_space<hbm>>
      %dma_wait3A_76 = arith.constant 0 : i32
      %dma_wait3A_77 = tpu.memref_slice %arg4[%select_n3A_16, %dma_wait3A_76] : memref<2640x128xi32, #tpu.memory_space<hbm>> -> memref<120x128xi32, #tpu.memory_space<hbm>>
      tpu.wait_dma2 semaphore(%run_scoped3A : memref<!tpu.dma_semaphore, #tpu.memory_space<semaphore_mem>>) src(%dma_wait3A_77 : memref<120x128xi32, #tpu.memory_space<hbm>>) dst(%arg8 : memref<120x128xi32, #tpu.memory_space<vmem>>)
      tpu.yield
    }) : () -> ()
    %add3A_17 = arith.constant 0 : i32
    %add3A_18 = arith.addi %select_n3A_16, %add3A_17 : i32
    %dma_start3A = arith.constant 0 : i32
    %dma_start3A_19 = tpu.memref_slice %arg5[%add3A_18, %dma_start3A] : memref<2560x128xi32, #tpu.memory_space<hbm>> -> memref<1x128xi32, #tpu.memory_space<hbm>>
    %dma_start3A_20 = tpu.memref_squeeze %dma_start3A_19 : memref<1x128xi32, #tpu.memory_space<hbm>> -> memref<128xi32, #tpu.memory_space<hbm>>
    %dma_start3A_21 = arith.constant 0 : i32
    %dma_start3A_22 = tpu.memref_slice %arg5[%add3A_18, %dma_start3A_21] : memref<2560x128xi32, #tpu.memory_space<hbm>> -> memref<1x128xi32, #tpu.memory_space<hbm>>
    %dma_start3A_23 = tpu.memref_squeeze %dma_start3A_22 : memref<1x128xi32, #tpu.memory_space<hbm>> -> memref<128xi32, #tpu.memory_space<hbm>>
    tpu.enqueue_dma source(%dma_start3A_23 : memref<128xi32, #tpu.memory_space<hbm>>) target(%arg9 : memref<128xi32, #tpu.memory_space<vmem>>) target_semaphore(%arg16 : memref<!tpu.dma_semaphore, #tpu.memory_space<semaphore_mem>>)
    %dma_start3A_24 = arith.constant 0 : i32
    %dma_start3A_25 = arith.constant 0 : i32
    %dma_start3A_26 = tpu.memref_slice %arg8[%dma_start3A_24, %dma_start3A_25] : memref<120x128xi32, #tpu.memory_space<vmem>> -> memref<1x128xi32, #tpu.memory_space<vmem>>
    %dma_start3A_27 = tpu.memref_squeeze %dma_start3A_26 : memref<1x128xi32, #tpu.memory_space<vmem>> -> memref<128xi32, #tpu.memory_space<vmem>>
    %dma_start3A_28 = arith.constant 0 : i32
    %dma_start3A_29 = arith.constant 0 : i32
    %dma_start3A_30 = tpu.memref_slice %arg2[%dma_start3A_28, %dma_start3A_29] : memref<10240x128xf32, #tpu.memory_space<hbm>> -> memref<10240x128xf32, #tpu.memory_space<hbm>>
    tpu.enqueue_indirect_dma source(%dma_start3A_30 : memref<10240x128xf32, #tpu.memory_space<hbm>>) target(%arg11 : memref<128x128xf32, #tpu.memory_space<vmem>>) offsets(%dma_start3A_27 : memref<128xi32, #tpu.memory_space<vmem>>) semaphore(%arg14 : memref<!tpu.dma_semaphore, #tpu.memory_space<semaphore_mem>>)
    %jit3A_31 = arith.constant 2 : i32
    %div3A = arith.divsi %select_n3A, %jit3A_31 : i32
    %sign3A = arith.constant 0 : i32
    %sign3A_32 = arith.cmpi sgt, %select_n3A, %sign3A : i32
    %sign3A_33 = arith.extui %sign3A_32 : i1 to i32
    %sign3A_34 = arith.constant 0 : i32
    %sign3A_35 = arith.cmpi slt, %select_n3A, %sign3A_34 : i32
    %sign3A_36 = arith.extui %sign3A_35 : i1 to i32
    %sign3A_37 = arith.subi %sign3A_33, %sign3A_36 : i32
    %sign3A_38 = arith.constant 0 : i32
    %sign3A_39 = arith.cmpi sgt, %jit3A_31, %sign3A_38 : i32
    %sign3A_40 = arith.extui %sign3A_39 : i1 to i32
    %sign3A_41 = arith.constant 0 : i32
    %sign3A_42 = arith.cmpi slt, %jit3A_31, %sign3A_41 : i32
    %sign3A_43 = arith.extui %sign3A_42 : i1 to i32
    %sign3A_44 = arith.subi %sign3A_40, %sign3A_43 : i32
    %ne3A = arith.cmpi ne, %sign3A_37, %sign3A_44 : i32
    %rem3A = arith.remsi %select_n3A, %jit3A_31 : i32
    %ne3A_45 = arith.constant 0 : i32
    %ne3A_46 = arith.cmpi ne, %rem3A, %ne3A_45 : i32
    %and3A = arith.andi %ne3A, %ne3A_46 : i1
    %sub3A = arith.constant 1 : i32
    %sub3A_47 = arith.subi %div3A, %sub3A : i32
    %select_n3A_48 = arith.select %and3A, %sub3A_47, %div3A : i32
    %while3A = arith.constant 0 : i32
    %while3A_49 = arith.constant 0 : i32
    %while3A_50 = arith.subi %select_n3A_48, %while3A : i32
    %while3A_51 = arith.addi %while3A, %while3A_50 : i32
    %while3A_52 = arith.constant 1 : i32
    %while3A_53 = arith.divsi %while3A_50, %while3A_52 : i32
    %while3A_54 = arith.muli %while3A_53, %while3A_52 : i32
    %while3A_55 = arith.addi %while3A, %while3A_54 : i32
    %while3A_56 = arith.constant 1 : i32
    %while3A_57 = scf.for %while3A_71 = %while3A to %while3A_55 step %while3A_56 iter_args(%while3A_72 = %while3A_49) -> (i32)  : i32 {
      %mul3A_73 = arith.constant 2 : i32
      %mul3A_74 = arith.muli %mul3A_73, %while3A_71 : i32
      %add3A_75 = arith.constant 0 : i32
      %add3A_76 = arith.addi %mul3A_74, %add3A_75 : i32
      %add3A_77 = arith.constant 1 : i32
      %add3A_78 = arith.addi %add3A_76, %add3A_77 : i32
      %lt3A = arith.cmpi slt, %add3A_78, %select_n3A : i32
      %convert_element_type3A_79 = arith.extui %lt3A : i1 to i32
      %cond3A_80 = arith.constant 0 : i32
      %cond3A_81 = arith.cmpi ne, %convert_element_type3A_79, %cond3A_80 : i32
      scf.if %cond3A_81 {
        %add3A_118 = arith.constant 1 : i32
        %add3A_119 = arith.addi %add3A_76, %add3A_118 : i32
        %add3A_120 = arith.addi %select_n3A_16, %add3A_119 : i32
        %dma_start3A_121 = arith.constant 0 : i32
        %dma_start3A_122 = tpu.memref_slice %arg5[%add3A_120, %dma_start3A_121] : memref<2560x128xi32, #tpu.memory_space<hbm>> -> memref<1x128xi32, #tpu.memory_space<hbm>>
        %dma_start3A_123 = tpu.memref_squeeze %dma_start3A_122 : memref<1x128xi32, #tpu.memory_space<hbm>> -> memref<128xi32, #tpu.memory_space<hbm>>
        %dma_start3A_124 = arith.constant 0 : i32
        %dma_start3A_125 = tpu.memref_slice %arg5[%add3A_120, %dma_start3A_124] : memref<2560x128xi32, #tpu.memory_space<hbm>> -> memref<1x128xi32, #tpu.memory_space<hbm>>
        %dma_start3A_126 = tpu.memref_squeeze %dma_start3A_125 : memref<1x128xi32, #tpu.memory_space<hbm>> -> memref<128xi32, #tpu.memory_space<hbm>>
        tpu.enqueue_dma source(%dma_start3A_126 : memref<128xi32, #tpu.memory_space<hbm>>) target(%arg10 : memref<128xi32, #tpu.memory_space<vmem>>) target_semaphore(%arg17 : memref<!tpu.dma_semaphore, #tpu.memory_space<semaphore_mem>>)
        %add3A_127 = arith.constant 1 : i32
        %add3A_128 = arith.addi %add3A_76, %add3A_127 : i32
        %dma_start3A_129 = arith.constant 0 : i32
        %dma_start3A_130 = tpu.memref_slice %arg8[%add3A_128, %dma_start3A_129] : memref<120x128xi32, #tpu.memory_space<vmem>> -> memref<1x128xi32, #tpu.memory_space<vmem>>
        %dma_start3A_131 = tpu.memref_squeeze %dma_start3A_130 : memref<1x128xi32, #tpu.memory_space<vmem>> -> memref<128xi32, #tpu.memory_space<vmem>>
        %dma_start3A_132 = arith.constant 0 : i32
        %dma_start3A_133 = arith.constant 0 : i32
        %dma_start3A_134 = tpu.memref_slice %arg2[%dma_start3A_132, %dma_start3A_133] : memref<10240x128xf32, #tpu.memory_space<hbm>> -> memref<10240x128xf32, #tpu.memory_space<hbm>>
        tpu.enqueue_indirect_dma source(%dma_start3A_134 : memref<10240x128xf32, #tpu.memory_space<hbm>>) target(%arg12 : memref<128x128xf32, #tpu.memory_space<vmem>>) offsets(%dma_start3A_131 : memref<128xi32, #tpu.memory_space<vmem>>) semaphore(%arg15 : memref<!tpu.dma_semaphore, #tpu.memory_space<semaphore_mem>>)
      } else {
      }
      %dma_wait3A = arith.constant 0 : i32
      %dma_wait3A_82 = tpu.memref_slice %arg8[%add3A_76, %dma_wait3A] : memref<120x128xi32, #tpu.memory_space<vmem>> -> memref<1x128xi32, #tpu.memory_space<vmem>>
      %dma_wait3A_83 = tpu.memref_squeeze %dma_wait3A_82 : memref<1x128xi32, #tpu.memory_space<vmem>> -> memref<128xi32, #tpu.memory_space<vmem>>
      %dma_wait3A_84 = arith.constant 0 : i32
      %dma_wait3A_85 = arith.constant 0 : i32
      %dma_wait3A_86 = tpu.memref_slice %arg2[%dma_wait3A_84, %dma_wait3A_85] : memref<10240x128xf32, #tpu.memory_space<hbm>> -> memref<10240x128xf32, #tpu.memory_space<hbm>>
      tpu.wait_indirect_dma semaphore(%arg14 : memref<!tpu.dma_semaphore, #tpu.memory_space<semaphore_mem>>) src(%dma_wait3A_86 : memref<10240x128xf32, #tpu.memory_space<hbm>>) dst(%arg11 : memref<128x128xf32, #tpu.memory_space<vmem>>)
      %add3A_87 = arith.addi %select_n3A_16, %add3A_76 : i32
      %dma_wait3A_88 = arith.constant 0 : i32
      %dma_wait3A_89 = tpu.memref_slice %arg5[%add3A_87, %dma_wait3A_88] : memref<2560x128xi32, #tpu.memory_space<hbm>> -> memref<1x128xi32, #tpu.memory_space<hbm>>
      %dma_wait3A_90 = tpu.memref_squeeze %dma_wait3A_89 : memref<1x128xi32, #tpu.memory_space<hbm>> -> memref<128xi32, #tpu.memory_space<hbm>>
      %dma_wait3A_91 = arith.constant 0 : i32
      %dma_wait3A_92 = tpu.memref_slice %arg5[%add3A_87, %dma_wait3A_91] : memref<2560x128xi32, #tpu.memory_space<hbm>> -> memref<1x128xi32, #tpu.memory_space<hbm>>
      %dma_wait3A_93 = tpu.memref_squeeze %dma_wait3A_92 : memref<1x128xi32, #tpu.memory_space<hbm>> -> memref<128xi32, #tpu.memory_space<hbm>>
      tpu.wait_dma2 semaphore(%arg16 : memref<!tpu.dma_semaphore, #tpu.memory_space<semaphore_mem>>) src(%dma_wait3A_93 : memref<128xi32, #tpu.memory_space<hbm>>) dst(%arg9 : memref<128xi32, #tpu.memory_space<vmem>>)
      "tpu.region"() ({
        %run_scoped3A = tpu.sem_alloc : memref<!tpu.dma_semaphore, #tpu.memory_space<semaphore_mem>>
        %dma_start3A_118 = arith.constant 0 : i32
        %dma_start3A_119 = arith.constant 0 : i32
        %dma_start3A_120 = tpu.memref_slice %arg13[%dma_start3A_118, %dma_start3A_119] : memref<10240x128xf32, #tpu.memory_space<vmem_shared>> -> memref<10240x128xf32, #tpu.memory_space<vmem_shared>>
        tpu.enqueue_indirect_dma source(%arg11 : memref<128x128xf32, #tpu.memory_space<vmem>>) target(%dma_start3A_120 : memref<10240x128xf32, #tpu.memory_space<vmem_shared>>) offsets(%arg9 : memref<128xi32, #tpu.memory_space<vmem>>) semaphore(%run_scoped3A : memref<!tpu.dma_semaphore, #tpu.memory_space<semaphore_mem>>) {add = true}
        %dma_wait3A_121 = arith.constant 0 : i32
        %dma_wait3A_122 = arith.constant 0 : i32
        %dma_wait3A_123 = tpu.memref_slice %arg13[%dma_wait3A_121, %dma_wait3A_122] : memref<10240x128xf32, #tpu.memory_space<vmem_shared>> -> memref<10240x128xf32, #tpu.memory_space<vmem_shared>>
        tpu.wait_indirect_dma semaphore(%run_scoped3A : memref<!tpu.dma_semaphore, #tpu.memory_space<semaphore_mem>>) src(%arg11 : memref<128x128xf32, #tpu.memory_space<vmem>>) dst(%dma_wait3A_123 : memref<10240x128xf32, #tpu.memory_space<vmem_shared>>)
        tpu.yield
      }) : () -> ()
      %mul3A_94 = arith.constant 2 : i32
      %mul3A_95 = arith.muli %mul3A_94, %while3A_71 : i32
      %add3A_96 = arith.constant 1 : i32
      %add3A_97 = arith.addi %mul3A_95, %add3A_96 : i32
      %add3A_98 = arith.constant 1 : i32
      %add3A_99 = arith.addi %add3A_97, %add3A_98 : i32
      %lt3A_100 = arith.cmpi slt, %add3A_99, %select_n3A : i32
      %convert_element_type3A_101 = arith.extui %lt3A_100 : i1 to i32
      %cond3A_102 = arith.constant 0 : i32
      %cond3A_103 = arith.cmpi ne, %convert_element_type3A_101, %cond3A_102 : i32
      scf.if %cond3A_103 {
        %add3A_118 = arith.constant 1 : i32
        %add3A_119 = arith.addi %add3A_97, %add3A_118 : i32
        %add3A_120 = arith.addi %select_n3A_16, %add3A_119 : i32
        %dma_start3A_121 = arith.constant 0 : i32
        %dma_start3A_122 = tpu.memref_slice %arg5[%add3A_120, %dma_start3A_121] : memref<2560x128xi32, #tpu.memory_space<hbm>> -> memref<1x128xi32, #tpu.memory_space<hbm>>
        %dma_start3A_123 = tpu.memref_squeeze %dma_start3A_122 : memref<1x128xi32, #tpu.memory_space<hbm>> -> memref<128xi32, #tpu.memory_space<hbm>>
        %dma_start3A_124 = arith.constant 0 : i32
        %dma_start3A_125 = tpu.memref_slice %arg5[%add3A_120, %dma_start3A_124] : memref<2560x128xi32, #tpu.memory_space<hbm>> -> memref<1x128xi32, #tpu.memory_space<hbm>>
        %dma_start3A_126 = tpu.memref_squeeze %dma_start3A_125 : memref<1x128xi32, #tpu.memory_space<hbm>> -> memref<128xi32, #tpu.memory_space<hbm>>
        tpu.enqueue_dma source(%dma_start3A_126 : memref<128xi32, #tpu.memory_space<hbm>>) target(%arg9 : memref<128xi32, #tpu.memory_space<vmem>>) target_semaphore(%arg16 : memref<!tpu.dma_semaphore, #tpu.memory_space<semaphore_mem>>)
        %add3A_127 = arith.constant 1 : i32
        %add3A_128 = arith.addi %add3A_97, %add3A_127 : i32
        %dma_start3A_129 = arith.constant 0 : i32
        %dma_start3A_130 = tpu.memref_slice %arg8[%add3A_128, %dma_start3A_129] : memref<120x128xi32, #tpu.memory_space<vmem>> -> memref<1x128xi32, #tpu.memory_space<vmem>>
        %dma_start3A_131 = tpu.memref_squeeze %dma_start3A_130 : memref<1x128xi32, #tpu.memory_space<vmem>> -> memref<128xi32, #tpu.memory_space<vmem>>
        %dma_start3A_132 = arith.constant 0 : i32
        %dma_start3A_133 = arith.constant 0 : i32
        %dma_start3A_134 = tpu.memref_slice %arg2[%dma_start3A_132, %dma_start3A_133] : memref<10240x128xf32, #tpu.memory_space<hbm>> -> memref<10240x128xf32, #tpu.memory_space<hbm>>
        tpu.enqueue_indirect_dma source(%dma_start3A_134 : memref<10240x128xf32, #tpu.memory_space<hbm>>) target(%arg11 : memref<128x128xf32, #tpu.memory_space<vmem>>) offsets(%dma_start3A_131 : memref<128xi32, #tpu.memory_space<vmem>>) semaphore(%arg14 : memref<!tpu.dma_semaphore, #tpu.memory_space<semaphore_mem>>)
      } else {
      }
      %dma_wait3A_104 = arith.constant 0 : i32
      %dma_wait3A_105 = tpu.memref_slice %arg8[%add3A_97, %dma_wait3A_104] : memref<120x128xi32, #tpu.memory_space<vmem>> -> memref<1x128xi32, #tpu.memory_space<vmem>>
      %dma_wait3A_106 = tpu.memref_squeeze %dma_wait3A_105 : memref<1x128xi32, #tpu.memory_space<vmem>> -> memref<128xi32, #tpu.memory_space<vmem>>
      %dma_wait3A_107 = arith.constant 0 : i32
      %dma_wait3A_108 = arith.constant 0 : i32
      %dma_wait3A_109 = tpu.memref_slice %arg2[%dma_wait3A_107, %dma_wait3A_108] : memref<10240x128xf32, #tpu.memory_space<hbm>> -> memref<10240x128xf32, #tpu.memory_space<hbm>>
      tpu.wait_indirect_dma semaphore(%arg15 : memref<!tpu.dma_semaphore, #tpu.memory_space<semaphore_mem>>) src(%dma_wait3A_109 : memref<10240x128xf32, #tpu.memory_space<hbm>>) dst(%arg12 : memref<128x128xf32, #tpu.memory_space<vmem>>)
      %add3A_110 = arith.addi %select_n3A_16, %add3A_97 : i32
      %dma_wait3A_111 = arith.constant 0 : i32
      %dma_wait3A_112 = tpu.memref_slice %arg5[%add3A_110, %dma_wait3A_111] : memref<2560x128xi32, #tpu.memory_space<hbm>> -> memref<1x128xi32, #tpu.memory_space<hbm>>
      %dma_wait3A_113 = tpu.memref_squeeze %dma_wait3A_112 : memref<1x128xi32, #tpu.memory_space<hbm>> -> memref<128xi32, #tpu.memory_space<hbm>>
      %dma_wait3A_114 = arith.constant 0 : i32
      %dma_wait3A_115 = tpu.memref_slice %arg5[%add3A_110, %dma_wait3A_114] : memref<2560x128xi32, #tpu.memory_space<hbm>> -> memref<1x128xi32, #tpu.memory_space<hbm>>
      %dma_wait3A_116 = tpu.memref_squeeze %dma_wait3A_115 : memref<1x128xi32, #tpu.memory_space<hbm>> -> memref<128xi32, #tpu.memory_space<hbm>>
      tpu.wait_dma2 semaphore(%arg17 : memref<!tpu.dma_semaphore, #tpu.memory_space<semaphore_mem>>) src(%dma_wait3A_116 : memref<128xi32, #tpu.memory_space<hbm>>) dst(%arg10 : memref<128xi32, #tpu.memory_space<vmem>>)
      "tpu.region"() ({
        %run_scoped3A = tpu.sem_alloc : memref<!tpu.dma_semaphore, #tpu.memory_space<semaphore_mem>>
        %dma_start3A_118 = arith.constant 0 : i32
        %dma_start3A_119 = arith.constant 0 : i32
        %dma_start3A_120 = tpu.memref_slice %arg13[%dma_start3A_118, %dma_start3A_119] : memref<10240x128xf32, #tpu.memory_space<vmem_shared>> -> memref<10240x128xf32, #tpu.memory_space<vmem_shared>>
        tpu.enqueue_indirect_dma source(%arg12 : memref<128x128xf32, #tpu.memory_space<vmem>>) target(%dma_start3A_120 : memref<10240x128xf32, #tpu.memory_space<vmem_shared>>) offsets(%arg10 : memref<128xi32, #tpu.memory_space<vmem>>) semaphore(%run_scoped3A : memref<!tpu.dma_semaphore, #tpu.memory_space<semaphore_mem>>) {add = true}
        %dma_wait3A_121 = arith.constant 0 : i32
        %dma_wait3A_122 = arith.constant 0 : i32
        %dma_wait3A_123 = tpu.memref_slice %arg13[%dma_wait3A_121, %dma_wait3A_122] : memref<10240x128xf32, #tpu.memory_space<vmem_shared>> -> memref<10240x128xf32, #tpu.memory_space<vmem_shared>>
        tpu.wait_indirect_dma semaphore(%run_scoped3A : memref<!tpu.dma_semaphore, #tpu.memory_space<semaphore_mem>>) src(%arg12 : memref<128x128xf32, #tpu.memory_space<vmem>>) dst(%dma_wait3A_123 : memref<10240x128xf32, #tpu.memory_space<vmem_shared>>)
        tpu.yield
      }) : () -> ()
      %while3A_117 = arith.constant 0 : i32
      scf.yield %while3A_117 : i32
    }
    %while3A_58 = arith.constant 1 : i32
    %while3A_59 = scf.for %while3A_71 = %while3A_55 to %while3A_51 step %while3A_58 iter_args(%while3A_72 = %while3A_57) -> (i32)  : i32 {
      %mul3A_73 = arith.constant 2 : i32
      %mul3A_74 = arith.muli %mul3A_73, %while3A_71 : i32
      %add3A_75 = arith.constant 0 : i32
      %add3A_76 = arith.addi %mul3A_74, %add3A_75 : i32
      %add3A_77 = arith.constant 1 : i32
      %add3A_78 = arith.addi %add3A_76, %add3A_77 : i32
      %lt3A = arith.cmpi slt, %add3A_78, %select_n3A : i32
      %convert_element_type3A_79 = arith.extui %lt3A : i1 to i32
      %cond3A_80 = arith.constant 0 : i32
      %cond3A_81 = arith.cmpi ne, %convert_element_type3A_79, %cond3A_80 : i32
      scf.if %cond3A_81 {
        %add3A_118 = arith.constant 1 : i32
        %add3A_119 = arith.addi %add3A_76, %add3A_118 : i32
        %add3A_120 = arith.addi %select_n3A_16, %add3A_119 : i32
        %dma_start3A_121 = arith.constant 0 : i32
        %dma_start3A_122 = tpu.memref_slice %arg5[%add3A_120, %dma_start3A_121] : memref<2560x128xi32, #tpu.memory_space<hbm>> -> memref<1x128xi32, #tpu.memory_space<hbm>>
        %dma_start3A_123 = tpu.memref_squeeze %dma_start3A_122 : memref<1x128xi32, #tpu.memory_space<hbm>> -> memref<128xi32, #tpu.memory_space<hbm>>
        %dma_start3A_124 = arith.constant 0 : i32
        %dma_start3A_125 = tpu.memref_slice %arg5[%add3A_120, %dma_start3A_124] : memref<2560x128xi32, #tpu.memory_space<hbm>> -> memref<1x128xi32, #tpu.memory_space<hbm>>
        %dma_start3A_126 = tpu.memref_squeeze %dma_start3A_125 : memref<1x128xi32, #tpu.memory_space<hbm>> -> memref<128xi32, #tpu.memory_space<hbm>>
        tpu.enqueue_dma source(%dma_start3A_126 : memref<128xi32, #tpu.memory_space<hbm>>) target(%arg10 : memref<128xi32, #tpu.memory_space<vmem>>) target_semaphore(%arg17 : memref<!tpu.dma_semaphore, #tpu.memory_space<semaphore_mem>>)
        %add3A_127 = arith.constant 1 : i32
        %add3A_128 = arith.addi %add3A_76, %add3A_127 : i32
        %dma_start3A_129 = arith.constant 0 : i32
        %dma_start3A_130 = tpu.memref_slice %arg8[%add3A_128, %dma_start3A_129] : memref<120x128xi32, #tpu.memory_space<vmem>> -> memref<1x128xi32, #tpu.memory_space<vmem>>
        %dma_start3A_131 = tpu.memref_squeeze %dma_start3A_130 : memref<1x128xi32, #tpu.memory_space<vmem>> -> memref<128xi32, #tpu.memory_space<vmem>>
        %dma_start3A_132 = arith.constant 0 : i32
        %dma_start3A_133 = arith.constant 0 : i32
        %dma_start3A_134 = tpu.memref_slice %arg2[%dma_start3A_132, %dma_start3A_133] : memref<10240x128xf32, #tpu.memory_space<hbm>> -> memref<10240x128xf32, #tpu.memory_space<hbm>>
        tpu.enqueue_indirect_dma source(%dma_start3A_134 : memref<10240x128xf32, #tpu.memory_space<hbm>>) target(%arg12 : memref<128x128xf32, #tpu.memory_space<vmem>>) offsets(%dma_start3A_131 : memref<128xi32, #tpu.memory_space<vmem>>) semaphore(%arg15 : memref<!tpu.dma_semaphore, #tpu.memory_space<semaphore_mem>>)
      } else {
      }
      %dma_wait3A = arith.constant 0 : i32
      %dma_wait3A_82 = tpu.memref_slice %arg8[%add3A_76, %dma_wait3A] : memref<120x128xi32, #tpu.memory_space<vmem>> -> memref<1x128xi32, #tpu.memory_space<vmem>>
      %dma_wait3A_83 = tpu.memref_squeeze %dma_wait3A_82 : memref<1x128xi32, #tpu.memory_space<vmem>> -> memref<128xi32, #tpu.memory_space<vmem>>
      %dma_wait3A_84 = arith.constant 0 : i32
      %dma_wait3A_85 = arith.constant 0 : i32
      %dma_wait3A_86 = tpu.memref_slice %arg2[%dma_wait3A_84, %dma_wait3A_85] : memref<10240x128xf32, #tpu.memory_space<hbm>> -> memref<10240x128xf32, #tpu.memory_space<hbm>>
      tpu.wait_indirect_dma semaphore(%arg14 : memref<!tpu.dma_semaphore, #tpu.memory_space<semaphore_mem>>) src(%dma_wait3A_86 : memref<10240x128xf32, #tpu.memory_space<hbm>>) dst(%arg11 : memref<128x128xf32, #tpu.memory_space<vmem>>)
      %add3A_87 = arith.addi %select_n3A_16, %add3A_76 : i32
      %dma_wait3A_88 = arith.constant 0 : i32
      %dma_wait3A_89 = tpu.memref_slice %arg5[%add3A_87, %dma_wait3A_88] : memref<2560x128xi32, #tpu.memory_space<hbm>> -> memref<1x128xi32, #tpu.memory_space<hbm>>
      %dma_wait3A_90 = tpu.memref_squeeze %dma_wait3A_89 : memref<1x128xi32, #tpu.memory_space<hbm>> -> memref<128xi32, #tpu.memory_space<hbm>>
      %dma_wait3A_91 = arith.constant 0 : i32
      %dma_wait3A_92 = tpu.memref_slice %arg5[%add3A_87, %dma_wait3A_91] : memref<2560x128xi32, #tpu.memory_space<hbm>> -> memref<1x128xi32, #tpu.memory_space<hbm>>
      %dma_wait3A_93 = tpu.memref_squeeze %dma_wait3A_92 : memref<1x128xi32, #tpu.memory_space<hbm>> -> memref<128xi32, #tpu.memory_space<hbm>>
      tpu.wait_dma2 semaphore(%arg16 : memref<!tpu.dma_semaphore, #tpu.memory_space<semaphore_mem>>) src(%dma_wait3A_93 : memref<128xi32, #tpu.memory_space<hbm>>) dst(%arg9 : memref<128xi32, #tpu.memory_space<vmem>>)
      "tpu.region"() ({
        %run_scoped3A = tpu.sem_alloc : memref<!tpu.dma_semaphore, #tpu.memory_space<semaphore_mem>>
        %dma_start3A_118 = arith.constant 0 : i32
        %dma_start3A_119 = arith.constant 0 : i32
        %dma_start3A_120 = tpu.memref_slice %arg13[%dma_start3A_118, %dma_start3A_119] : memref<10240x128xf32, #tpu.memory_space<vmem_shared>> -> memref<10240x128xf32, #tpu.memory_space<vmem_shared>>
        tpu.enqueue_indirect_dma source(%arg11 : memref<128x128xf32, #tpu.memory_space<vmem>>) target(%dma_start3A_120 : memref<10240x128xf32, #tpu.memory_space<vmem_shared>>) offsets(%arg9 : memref<128xi32, #tpu.memory_space<vmem>>) semaphore(%run_scoped3A : memref<!tpu.dma_semaphore, #tpu.memory_space<semaphore_mem>>) {add = true}
        %dma_wait3A_121 = arith.constant 0 : i32
        %dma_wait3A_122 = arith.constant 0 : i32
        %dma_wait3A_123 = tpu.memref_slice %arg13[%dma_wait3A_121, %dma_wait3A_122] : memref<10240x128xf32, #tpu.memory_space<vmem_shared>> -> memref<10240x128xf32, #tpu.memory_space<vmem_shared>>
        tpu.wait_indirect_dma semaphore(%run_scoped3A : memref<!tpu.dma_semaphore, #tpu.memory_space<semaphore_mem>>) src(%arg11 : memref<128x128xf32, #tpu.memory_space<vmem>>) dst(%dma_wait3A_123 : memref<10240x128xf32, #tpu.memory_space<vmem_shared>>)
        tpu.yield
      }) : () -> ()
      %mul3A_94 = arith.constant 2 : i32
      %mul3A_95 = arith.muli %mul3A_94, %while3A_71 : i32
      %add3A_96 = arith.constant 1 : i32
      %add3A_97 = arith.addi %mul3A_95, %add3A_96 : i32
      %add3A_98 = arith.constant 1 : i32
      %add3A_99 = arith.addi %add3A_97, %add3A_98 : i32
      %lt3A_100 = arith.cmpi slt, %add3A_99, %select_n3A : i32
      %convert_element_type3A_101 = arith.extui %lt3A_100 : i1 to i32
      %cond3A_102 = arith.constant 0 : i32
      %cond3A_103 = arith.cmpi ne, %convert_element_type3A_101, %cond3A_102 : i32
      scf.if %cond3A_103 {
        %add3A_118 = arith.constant 1 : i32
        %add3A_119 = arith.addi %add3A_97, %add3A_118 : i32
        %add3A_120 = arith.addi %select_n3A_16, %add3A_119 : i32
        %dma_start3A_121 = arith.constant 0 : i32
        %dma_start3A_122 = tpu.memref_slice %arg5[%add3A_120, %dma_start3A_121] : memref<2560x128xi32, #tpu.memory_space<hbm>> -> memref<1x128xi32, #tpu.memory_space<hbm>>
        %dma_start3A_123 = tpu.memref_squeeze %dma_start3A_122 : memref<1x128xi32, #tpu.memory_space<hbm>> -> memref<128xi32, #tpu.memory_space<hbm>>
        %dma_start3A_124 = arith.constant 0 : i32
        %dma_start3A_125 = tpu.memref_slice %arg5[%add3A_120, %dma_start3A_124] : memref<2560x128xi32, #tpu.memory_space<hbm>> -> memref<1x128xi32, #tpu.memory_space<hbm>>
        %dma_start3A_126 = tpu.memref_squeeze %dma_start3A_125 : memref<1x128xi32, #tpu.memory_space<hbm>> -> memref<128xi32, #tpu.memory_space<hbm>>
        tpu.enqueue_dma source(%dma_start3A_126 : memref<128xi32, #tpu.memory_space<hbm>>) target(%arg9 : memref<128xi32, #tpu.memory_space<vmem>>) target_semaphore(%arg16 : memref<!tpu.dma_semaphore, #tpu.memory_space<semaphore_mem>>)
        %add3A_127 = arith.constant 1 : i32
        %add3A_128 = arith.addi %add3A_97, %add3A_127 : i32
        %dma_start3A_129 = arith.constant 0 : i32
        %dma_start3A_130 = tpu.memref_slice %arg8[%add3A_128, %dma_start3A_129] : memref<120x128xi32, #tpu.memory_space<vmem>> -> memref<1x128xi32, #tpu.memory_space<vmem>>
        %dma_start3A_131 = tpu.memref_squeeze %dma_start3A_130 : memref<1x128xi32, #tpu.memory_space<vmem>> -> memref<128xi32, #tpu.memory_space<vmem>>
        %dma_start3A_132 = arith.constant 0 : i32
        %dma_start3A_133 = arith.constant 0 : i32
        %dma_start3A_134 = tpu.memref_slice %arg2[%dma_start3A_132, %dma_start3A_133] : memref<10240x128xf32, #tpu.memory_space<hbm>> -> memref<10240x128xf32, #tpu.memory_space<hbm>>
        tpu.enqueue_indirect_dma source(%dma_start3A_134 : memref<10240x128xf32, #tpu.memory_space<hbm>>) target(%arg11 : memref<128x128xf32, #tpu.memory_space<vmem>>) offsets(%dma_start3A_131 : memref<128xi32, #tpu.memory_space<vmem>>) semaphore(%arg14 : memref<!tpu.dma_semaphore, #tpu.memory_space<semaphore_mem>>)
      } else {
      }
      %dma_wait3A_104 = arith.constant 0 : i32
      %dma_wait3A_105 = tpu.memref_slice %arg8[%add3A_97, %dma_wait3A_104] : memref<120x128xi32, #tpu.memory_space<vmem>> -> memref<1x128xi32, #tpu.memory_space<vmem>>
      %dma_wait3A_106 = tpu.memref_squeeze %dma_wait3A_105 : memref<1x128xi32, #tpu.memory_space<vmem>> -> memref<128xi32, #tpu.memory_space<vmem>>
      %dma_wait3A_107 = arith.constant 0 : i32
      %dma_wait3A_108 = arith.constant 0 : i32
      %dma_wait3A_109 = tpu.memref_slice %arg2[%dma_wait3A_107, %dma_wait3A_108] : memref<10240x128xf32, #tpu.memory_space<hbm>> -> memref<10240x128xf32, #tpu.memory_space<hbm>>
      tpu.wait_indirect_dma semaphore(%arg15 : memref<!tpu.dma_semaphore, #tpu.memory_space<semaphore_mem>>) src(%dma_wait3A_109 : memref<10240x128xf32, #tpu.memory_space<hbm>>) dst(%arg12 : memref<128x128xf32, #tpu.memory_space<vmem>>)
      %add3A_110 = arith.addi %select_n3A_16, %add3A_97 : i32
      %dma_wait3A_111 = arith.constant 0 : i32
      %dma_wait3A_112 = tpu.memref_slice %arg5[%add3A_110, %dma_wait3A_111] : memref<2560x128xi32, #tpu.memory_space<hbm>> -> memref<1x128xi32, #tpu.memory_space<hbm>>
      %dma_wait3A_113 = tpu.memref_squeeze %dma_wait3A_112 : memref<1x128xi32, #tpu.memory_space<hbm>> -> memref<128xi32, #tpu.memory_space<hbm>>
      %dma_wait3A_114 = arith.constant 0 : i32
      %dma_wait3A_115 = tpu.memref_slice %arg5[%add3A_110, %dma_wait3A_114] : memref<2560x128xi32, #tpu.memory_space<hbm>> -> memref<1x128xi32, #tpu.memory_space<hbm>>
      %dma_wait3A_116 = tpu.memref_squeeze %dma_wait3A_115 : memref<1x128xi32, #tpu.memory_space<hbm>> -> memref<128xi32, #tpu.memory_space<hbm>>
      tpu.wait_dma2 semaphore(%arg17 : memref<!tpu.dma_semaphore, #tpu.memory_space<semaphore_mem>>) src(%dma_wait3A_116 : memref<128xi32, #tpu.memory_space<hbm>>) dst(%arg10 : memref<128xi32, #tpu.memory_space<vmem>>)
      "tpu.region"() ({
        %run_scoped3A = tpu.sem_alloc : memref<!tpu.dma_semaphore, #tpu.memory_space<semaphore_mem>>
        %dma_start3A_118 = arith.constant 0 : i32
        %dma_start3A_119 = arith.constant 0 : i32
        %dma_start3A_120 = tpu.memref_slice %arg13[%dma_start3A_118, %dma_start3A_119] : memref<10240x128xf32, #tpu.memory_space<vmem_shared>> -> memref<10240x128xf32, #tpu.memory_space<vmem_shared>>
        tpu.enqueue_indirect_dma source(%arg12 : memref<128x128xf32, #tpu.memory_space<vmem>>) target(%dma_start3A_120 : memref<10240x128xf32, #tpu.memory_space<vmem_shared>>) offsets(%arg10 : memref<128xi32, #tpu.memory_space<vmem>>) semaphore(%run_scoped3A : memref<!tpu.dma_semaphore, #tpu.memory_space<semaphore_mem>>) {add = true}
        %dma_wait3A_121 = arith.constant 0 : i32
        %dma_wait3A_122 = arith.constant 0 : i32
        %dma_wait3A_123 = tpu.memref_slice %arg13[%dma_wait3A_121, %dma_wait3A_122] : memref<10240x128xf32, #tpu.memory_space<vmem_shared>> -> memref<10240x128xf32, #tpu.memory_space<vmem_shared>>
        tpu.wait_indirect_dma semaphore(%run_scoped3A : memref<!tpu.dma_semaphore, #tpu.memory_space<semaphore_mem>>) src(%arg12 : memref<128x128xf32, #tpu.memory_space<vmem>>) dst(%dma_wait3A_123 : memref<10240x128xf32, #tpu.memory_space<vmem_shared>>)
        tpu.yield
      }) : () -> ()
      %while3A_117 = arith.constant 0 : i32
      scf.yield %while3A_117 : i32
    }
    %barrier3A_60 = arith.constant 0 : index
    tpu.barrier barrier_id(%barrier3A_60)
    %eq3A_61 = arith.constant 0 : i32
    %eq3A_62 = arith.cmpi eq, %arg0, %eq3A_61 : i32
    %convert_element_type3A_63 = arith.extui %eq3A_62 : i1 to i32
    %cond3A_64 = arith.constant 0 : i32
    %cond3A_65 = arith.cmpi ne, %convert_element_type3A_63, %cond3A_64 : i32
    scf.if %cond3A_65 {
      %mul3A_71 = arith.constant 640 : i32
      %mul3A_72 = arith.muli %arg1, %mul3A_71 : i32
      %mul3A_73 = arith.constant 640 : i32
      %mul3A_74 = arith.muli %arg1, %mul3A_73 : i32
      "tpu.region"() ({
        %run_scoped3A = tpu.sem_alloc : memref<!tpu.dma_semaphore, #tpu.memory_space<semaphore_mem>>
        %dma_start3A_75 = arith.constant 0 : i32
        %dma_start3A_76 = tpu.memref_slice %arg6[%mul3A_74, %dma_start3A_75] : memref<10240x128xf32, #tpu.memory_space<hbm>> -> memref<640x128xf32, #tpu.memory_space<hbm>>
        %dma_start3A_77 = arith.constant 0 : i32
        %dma_start3A_78 = tpu.memref_slice %arg13[%mul3A_72, %dma_start3A_77] : memref<10240x128xf32, #tpu.memory_space<vmem_shared>> -> memref<640x128xf32, #tpu.memory_space<vmem_shared>>
        tpu.enqueue_dma source(%dma_start3A_78 : memref<640x128xf32, #tpu.memory_space<vmem_shared>>) target(%dma_start3A_76 : memref<640x128xf32, #tpu.memory_space<hbm>>) target_semaphore(%run_scoped3A : memref<!tpu.dma_semaphore, #tpu.memory_space<semaphore_mem>>)
        %dma_wait3A = arith.constant 0 : i32
        %dma_wait3A_79 = tpu.memref_slice %arg6[%mul3A_74, %dma_wait3A] : memref<10240x128xf32, #tpu.memory_space<hbm>> -> memref<640x128xf32, #tpu.memory_space<hbm>>
        %dma_wait3A_80 = arith.constant 0 : i32
        %dma_wait3A_81 = tpu.memref_slice %arg13[%mul3A_72, %dma_wait3A_80] : memref<10240x128xf32, #tpu.memory_space<vmem_shared>> -> memref<640x128xf32, #tpu.memory_space<vmem_shared>>
        tpu.wait_dma2 semaphore(%run_scoped3A : memref<!tpu.dma_semaphore, #tpu.memory_space<semaphore_mem>>) src(%dma_wait3A_81 : memref<640x128xf32, #tpu.memory_space<vmem_shared>>) dst(%dma_wait3A_79 : memref<640x128xf32, #tpu.memory_space<hbm>>)
        tpu.yield
      }) : () -> ()
    } else {
    }
    %eq3A_66 = arith.constant 1 : i32
    %eq3A_67 = arith.cmpi eq, %arg0, %eq3A_66 : i32
    %convert_element_type3A_68 = arith.extui %eq3A_67 : i1 to i32
    %cond3A_69 = arith.constant 0 : i32
    %cond3A_70 = arith.cmpi ne, %convert_element_type3A_68, %cond3A_69 : i32
    scf.if %cond3A_70 {
      %mul3A_71 = arith.constant 640 : i32
      %mul3A_72 = arith.muli %arg1, %mul3A_71 : i32
      %mul3A_73 = arith.constant 640 : i32
      %mul3A_74 = arith.muli %arg1, %mul3A_73 : i32
      "tpu.region"() ({
        %run_scoped3A = tpu.sem_alloc : memref<!tpu.dma_semaphore, #tpu.memory_space<semaphore_mem>>
        %dma_start3A_75 = arith.constant 0 : i32
        %dma_start3A_76 = tpu.memref_slice %arg7[%mul3A_74, %dma_start3A_75] : memref<10240x128xf32, #tpu.memory_space<hbm>> -> memref<640x128xf32, #tpu.memory_space<hbm>>
        %dma_start3A_77 = arith.constant 0 : i32
        %dma_start3A_78 = tpu.memref_slice %arg13[%mul3A_72, %dma_start3A_77] : memref<10240x128xf32, #tpu.memory_space<vmem_shared>> -> memref<640x128xf32, #tpu.memory_space<vmem_shared>>
        tpu.enqueue_dma source(%dma_start3A_78 : memref<640x128xf32, #tpu.memory_space<vmem_shared>>) target(%dma_start3A_76 : memref<640x128xf32, #tpu.memory_space<hbm>>) target_semaphore(%run_scoped3A : memref<!tpu.dma_semaphore, #tpu.memory_space<semaphore_mem>>)
        %dma_wait3A = arith.constant 0 : i32
        %dma_wait3A_79 = tpu.memref_slice %arg7[%mul3A_74, %dma_wait3A] : memref<10240x128xf32, #tpu.memory_space<hbm>> -> memref<640x128xf32, #tpu.memory_space<hbm>>
        %dma_wait3A_80 = arith.constant 0 : i32
        %dma_wait3A_81 = tpu.memref_slice %arg13[%mul3A_72, %dma_wait3A_80] : memref<10240x128xf32, #tpu.memory_space<vmem_shared>> -> memref<640x128xf32, #tpu.memory_space<vmem_shared>>
        tpu.wait_dma2 semaphore(%run_scoped3A : memref<!tpu.dma_semaphore, #tpu.memory_space<semaphore_mem>>) src(%dma_wait3A_81 : memref<640x128xf32, #tpu.memory_space<vmem_shared>>) dst(%dma_wait3A_79 : memref<640x128xf32, #tpu.memory_space<hbm>>)
        tpu.yield
      }) : () -> ()
    } else {
    }
    return
  }
}

#map = affine_map<(d0, d1) -> (0, 0)>
module attributes {stable_mosaic.version = 14 : i64} {
  func.func @_scalar_kernel(%arg0: i32, %arg1: i32, %arg2: memref<80x128xf32, #tpu.memory_space<hbm>>, %arg3: memref<2640x128xi32, #tpu.memory_space<hbm>>, %arg4: memref<2560x128xi32, #tpu.memory_space<hbm>>, %arg5: memref<80x128xf32, #tpu.memory_space<hbm>>, %arg6: memref<80x128xf32, #tpu.memory_space<hbm>>, %arg7: memref<80x128xi32, #tpu.memory_space<vmem>>, %arg8: memref<80x128xi32, #tpu.memory_space<vmem>>, %arg9: memref<80x128xf32, #tpu.memory_space<vmem>>, %arg10: memref<80x128xf32, #tpu.memory_space<vmem>>, %arg11: memref<80xi32, #tpu.memory_space<vmem>>, %arg12: memref<80x128xf32, #tpu.memory_space<vmem_shared>>) attributes {dimension_semantics = [#tpu.dimension_semantics<core_parallel>, #tpu.dimension_semantics<subcore_parallel>], iteration_bounds = array<i64: 2, 16>, scalar_prefetch = 0 : i64, scratch_operands = 6 : i64, tpu.core_type = #tpu.core_type<sc_vector_subcore>, window_params = [{transform_indices = #map}, {transform_indices = #map}, {transform_indices = #map}, {transform_indices = #map}, {transform_indices = #map}]} {
    %mul3A = arith.constant 2 : i32
    %mul3A_0 = arith.muli %arg1, %mul3A : i32
    %add3A = arith.addi %mul3A_0, %arg0 : i32
    %mul3A_1 = arith.constant 80 : i32
    %mul3A_2 = arith.muli %add3A, %mul3A_1 : i32
    "tpu.region"() ({
      %run_scoped3A = tpu.sem_alloc : memref<!tpu.dma_semaphore, #tpu.memory_space<semaphore_mem>>
      %dma_start3A = arith.constant 0 : i32
      %dma_start3A_67 = tpu.memref_slice %arg3[%mul3A_2, %dma_start3A] : memref<2640x128xi32, #tpu.memory_space<hbm>> -> memref<80x128xi32, #tpu.memory_space<hbm>>
      %dma_start3A_68 = arith.constant 0 : i32
      %dma_start3A_69 = tpu.memref_slice %arg3[%mul3A_2, %dma_start3A_68] : memref<2640x128xi32, #tpu.memory_space<hbm>> -> memref<80x128xi32, #tpu.memory_space<hbm>>
      tpu.enqueue_dma source(%dma_start3A_69 : memref<80x128xi32, #tpu.memory_space<hbm>>) target(%arg7 : memref<80x128xi32, #tpu.memory_space<vmem>>) target_semaphore(%run_scoped3A : memref<!tpu.dma_semaphore, #tpu.memory_space<semaphore_mem>>)
      %dma_wait3A = arith.constant 0 : i32
      %dma_wait3A_70 = tpu.memref_slice %arg3[%mul3A_2, %dma_wait3A] : memref<2640x128xi32, #tpu.memory_space<hbm>> -> memref<80x128xi32, #tpu.memory_space<hbm>>
      %dma_wait3A_71 = arith.constant 0 : i32
      %dma_wait3A_72 = tpu.memref_slice %arg3[%mul3A_2, %dma_wait3A_71] : memref<2640x128xi32, #tpu.memory_space<hbm>> -> memref<80x128xi32, #tpu.memory_space<hbm>>
      tpu.wait_dma2 semaphore(%run_scoped3A : memref<!tpu.dma_semaphore, #tpu.memory_space<semaphore_mem>>) src(%dma_wait3A_72 : memref<80x128xi32, #tpu.memory_space<hbm>>) dst(%arg7 : memref<80x128xi32, #tpu.memory_space<vmem>>)
      tpu.yield
    }) : () -> ()
    %mul3A_3 = arith.constant 80 : i32
    %mul3A_4 = arith.muli %add3A, %mul3A_3 : i32
    "tpu.region"() ({
      %run_scoped3A = tpu.sem_alloc : memref<!tpu.dma_semaphore, #tpu.memory_space<semaphore_mem>>
      %dma_start3A = arith.constant 0 : i32
      %dma_start3A_67 = tpu.memref_slice %arg4[%mul3A_4, %dma_start3A] : memref<2560x128xi32, #tpu.memory_space<hbm>> -> memref<80x128xi32, #tpu.memory_space<hbm>>
      %dma_start3A_68 = arith.constant 0 : i32
      %dma_start3A_69 = tpu.memref_slice %arg4[%mul3A_4, %dma_start3A_68] : memref<2560x128xi32, #tpu.memory_space<hbm>> -> memref<80x128xi32, #tpu.memory_space<hbm>>
      tpu.enqueue_dma source(%dma_start3A_69 : memref<80x128xi32, #tpu.memory_space<hbm>>) target(%arg8 : memref<80x128xi32, #tpu.memory_space<vmem>>) target_semaphore(%run_scoped3A : memref<!tpu.dma_semaphore, #tpu.memory_space<semaphore_mem>>)
      %dma_wait3A = arith.constant 0 : i32
      %dma_wait3A_70 = tpu.memref_slice %arg4[%mul3A_4, %dma_wait3A] : memref<2560x128xi32, #tpu.memory_space<hbm>> -> memref<80x128xi32, #tpu.memory_space<hbm>>
      %dma_wait3A_71 = arith.constant 0 : i32
      %dma_wait3A_72 = tpu.memref_slice %arg4[%mul3A_4, %dma_wait3A_71] : memref<2560x128xi32, #tpu.memory_space<hbm>> -> memref<80x128xi32, #tpu.memory_space<hbm>>
      tpu.wait_dma2 semaphore(%run_scoped3A : memref<!tpu.dma_semaphore, #tpu.memory_space<semaphore_mem>>) src(%dma_wait3A_72 : memref<80x128xi32, #tpu.memory_space<hbm>>) dst(%arg8 : memref<80x128xi32, #tpu.memory_space<vmem>>)
      tpu.yield
    }) : () -> ()
    "tpu.region"() ({
      %run_scoped3A = tpu.sem_alloc : memref<!tpu.dma_semaphore, #tpu.memory_space<semaphore_mem>>
      tpu.enqueue_dma source(%arg2 : memref<80x128xf32, #tpu.memory_space<hbm>>) target(%arg9 : memref<80x128xf32, #tpu.memory_space<vmem>>) target_semaphore(%run_scoped3A : memref<!tpu.dma_semaphore, #tpu.memory_space<semaphore_mem>>)
      tpu.wait_dma2 semaphore(%run_scoped3A : memref<!tpu.dma_semaphore, #tpu.memory_space<semaphore_mem>>) src(%arg2 : memref<80x128xf32, #tpu.memory_space<hbm>>) dst(%arg9 : memref<80x128xf32, #tpu.memory_space<vmem>>)
      tpu.yield
    }) : () -> ()
    %scan3A = arith.constant 0 : i32
    %scan3A_5 = arith.constant 0 : i32
    %scan3A_6 = arith.constant 80 : i32
    %scan3A_7 = arith.addi %scan3A_5, %scan3A_6 : i32
    %scan3A_8 = arith.constant 1 : i32
    %scan3A_9 = scf.for %scan3A_67 = %scan3A_5 to %scan3A_7 step %scan3A_8 iter_args(%scan3A_68 = %scan3A) -> (i32)  : i32 {
      %broadcast_in_dim3A = arith.constant 0.000000e+00 : f32
      %broadcast_in_dim3A_69 = vector.broadcast %broadcast_in_dim3A : f32 to vector<16xf32>
      %swap3A_70 = arith.index_cast %scan3A_67 : i32 to index
      %swap3A_71 = arith.constant 0 : index
      %swap3A_72 = tpu.vector_load %arg10[%swap3A_70, %swap3A_71] {strides = array<i32>} : memref<80x128xf32, #tpu.memory_space<vmem>>, vector<16xf32>,
      tpu.vector_store %arg10[%swap3A_70, %swap3A_71], %broadcast_in_dim3A_69 {strides = array<i32>} : memref<80x128xf32, #tpu.memory_space<vmem>>, vector<16xf32>,
      %broadcast_in_dim3A_73 = arith.constant 0.000000e+00 : f32
      %broadcast_in_dim3A_74 = vector.broadcast %broadcast_in_dim3A_73 : f32 to vector<16xf32>
      %swap3A_75 = arith.index_cast %scan3A_67 : i32 to index
      %swap3A_76 = arith.constant 16 : index
      %swap3A_77 = tpu.vector_load %arg10[%swap3A_75, %swap3A_76] {strides = array<i32>} : memref<80x128xf32, #tpu.memory_space<vmem>>, vector<16xf32>,
      tpu.vector_store %arg10[%swap3A_75, %swap3A_76], %broadcast_in_dim3A_74 {strides = array<i32>} : memref<80x128xf32, #tpu.memory_space<vmem>>, vector<16xf32>,
      %broadcast_in_dim3A_78 = arith.constant 0.000000e+00 : f32
      %broadcast_in_dim3A_79 = vector.broadcast %broadcast_in_dim3A_78 : f32 to vector<16xf32>
      %swap3A_80 = arith.index_cast %scan3A_67 : i32 to index
      %swap3A_81 = arith.constant 32 : index
      %swap3A_82 = tpu.vector_load %arg10[%swap3A_80, %swap3A_81] {strides = array<i32>} : memref<80x128xf32, #tpu.memory_space<vmem>>, vector<16xf32>,
      tpu.vector_store %arg10[%swap3A_80, %swap3A_81], %broadcast_in_dim3A_79 {strides = array<i32>} : memref<80x128xf32, #tpu.memory_space<vmem>>, vector<16xf32>,
      %broadcast_in_dim3A_83 = arith.constant 0.000000e+00 : f32
      %broadcast_in_dim3A_84 = vector.broadcast %broadcast_in_dim3A_83 : f32 to vector<16xf32>
      %swap3A_85 = arith.index_cast %scan3A_67 : i32 to index
      %swap3A_86 = arith.constant 48 : index
      %swap3A_87 = tpu.vector_load %arg10[%swap3A_85, %swap3A_86] {strides = array<i32>} : memref<80x128xf32, #tpu.memory_space<vmem>>, vector<16xf32>,
      tpu.vector_store %arg10[%swap3A_85, %swap3A_86], %broadcast_in_dim3A_84 {strides = array<i32>} : memref<80x128xf32, #tpu.memory_space<vmem>>, vector<16xf32>,
      %broadcast_in_dim3A_88 = arith.constant 0.000000e+00 : f32
      %broadcast_in_dim3A_89 = vector.broadcast %broadcast_in_dim3A_88 : f32 to vector<16xf32>
      %swap3A_90 = arith.index_cast %scan3A_67 : i32 to index
      %swap3A_91 = arith.constant 64 : index
      %swap3A_92 = tpu.vector_load %arg10[%swap3A_90, %swap3A_91] {strides = array<i32>} : memref<80x128xf32, #tpu.memory_space<vmem>>, vector<16xf32>,
      tpu.vector_store %arg10[%swap3A_90, %swap3A_91], %broadcast_in_dim3A_89 {strides = array<i32>} : memref<80x128xf32, #tpu.memory_space<vmem>>, vector<16xf32>,
      %broadcast_in_dim3A_93 = arith.constant 0.000000e+00 : f32
      %broadcast_in_dim3A_94 = vector.broadcast %broadcast_in_dim3A_93 : f32 to vector<16xf32>
      %swap3A_95 = arith.index_cast %scan3A_67 : i32 to index
      %swap3A_96 = arith.constant 80 : index
      %swap3A_97 = tpu.vector_load %arg10[%swap3A_95, %swap3A_96] {strides = array<i32>} : memref<80x128xf32, #tpu.memory_space<vmem>>, vector<16xf32>,
      tpu.vector_store %arg10[%swap3A_95, %swap3A_96], %broadcast_in_dim3A_94 {strides = array<i32>} : memref<80x128xf32, #tpu.memory_space<vmem>>, vector<16xf32>,
      %broadcast_in_dim3A_98 = arith.constant 0.000000e+00 : f32
      %broadcast_in_dim3A_99 = vector.broadcast %broadcast_in_dim3A_98 : f32 to vector<16xf32>
      %swap3A_100 = arith.index_cast %scan3A_67 : i32 to index
      %swap3A_101 = arith.constant 96 : index
      %swap3A_102 = tpu.vector_load %arg10[%swap3A_100, %swap3A_101] {strides = array<i32>} : memref<80x128xf32, #tpu.memory_space<vmem>>, vector<16xf32>,
      tpu.vector_store %arg10[%swap3A_100, %swap3A_101], %broadcast_in_dim3A_99 {strides = array<i32>} : memref<80x128xf32, #tpu.memory_space<vmem>>, vector<16xf32>,
      %broadcast_in_dim3A_103 = arith.constant 0.000000e+00 : f32
      %broadcast_in_dim3A_104 = vector.broadcast %broadcast_in_dim3A_103 : f32 to vector<16xf32>
      %swap3A_105 = arith.index_cast %scan3A_67 : i32 to index
      %swap3A_106 = arith.constant 112 : index
      %swap3A_107 = tpu.vector_load %arg10[%swap3A_105, %swap3A_106] {strides = array<i32>} : memref<80x128xf32, #tpu.memory_space<vmem>>, vector<16xf32>,
      tpu.vector_store %arg10[%swap3A_105, %swap3A_106], %broadcast_in_dim3A_104 {strides = array<i32>} : memref<80x128xf32, #tpu.memory_space<vmem>>, vector<16xf32>,
      %scan3A_108 = arith.constant 0 : i32
      scf.yield %scan3A_108 : i32
    }
    %scan3A_10 = arith.constant 80 : i32
    %scan3A_11 = arith.constant 0 : i32
    %scan3A_12 = arith.constant 0 : i32
    %scan3A_13 = arith.constant 80 : i32
    %scan3A_14 = arith.addi %scan3A_12, %scan3A_13 : i32
    %scan3A_15 = arith.constant 1 : i32
    %scan3A_16 = scf.for %scan3A_67 = %scan3A_12 to %scan3A_14 step %scan3A_15 iter_args(%scan3A_68 = %scan3A_11) -> (i32)  : i32 {
      %get3A = arith.index_cast %scan3A_67 : i32 to index
      %get3A_69 = arith.constant 0 : index
      %get3A_70 = tpu.vector_load %arg7[%get3A, %get3A_69] {strides = array<i32>} : memref<80x128xi32, #tpu.memory_space<vmem>>, vector<16xi32>,
      %get3A_71 = arith.index_cast %scan3A_67 : i32 to index
      %get3A_72 = arith.constant 0 : index
      %get3A_73 = tpu.vector_load %arg8[%get3A_71, %get3A_72] {strides = array<i32>} : memref<80x128xi32, #tpu.memory_space<vmem>>, vector<16xi32>,
      %shift_right_arithmetic3A = arith.constant 7 : i32
      %shift_right_arithmetic3A_74 = vector.broadcast %shift_right_arithmetic3A : i32 to vector<16xi32>
      %shift_right_arithmetic3A_75 = arith.shrsi %get3A_70, %shift_right_arithmetic3A_74 : vector<16xi32>
      %and3A_76 = arith.constant 127 : i32
      %and3A_77 = vector.broadcast %and3A_76 : i32 to vector<16xi32>
      %and3A_78 = arith.andi %get3A_70, %and3A_77 : vector<16xi32>
      %gather3A = tpu.vector_load_idx %arg9[%shift_right_arithmetic3A_75, %and3A_78] : memref<80x128xf32, #tpu.memory_space<vmem>>[vector<16xi32>, vector<16xi32>], vector<16xf32>,
      %shift_right_arithmetic3A_79 = arith.constant 7 : i32
      %shift_right_arithmetic3A_80 = vector.broadcast %shift_right_arithmetic3A_79 : i32 to vector<16xi32>
      %shift_right_arithmetic3A_81 = arith.shrsi %get3A_73, %shift_right_arithmetic3A_80 : vector<16xi32>
      %and3A_82 = arith.constant 127 : i32
      %and3A_83 = vector.broadcast %and3A_82 : i32 to vector<16xi32>
      %and3A_84 = arith.andi %get3A_73, %and3A_83 : vector<16xi32>
      tpu.vector_store_idx %arg10[%shift_right_arithmetic3A_81, %and3A_84], %gather3A {add = true} : memref<80x128xf32, #tpu.memory_space<vmem>>[vector<16xi32>, vector<16xi32>], vector<16xf32>,
      %get3A_85 = arith.index_cast %scan3A_67 : i32 to index
      %get3A_86 = arith.constant 16 : index
      %get3A_87 = tpu.vector_load %arg7[%get3A_85, %get3A_86] {strides = array<i32>} : memref<80x128xi32, #tpu.memory_space<vmem>>, vector<16xi32>,
      %get3A_88 = arith.index_cast %scan3A_67 : i32 to index
      %get3A_89 = arith.constant 16 : index
      %get3A_90 = tpu.vector_load %arg8[%get3A_88, %get3A_89] {strides = array<i32>} : memref<80x128xi32, #tpu.memory_space<vmem>>, vector<16xi32>,
      %shift_right_arithmetic3A_91 = arith.constant 7 : i32
      %shift_right_arithmetic3A_92 = vector.broadcast %shift_right_arithmetic3A_91 : i32 to vector<16xi32>
      %shift_right_arithmetic3A_93 = arith.shrsi %get3A_87, %shift_right_arithmetic3A_92 : vector<16xi32>
      %and3A_94 = arith.constant 127 : i32
      %and3A_95 = vector.broadcast %and3A_94 : i32 to vector<16xi32>
      %and3A_96 = arith.andi %get3A_87, %and3A_95 : vector<16xi32>
      %gather3A_97 = tpu.vector_load_idx %arg9[%shift_right_arithmetic3A_93, %and3A_96] : memref<80x128xf32, #tpu.memory_space<vmem>>[vector<16xi32>, vector<16xi32>], vector<16xf32>,
      %shift_right_arithmetic3A_98 = arith.constant 7 : i32
      %shift_right_arithmetic3A_99 = vector.broadcast %shift_right_arithmetic3A_98 : i32 to vector<16xi32>
      %shift_right_arithmetic3A_100 = arith.shrsi %get3A_90, %shift_right_arithmetic3A_99 : vector<16xi32>
      %and3A_101 = arith.constant 127 : i32
      %and3A_102 = vector.broadcast %and3A_101 : i32 to vector<16xi32>
      %and3A_103 = arith.andi %get3A_90, %and3A_102 : vector<16xi32>
      tpu.vector_store_idx %arg10[%shift_right_arithmetic3A_100, %and3A_103], %gather3A_97 {add = true} : memref<80x128xf32, #tpu.memory_space<vmem>>[vector<16xi32>, vector<16xi32>], vector<16xf32>,
      %get3A_104 = arith.index_cast %scan3A_67 : i32 to index
      %get3A_105 = arith.constant 32 : index
      %get3A_106 = tpu.vector_load %arg7[%get3A_104, %get3A_105] {strides = array<i32>} : memref<80x128xi32, #tpu.memory_space<vmem>>, vector<16xi32>,
      %get3A_107 = arith.index_cast %scan3A_67 : i32 to index
      %get3A_108 = arith.constant 32 : index
      %get3A_109 = tpu.vector_load %arg8[%get3A_107, %get3A_108] {strides = array<i32>} : memref<80x128xi32, #tpu.memory_space<vmem>>, vector<16xi32>,
      %shift_right_arithmetic3A_110 = arith.constant 7 : i32
      %shift_right_arithmetic3A_111 = vector.broadcast %shift_right_arithmetic3A_110 : i32 to vector<16xi32>
      %shift_right_arithmetic3A_112 = arith.shrsi %get3A_106, %shift_right_arithmetic3A_111 : vector<16xi32>
      %and3A_113 = arith.constant 127 : i32
      %and3A_114 = vector.broadcast %and3A_113 : i32 to vector<16xi32>
      %and3A_115 = arith.andi %get3A_106, %and3A_114 : vector<16xi32>
      %gather3A_116 = tpu.vector_load_idx %arg9[%shift_right_arithmetic3A_112, %and3A_115] : memref<80x128xf32, #tpu.memory_space<vmem>>[vector<16xi32>, vector<16xi32>], vector<16xf32>,
      %shift_right_arithmetic3A_117 = arith.constant 7 : i32
      %shift_right_arithmetic3A_118 = vector.broadcast %shift_right_arithmetic3A_117 : i32 to vector<16xi32>
      %shift_right_arithmetic3A_119 = arith.shrsi %get3A_109, %shift_right_arithmetic3A_118 : vector<16xi32>
      %and3A_120 = arith.constant 127 : i32
      %and3A_121 = vector.broadcast %and3A_120 : i32 to vector<16xi32>
      %and3A_122 = arith.andi %get3A_109, %and3A_121 : vector<16xi32>
      tpu.vector_store_idx %arg10[%shift_right_arithmetic3A_119, %and3A_122], %gather3A_116 {add = true} : memref<80x128xf32, #tpu.memory_space<vmem>>[vector<16xi32>, vector<16xi32>], vector<16xf32>,
      %get3A_123 = arith.index_cast %scan3A_67 : i32 to index
      %get3A_124 = arith.constant 48 : index
      %get3A_125 = tpu.vector_load %arg7[%get3A_123, %get3A_124] {strides = array<i32>} : memref<80x128xi32, #tpu.memory_space<vmem>>, vector<16xi32>,
      %get3A_126 = arith.index_cast %scan3A_67 : i32 to index
      %get3A_127 = arith.constant 48 : index
      %get3A_128 = tpu.vector_load %arg8[%get3A_126, %get3A_127] {strides = array<i32>} : memref<80x128xi32, #tpu.memory_space<vmem>>, vector<16xi32>,
      %shift_right_arithmetic3A_129 = arith.constant 7 : i32
      %shift_right_arithmetic3A_130 = vector.broadcast %shift_right_arithmetic3A_129 : i32 to vector<16xi32>
      %shift_right_arithmetic3A_131 = arith.shrsi %get3A_125, %shift_right_arithmetic3A_130 : vector<16xi32>
      %and3A_132 = arith.constant 127 : i32
      %and3A_133 = vector.broadcast %and3A_132 : i32 to vector<16xi32>
      %and3A_134 = arith.andi %get3A_125, %and3A_133 : vector<16xi32>
      %gather3A_135 = tpu.vector_load_idx %arg9[%shift_right_arithmetic3A_131, %and3A_134] : memref<80x128xf32, #tpu.memory_space<vmem>>[vector<16xi32>, vector<16xi32>], vector<16xf32>,
      %shift_right_arithmetic3A_136 = arith.constant 7 : i32
      %shift_right_arithmetic3A_137 = vector.broadcast %shift_right_arithmetic3A_136 : i32 to vector<16xi32>
      %shift_right_arithmetic3A_138 = arith.shrsi %get3A_128, %shift_right_arithmetic3A_137 : vector<16xi32>
      %and3A_139 = arith.constant 127 : i32
      %and3A_140 = vector.broadcast %and3A_139 : i32 to vector<16xi32>
      %and3A_141 = arith.andi %get3A_128, %and3A_140 : vector<16xi32>
      tpu.vector_store_idx %arg10[%shift_right_arithmetic3A_138, %and3A_141], %gather3A_135 {add = true} : memref<80x128xf32, #tpu.memory_space<vmem>>[vector<16xi32>, vector<16xi32>], vector<16xf32>,
      %get3A_142 = arith.index_cast %scan3A_67 : i32 to index
      %get3A_143 = arith.constant 64 : index
      %get3A_144 = tpu.vector_load %arg7[%get3A_142, %get3A_143] {strides = array<i32>} : memref<80x128xi32, #tpu.memory_space<vmem>>, vector<16xi32>,
      %get3A_145 = arith.index_cast %scan3A_67 : i32 to index
      %get3A_146 = arith.constant 64 : index
      %get3A_147 = tpu.vector_load %arg8[%get3A_145, %get3A_146] {strides = array<i32>} : memref<80x128xi32, #tpu.memory_space<vmem>>, vector<16xi32>,
      %shift_right_arithmetic3A_148 = arith.constant 7 : i32
      %shift_right_arithmetic3A_149 = vector.broadcast %shift_right_arithmetic3A_148 : i32 to vector<16xi32>
      %shift_right_arithmetic3A_150 = arith.shrsi %get3A_144, %shift_right_arithmetic3A_149 : vector<16xi32>
      %and3A_151 = arith.constant 127 : i32
      %and3A_152 = vector.broadcast %and3A_151 : i32 to vector<16xi32>
      %and3A_153 = arith.andi %get3A_144, %and3A_152 : vector<16xi32>
      %gather3A_154 = tpu.vector_load_idx %arg9[%shift_right_arithmetic3A_150, %and3A_153] : memref<80x128xf32, #tpu.memory_space<vmem>>[vector<16xi32>, vector<16xi32>], vector<16xf32>,
      %shift_right_arithmetic3A_155 = arith.constant 7 : i32
      %shift_right_arithmetic3A_156 = vector.broadcast %shift_right_arithmetic3A_155 : i32 to vector<16xi32>
      %shift_right_arithmetic3A_157 = arith.shrsi %get3A_147, %shift_right_arithmetic3A_156 : vector<16xi32>
      %and3A_158 = arith.constant 127 : i32
      %and3A_159 = vector.broadcast %and3A_158 : i32 to vector<16xi32>
      %and3A_160 = arith.andi %get3A_147, %and3A_159 : vector<16xi32>
      tpu.vector_store_idx %arg10[%shift_right_arithmetic3A_157, %and3A_160], %gather3A_154 {add = true} : memref<80x128xf32, #tpu.memory_space<vmem>>[vector<16xi32>, vector<16xi32>], vector<16xf32>,
      %get3A_161 = arith.index_cast %scan3A_67 : i32 to index
      %get3A_162 = arith.constant 80 : index
      %get3A_163 = tpu.vector_load %arg7[%get3A_161, %get3A_162] {strides = array<i32>} : memref<80x128xi32, #tpu.memory_space<vmem>>, vector<16xi32>,
      %get3A_164 = arith.index_cast %scan3A_67 : i32 to index
      %get3A_165 = arith.constant 80 : index
      %get3A_166 = tpu.vector_load %arg8[%get3A_164, %get3A_165] {strides = array<i32>} : memref<80x128xi32, #tpu.memory_space<vmem>>, vector<16xi32>,
      %shift_right_arithmetic3A_167 = arith.constant 7 : i32
      %shift_right_arithmetic3A_168 = vector.broadcast %shift_right_arithmetic3A_167 : i32 to vector<16xi32>
      %shift_right_arithmetic3A_169 = arith.shrsi %get3A_163, %shift_right_arithmetic3A_168 : vector<16xi32>
      %and3A_170 = arith.constant 127 : i32
      %and3A_171 = vector.broadcast %and3A_170 : i32 to vector<16xi32>
      %and3A_172 = arith.andi %get3A_163, %and3A_171 : vector<16xi32>
      %gather3A_173 = tpu.vector_load_idx %arg9[%shift_right_arithmetic3A_169, %and3A_172] : memref<80x128xf32, #tpu.memory_space<vmem>>[vector<16xi32>, vector<16xi32>], vector<16xf32>,
      %shift_right_arithmetic3A_174 = arith.constant 7 : i32
      %shift_right_arithmetic3A_175 = vector.broadcast %shift_right_arithmetic3A_174 : i32 to vector<16xi32>
      %shift_right_arithmetic3A_176 = arith.shrsi %get3A_166, %shift_right_arithmetic3A_175 : vector<16xi32>
      %and3A_177 = arith.constant 127 : i32
      %and3A_178 = vector.broadcast %and3A_177 : i32 to vector<16xi32>
      %and3A_179 = arith.andi %get3A_166, %and3A_178 : vector<16xi32>
      tpu.vector_store_idx %arg10[%shift_right_arithmetic3A_176, %and3A_179], %gather3A_173 {add = true} : memref<80x128xf32, #tpu.memory_space<vmem>>[vector<16xi32>, vector<16xi32>], vector<16xf32>,
      %get3A_180 = arith.index_cast %scan3A_67 : i32 to index
      %get3A_181 = arith.constant 96 : index
      %get3A_182 = tpu.vector_load %arg7[%get3A_180, %get3A_181] {strides = array<i32>} : memref<80x128xi32, #tpu.memory_space<vmem>>, vector<16xi32>,
      %get3A_183 = arith.index_cast %scan3A_67 : i32 to index
      %get3A_184 = arith.constant 96 : index
      %get3A_185 = tpu.vector_load %arg8[%get3A_183, %get3A_184] {strides = array<i32>} : memref<80x128xi32, #tpu.memory_space<vmem>>, vector<16xi32>,
      %shift_right_arithmetic3A_186 = arith.constant 7 : i32
      %shift_right_arithmetic3A_187 = vector.broadcast %shift_right_arithmetic3A_186 : i32 to vector<16xi32>
      %shift_right_arithmetic3A_188 = arith.shrsi %get3A_182, %shift_right_arithmetic3A_187 : vector<16xi32>
      %and3A_189 = arith.constant 127 : i32
      %and3A_190 = vector.broadcast %and3A_189 : i32 to vector<16xi32>
      %and3A_191 = arith.andi %get3A_182, %and3A_190 : vector<16xi32>
      %gather3A_192 = tpu.vector_load_idx %arg9[%shift_right_arithmetic3A_188, %and3A_191] : memref<80x128xf32, #tpu.memory_space<vmem>>[vector<16xi32>, vector<16xi32>], vector<16xf32>,
      %shift_right_arithmetic3A_193 = arith.constant 7 : i32
      %shift_right_arithmetic3A_194 = vector.broadcast %shift_right_arithmetic3A_193 : i32 to vector<16xi32>
      %shift_right_arithmetic3A_195 = arith.shrsi %get3A_185, %shift_right_arithmetic3A_194 : vector<16xi32>
      %and3A_196 = arith.constant 127 : i32
      %and3A_197 = vector.broadcast %and3A_196 : i32 to vector<16xi32>
      %and3A_198 = arith.andi %get3A_185, %and3A_197 : vector<16xi32>
      tpu.vector_store_idx %arg10[%shift_right_arithmetic3A_195, %and3A_198], %gather3A_192 {add = true} : memref<80x128xf32, #tpu.memory_space<vmem>>[vector<16xi32>, vector<16xi32>], vector<16xf32>,
      %get3A_199 = arith.index_cast %scan3A_67 : i32 to index
      %get3A_200 = arith.constant 112 : index
      %get3A_201 = tpu.vector_load %arg7[%get3A_199, %get3A_200] {strides = array<i32>} : memref<80x128xi32, #tpu.memory_space<vmem>>, vector<16xi32>,
      %get3A_202 = arith.index_cast %scan3A_67 : i32 to index
      %get3A_203 = arith.constant 112 : index
      %get3A_204 = tpu.vector_load %arg8[%get3A_202, %get3A_203] {strides = array<i32>} : memref<80x128xi32, #tpu.memory_space<vmem>>, vector<16xi32>,
      %shift_right_arithmetic3A_205 = arith.constant 7 : i32
      %shift_right_arithmetic3A_206 = vector.broadcast %shift_right_arithmetic3A_205 : i32 to vector<16xi32>
      %shift_right_arithmetic3A_207 = arith.shrsi %get3A_201, %shift_right_arithmetic3A_206 : vector<16xi32>
      %and3A_208 = arith.constant 127 : i32
      %and3A_209 = vector.broadcast %and3A_208 : i32 to vector<16xi32>
      %and3A_210 = arith.andi %get3A_201, %and3A_209 : vector<16xi32>
      %gather3A_211 = tpu.vector_load_idx %arg9[%shift_right_arithmetic3A_207, %and3A_210] : memref<80x128xf32, #tpu.memory_space<vmem>>[vector<16xi32>, vector<16xi32>], vector<16xf32>,
      %shift_right_arithmetic3A_212 = arith.constant 7 : i32
      %shift_right_arithmetic3A_213 = vector.broadcast %shift_right_arithmetic3A_212 : i32 to vector<16xi32>
      %shift_right_arithmetic3A_214 = arith.shrsi %get3A_204, %shift_right_arithmetic3A_213 : vector<16xi32>
      %and3A_215 = arith.constant 127 : i32
      %and3A_216 = vector.broadcast %and3A_215 : i32 to vector<16xi32>
      %and3A_217 = arith.andi %get3A_204, %and3A_216 : vector<16xi32>
      tpu.vector_store_idx %arg10[%shift_right_arithmetic3A_214, %and3A_217], %gather3A_211 {add = true} : memref<80x128xf32, #tpu.memory_space<vmem>>[vector<16xi32>, vector<16xi32>], vector<16xf32>,
      %scan3A_218 = arith.constant 0 : i32
      scf.yield %scan3A_218 : i32
    }
    %scan3A_17 = arith.constant 80 : i32
    %iota3A = tpu.iota {dimensions = array<i32: 0>} : vector<16xi32>
    %add3A_18 = arith.constant 0 : i32
    %add3A_19 = vector.broadcast %add3A_18 : i32 to vector<16xi32>
    %add3A_20 = arith.addi %iota3A, %add3A_19 : vector<16xi32>
    %swap3A = arith.constant 0 : index
    %swap3A_21 = tpu.vector_load %arg11[%swap3A] {strides = array<i32>} : memref<80xi32, #tpu.memory_space<vmem>>, vector<16xi32>,
    tpu.vector_store %arg11[%swap3A], %add3A_20 {strides = array<i32>} : memref<80xi32, #tpu.memory_space<vmem>>, vector<16xi32>,
    %iota3A_22 = tpu.iota {dimensions = array<i32: 0>} : vector<16xi32>
    %add3A_23 = arith.constant 16 : i32
    %add3A_24 = vector.broadcast %add3A_23 : i32 to vector<16xi32>
    %add3A_25 = arith.addi %iota3A_22, %add3A_24 : vector<16xi32>
    %swap3A_26 = arith.constant 16 : index
    %swap3A_27 = tpu.vector_load %arg11[%swap3A_26] {strides = array<i32>} : memref<80xi32, #tpu.memory_space<vmem>>, vector<16xi32>,
    tpu.vector_store %arg11[%swap3A_26], %add3A_25 {strides = array<i32>} : memref<80xi32, #tpu.memory_space<vmem>>, vector<16xi32>,
    %iota3A_28 = tpu.iota {dimensions = array<i32: 0>} : vector<16xi32>
    %add3A_29 = arith.constant 32 : i32
    %add3A_30 = vector.broadcast %add3A_29 : i32 to vector<16xi32>
    %add3A_31 = arith.addi %iota3A_28, %add3A_30 : vector<16xi32>
    %swap3A_32 = arith.constant 32 : index
    %swap3A_33 = tpu.vector_load %arg11[%swap3A_32] {strides = array<i32>} : memref<80xi32, #tpu.memory_space<vmem>>, vector<16xi32>,
    tpu.vector_store %arg11[%swap3A_32], %add3A_31 {strides = array<i32>} : memref<80xi32, #tpu.memory_space<vmem>>, vector<16xi32>,
    %iota3A_34 = tpu.iota {dimensions = array<i32: 0>} : vector<16xi32>
    %add3A_35 = arith.constant 48 : i32
    %add3A_36 = vector.broadcast %add3A_35 : i32 to vector<16xi32>
    %add3A_37 = arith.addi %iota3A_34, %add3A_36 : vector<16xi32>
    %swap3A_38 = arith.constant 48 : index
    %swap3A_39 = tpu.vector_load %arg11[%swap3A_38] {strides = array<i32>} : memref<80xi32, #tpu.memory_space<vmem>>, vector<16xi32>,
    tpu.vector_store %arg11[%swap3A_38], %add3A_37 {strides = array<i32>} : memref<80xi32, #tpu.memory_space<vmem>>, vector<16xi32>,
    %iota3A_40 = tpu.iota {dimensions = array<i32: 0>} : vector<16xi32>
    %add3A_41 = arith.constant 64 : i32
    %add3A_42 = vector.broadcast %add3A_41 : i32 to vector<16xi32>
    %add3A_43 = arith.addi %iota3A_40, %add3A_42 : vector<16xi32>
    %swap3A_44 = arith.constant 64 : index
    %swap3A_45 = tpu.vector_load %arg11[%swap3A_44] {strides = array<i32>} : memref<80xi32, #tpu.memory_space<vmem>>, vector<16xi32>,
    tpu.vector_store %arg11[%swap3A_44], %add3A_43 {strides = array<i32>} : memref<80xi32, #tpu.memory_space<vmem>>, vector<16xi32>,
    %eq3A = arith.constant 0 : i32
    %eq3A_46 = arith.cmpi eq, %arg1, %eq3A : i32
    %convert_element_type3A = arith.extui %eq3A_46 : i1 to i32
    %cond3A = arith.constant 0 : i32
    %cond3A_47 = arith.cmpi ne, %convert_element_type3A, %cond3A : i32
    scf.if %cond3A_47 {
      "tpu.region"() ({
        %run_scoped3A = tpu.sem_alloc : memref<!tpu.dma_semaphore, #tpu.memory_space<semaphore_mem>>
        tpu.enqueue_dma source(%arg10 : memref<80x128xf32, #tpu.memory_space<vmem>>) target(%arg12 : memref<80x128xf32, #tpu.memory_space<vmem_shared>>) target_semaphore(%run_scoped3A : memref<!tpu.dma_semaphore, #tpu.memory_space<semaphore_mem>>)
        tpu.wait_dma2 semaphore(%run_scoped3A : memref<!tpu.dma_semaphore, #tpu.memory_space<semaphore_mem>>) src(%arg10 : memref<80x128xf32, #tpu.memory_space<vmem>>) dst(%arg12 : memref<80x128xf32, #tpu.memory_space<vmem_shared>>)
        tpu.yield
      }) : () -> ()
    } else {
    }
    %barrier3A = arith.constant 0 : index
    tpu.barrier barrier_id(%barrier3A)
    %ne3A = arith.constant 0 : i32
    %ne3A_48 = arith.cmpi ne, %arg1, %ne3A : i32
    %convert_element_type3A_49 = arith.extui %ne3A_48 : i1 to i32
    %cond3A_50 = arith.constant 0 : i32
    %cond3A_51 = arith.cmpi ne, %convert_element_type3A_49, %cond3A_50 : i32
    scf.if %cond3A_51 {
      "tpu.region"() ({
        %run_scoped3A = tpu.sem_alloc : memref<!tpu.dma_semaphore, #tpu.memory_space<semaphore_mem>>
        %dma_start3A = arith.constant 0 : i32
        %dma_start3A_67 = arith.constant 0 : i32
        %dma_start3A_68 = tpu.memref_slice %arg12[%dma_start3A, %dma_start3A_67] : memref<80x128xf32, #tpu.memory_space<vmem_shared>> -> memref<80x128xf32, #tpu.memory_space<vmem_shared>>
        tpu.enqueue_indirect_dma source(%arg10 : memref<80x128xf32, #tpu.memory_space<vmem>>) target(%dma_start3A_68 : memref<80x128xf32, #tpu.memory_space<vmem_shared>>) offsets(%arg11 : memref<80xi32, #tpu.memory_space<vmem>>) semaphore(%run_scoped3A : memref<!tpu.dma_semaphore, #tpu.memory_space<semaphore_mem>>) {add = true}
        %dma_wait3A = arith.constant 0 : i32
        %dma_wait3A_69 = arith.constant 0 : i32
        %dma_wait3A_70 = tpu.memref_slice %arg12[%dma_wait3A, %dma_wait3A_69] : memref<80x128xf32, #tpu.memory_space<vmem_shared>> -> memref<80x128xf32, #tpu.memory_space<vmem_shared>>
        tpu.wait_indirect_dma semaphore(%run_scoped3A : memref<!tpu.dma_semaphore, #tpu.memory_space<semaphore_mem>>) src(%arg10 : memref<80x128xf32, #tpu.memory_space<vmem>>) dst(%dma_wait3A_70 : memref<80x128xf32, #tpu.memory_space<vmem_shared>>)
        tpu.yield
      }) : () -> ()
    } else {
    }
    %barrier3A_52 = arith.constant 0 : index
    tpu.barrier barrier_id(%barrier3A_52)
    %eq3A_53 = arith.constant 0 : i32
    %eq3A_54 = arith.cmpi eq, %arg0, %eq3A_53 : i32
    %lt3A = arith.constant 10 : i32
    %lt3A_55 = arith.cmpi slt, %arg1, %lt3A : i32
    %and3A = arith.andi %eq3A_54, %lt3A_55 : i1
    %convert_element_type3A_56 = arith.extui %and3A : i1 to i32
    %cond3A_57 = arith.constant 0 : i32
    %cond3A_58 = arith.cmpi ne, %convert_element_type3A_56, %cond3A_57 : i32
    scf.if %cond3A_58 {
      %mul3A_67 = arith.constant 8 : i32
      %mul3A_68 = arith.muli %arg1, %mul3A_67 : i32
      %mul3A_69 = arith.constant 8 : i32
      %mul3A_70 = arith.muli %arg1, %mul3A_69 : i32
      "tpu.region"() ({
        %run_scoped3A = tpu.sem_alloc : memref<!tpu.dma_semaphore, #tpu.memory_space<semaphore_mem>>
        %dma_start3A = arith.constant 0 : i32
        %dma_start3A_71 = tpu.memref_slice %arg5[%mul3A_70, %dma_start3A] : memref<80x128xf32, #tpu.memory_space<hbm>> -> memref<8x128xf32, #tpu.memory_space<hbm>>
        %dma_start3A_72 = arith.constant 0 : i32
        %dma_start3A_73 = tpu.memref_slice %arg12[%mul3A_68, %dma_start3A_72] : memref<80x128xf32, #tpu.memory_space<vmem_shared>> -> memref<8x128xf32, #tpu.memory_space<vmem_shared>>
        tpu.enqueue_dma source(%dma_start3A_73 : memref<8x128xf32, #tpu.memory_space<vmem_shared>>) target(%dma_start3A_71 : memref<8x128xf32, #tpu.memory_space<hbm>>) target_semaphore(%run_scoped3A : memref<!tpu.dma_semaphore, #tpu.memory_space<semaphore_mem>>)
        %dma_wait3A = arith.constant 0 : i32
        %dma_wait3A_74 = tpu.memref_slice %arg5[%mul3A_70, %dma_wait3A] : memref<80x128xf32, #tpu.memory_space<hbm>> -> memref<8x128xf32, #tpu.memory_space<hbm>>
        %dma_wait3A_75 = arith.constant 0 : i32
        %dma_wait3A_76 = tpu.memref_slice %arg12[%mul3A_68, %dma_wait3A_75] : memref<80x128xf32, #tpu.memory_space<vmem_shared>> -> memref<8x128xf32, #tpu.memory_space<vmem_shared>>
        tpu.wait_dma2 semaphore(%run_scoped3A : memref<!tpu.dma_semaphore, #tpu.memory_space<semaphore_mem>>) src(%dma_wait3A_76 : memref<8x128xf32, #tpu.memory_space<vmem_shared>>) dst(%dma_wait3A_74 : memref<8x128xf32, #tpu.memory_space<hbm>>)
        tpu.yield
      }) : () -> ()
    } else {
    }
    %eq3A_59 = arith.constant 1 : i32
    %eq3A_60 = arith.cmpi eq, %arg0, %eq3A_59 : i32
    %lt3A_61 = arith.constant 10 : i32
    %lt3A_62 = arith.cmpi slt, %arg1, %lt3A_61 : i32
    %and3A_63 = arith.andi %eq3A_60, %lt3A_62 : i1
    %convert_element_type3A_64 = arith.extui %and3A_63 : i1 to i32
    %cond3A_65 = arith.constant 0 : i32
    %cond3A_66 = arith.cmpi ne, %convert_element_type3A_64, %cond3A_65 : i32
    scf.if %cond3A_66 {
      %mul3A_67 = arith.constant 8 : i32
      %mul3A_68 = arith.muli %arg1, %mul3A_67 : i32
      %mul3A_69 = arith.constant 8 : i32
      %mul3A_70 = arith.muli %arg1, %mul3A_69 : i32
      "tpu.region"() ({
        %run_scoped3A = tpu.sem_alloc : memref<!tpu.dma_semaphore, #tpu.memory_space<semaphore_mem>>
        %dma_start3A = arith.constant 0 : i32
        %dma_start3A_71 = tpu.memref_slice %arg6[%mul3A_70, %dma_start3A] : memref<80x128xf32, #tpu.memory_space<hbm>> -> memref<8x128xf32, #tpu.memory_space<hbm>>
        %dma_start3A_72 = arith.constant 0 : i32
        %dma_start3A_73 = tpu.memref_slice %arg12[%mul3A_68, %dma_start3A_72] : memref<80x128xf32, #tpu.memory_space<vmem_shared>> -> memref<8x128xf32, #tpu.memory_space<vmem_shared>>
        tpu.enqueue_dma source(%dma_start3A_73 : memref<8x128xf32, #tpu.memory_space<vmem_shared>>) target(%dma_start3A_71 : memref<8x128xf32, #tpu.memory_space<hbm>>) target_semaphore(%run_scoped3A : memref<!tpu.dma_semaphore, #tpu.memory_space<semaphore_mem>>)
        %dma_wait3A = arith.constant 0 : i32
        %dma_wait3A_74 = tpu.memref_slice %arg6[%mul3A_70, %dma_wait3A] : memref<80x128xf32, #tpu.memory_space<hbm>> -> memref<8x128xf32, #tpu.memory_space<hbm>>
        %dma_wait3A_75 = arith.constant 0 : i32
        %dma_wait3A_76 = tpu.memref_slice %arg12[%mul3A_68, %dma_wait3A_75] : memref<80x128xf32, #tpu.memory_space<vmem_shared>> -> memref<8x128xf32, #tpu.memory_space<vmem_shared>>
        tpu.wait_dma2 semaphore(%run_scoped3A : memref<!tpu.dma_semaphore, #tpu.memory_space<semaphore_mem>>) src(%dma_wait3A_76 : memref<8x128xf32, #tpu.memory_space<vmem_shared>>) dst(%dma_wait3A_74 : memref<8x128xf32, #tpu.memory_space<hbm>>)
        tpu.yield
      }) : () -> ()
    } else {
    }
    return
  }
}

module attributes {stable_mosaic.version = 14 : i64} {
  func.func @_k1_body(%arg0: i32, %arg1: memref<1024x1xf32, #tpu.memory_space<vmem>>, %arg2: memref<1024x1xf32, #tpu.memory_space<vmem>>, %arg3: memref<1024x128xf32, #tpu.memory_space<vmem>>, %arg4: memref<128x128xf32, #tpu.memory_space<vmem>>, %arg5: memref<1024x1xf32, #tpu.memory_space<vmem>>, %arg6: memref<1024x128xf32, #tpu.memory_space<vmem>>) attributes {dimension_semantics = [#tpu.dimension_semantics<arbitrary>], iteration_bounds = array<i64: 10>, scalar_prefetch = 0 : i64, scratch_operands = 0 : i64, tpu.core_type = #tpu.core_type<tc>, window_params = [{transform_indices = @transform_0, window_bounds = array<i64: 1024, 1>}, {transform_indices = @transform_1, window_bounds = array<i64: 1024, 1>}, {transform_indices = @transform_2, window_bounds = array<i64: 1024, 128>}, {pipeline_mode = #tpu.pipeline_mode<synchronous>, transform_indices = @transform_3, window_bounds = array<i64: 128, 128>}, {transform_indices = @transform_4, window_bounds = array<i64: 1024, 1>}, {transform_indices = @transform_5, window_bounds = array<i64: 1024, 128>}]} {
    %get3A = arith.constant 0 : index
    %get3A_0 = arith.constant 0 : index
    %get3A_1 = vector.load %arg1[%get3A, %get3A_0] : memref<1024x1xf32, #tpu.memory_space<vmem>>, vector<1024x1xf32>
    %get3A_2 = arith.constant 0 : index
    %get3A_3 = arith.constant 0 : index
    %get3A_4 = vector.load %arg2[%get3A_2, %get3A_3] : memref<1024x1xf32, #tpu.memory_space<vmem>>, vector<1024x1xf32>
    %add3A = arith.addf %get3A_1, %get3A_4 : vector<1024x1xf32>
    %add3A_5 = arith.constant 1.000000e+00 : f32
    %add3A_6 = vector.broadcast %add3A_5 : f32 to vector<1024x1xf32>
    %add3A_7 = arith.addf %add3A, %add3A_6 : vector<1024x1xf32>
    %rsqrt3A = math.rsqrt %add3A_7 : vector<1024x1xf32>
    %swap3A = arith.constant 0 : index
    %swap3A_8 = arith.constant 0 : index
    %swap3A_9 = vector.load %arg5[%swap3A, %swap3A_8] : memref<1024x1xf32, #tpu.memory_space<vmem>>, vector<1024x1xf32>
    tpu.vector_store %arg5[%swap3A, %swap3A_8], %rsqrt3A {strides = array<i32>} : memref<1024x1xf32, #tpu.memory_space<vmem>>, vector<1024x1xf32>,
    %get3A_10 = arith.constant 0 : index
    %get3A_11 = arith.constant 0 : index
    %get3A_12 = vector.load %arg3[%get3A_10, %get3A_11] : memref<1024x128xf32, #tpu.memory_space<vmem>>, vector<1024x128xf32>
    %get3A_13 = arith.constant 0 : index
    %get3A_14 = arith.constant 0 : index
    %get3A_15 = vector.load %arg4[%get3A_13, %get3A_14] : memref<128x128xf32, #tpu.memory_space<vmem>>, vector<128x128xf32>
    %dot_general3A = arith.constant dense<0.000000e+00> : vector<1024x128xf32>
    %dot_general3A_16 = tpu.matmul %get3A_12, %get3A_15, %dot_general3A {dimension_numbers = #tpu.dot_dimension_numbers<[1], [0], [0], [1], [0, 0, 1, 1], [], []>, precision = #tpu.contract_precision<fp32>, transpose_lhs_hint = false} : vector<1024x128xf32>, vector<128x128xf32>, vector<1024x128xf32> -> vector<1024x128xf32>
    %mul3A = vector.broadcast %rsqrt3A : vector<1024x1xf32> to vector<1024x128xf32>
    %mul3A_17 = arith.mulf %mul3A, %dot_general3A_16 : vector<1024x128xf32>
    %swap3A_18 = arith.constant 0 : index
    %swap3A_19 = arith.constant 0 : index
    %swap3A_20 = vector.load %arg6[%swap3A_18, %swap3A_19] : memref<1024x128xf32, #tpu.memory_space<vmem>>, vector<1024x128xf32>
    tpu.vector_store %arg6[%swap3A_18, %swap3A_19], %mul3A_17 {strides = array<i32>} : memref<1024x128xf32, #tpu.memory_space<vmem>>, vector<1024x128xf32>,
    return
  }
  func.func @transform_0(%arg0: i32) -> (i32, i32) {
    %c0_i32 = arith.constant 0 : i32
    %c0_i32_0 = arith.constant 0 : i32
    return %arg0, %c0_i32 : i32, i32
  }
  func.func @transform_1(%arg0: i32) -> (i32, i32) {
    %c0_i32 = arith.constant 0 : i32
    %c0_i32_0 = arith.constant 0 : i32
    return %arg0, %c0_i32 : i32, i32
  }
  func.func @transform_2(%arg0: i32) -> (i32, i32) {
    %c0_i32 = arith.constant 0 : i32
    %c0_i32_0 = arith.constant 0 : i32
    return %arg0, %c0_i32 : i32, i32
  }
  func.func @transform_3(%arg0: i32) -> (i32, i32) {
    %c0_i32 = arith.constant 0 : i32
    %c0_i32_0 = arith.constant 0 : i32
    %c0_i32_1 = arith.constant 0 : i32
    return %c0_i32, %c0_i32_0 : i32, i32
  }
  func.func @transform_4(%arg0: i32) -> (i32, i32) {
    %c0_i32 = arith.constant 0 : i32
    %c0_i32_0 = arith.constant 0 : i32
    return %arg0, %c0_i32 : i32, i32
  }
  func.func @transform_5(%arg0: i32) -> (i32, i32) {
    %c0_i32 = arith.constant 0 : i32
    %c0_i32_0 = arith.constant 0 : i32
    return %arg0, %c0_i32 : i32, i32
  }
}

module attributes {stable_mosaic.version = 14 : i64} {
  func.func @_k2_body(%arg0: i32, %arg1: memref<1024x1xf32, #tpu.memory_space<vmem>>, %arg2: memref<1024x128xf32, #tpu.memory_space<vmem>>, %arg3: memref<1024x128xf32, #tpu.memory_space<vmem>>, %arg4: memref<1x128xf32, #tpu.memory_space<vmem>>, %arg5: memref<128x128xf32, #tpu.memory_space<vmem>>, %arg6: memref<1024x128xf32, #tpu.memory_space<vmem>>) attributes {dimension_semantics = [#tpu.dimension_semantics<arbitrary>], iteration_bounds = array<i64: 10>, scalar_prefetch = 0 : i64, scratch_operands = 0 : i64, tpu.core_type = #tpu.core_type<tc>, window_params = [{transform_indices = @transform_0, window_bounds = array<i64: 1024, 1>}, {transform_indices = @transform_1, window_bounds = array<i64: 1024, 128>}, {transform_indices = @transform_2, window_bounds = array<i64: 1024, 128>}, {pipeline_mode = #tpu.pipeline_mode<synchronous>, transform_indices = @transform_3, window_bounds = array<i64: 1, 128>}, {pipeline_mode = #tpu.pipeline_mode<synchronous>, transform_indices = @transform_4, window_bounds = array<i64: 128, 128>}, {transform_indices = @transform_5, window_bounds = array<i64: 1024, 128>}]} {
    %get3A = arith.constant 0 : index
    %get3A_0 = arith.constant 0 : index
    %get3A_1 = vector.load %arg1[%get3A, %get3A_0] : memref<1024x1xf32, #tpu.memory_space<vmem>>, vector<1024x1xf32>
    %get3A_2 = arith.constant 0 : index
    %get3A_3 = arith.constant 0 : index
    %get3A_4 = vector.load %arg2[%get3A_2, %get3A_3] : memref<1024x128xf32, #tpu.memory_space<vmem>>, vector<1024x128xf32>
    %get3A_5 = arith.constant 0 : index
    %get3A_6 = arith.constant 0 : index
    %get3A_7 = vector.load %arg3[%get3A_5, %get3A_6] : memref<1024x128xf32, #tpu.memory_space<vmem>>, vector<1024x128xf32>
    %add3A = arith.addf %get3A_4, %get3A_7 : vector<1024x128xf32>
    %mul3A = vector.broadcast %get3A_1 : vector<1024x1xf32> to vector<1024x128xf32>
    %mul3A_8 = arith.mulf %mul3A, %add3A : vector<1024x128xf32>
    %get3A_9 = arith.constant 0 : index
    %get3A_10 = arith.constant 0 : index
    %get3A_11 = vector.load %arg4[%get3A_9, %get3A_10] : memref<1x128xf32, #tpu.memory_space<vmem>>, vector<1x128xf32>
    %add3A_12 = vector.broadcast %get3A_11 : vector<1x128xf32> to vector<1024x128xf32>
    %add3A_13 = arith.addf %mul3A_8, %add3A_12 : vector<1024x128xf32>
    %max3A = arith.constant 0.000000e+00 : f32
    %max3A_14 = vector.broadcast %max3A : f32 to vector<1024x128xf32>
    %max3A_15 = arith.maximumf %add3A_13, %max3A_14 : vector<1024x128xf32>
    %get3A_16 = arith.constant 0 : index
    %get3A_17 = arith.constant 0 : index
    %get3A_18 = vector.load %arg5[%get3A_16, %get3A_17] : memref<128x128xf32, #tpu.memory_space<vmem>>, vector<128x128xf32>
    %dot_general3A = arith.constant dense<0.000000e+00> : vector<1024x128xf32>
    %dot_general3A_19 = tpu.matmul %max3A_15, %get3A_18, %dot_general3A {dimension_numbers = #tpu.dot_dimension_numbers<[1], [0], [0], [1], [0, 0, 1, 1], [], []>, precision = #tpu.contract_precision<fp32>, transpose_lhs_hint = false} : vector<1024x128xf32>, vector<128x128xf32>, vector<1024x128xf32> -> vector<1024x128xf32>
    %mul3A_20 = vector.broadcast %get3A_1 : vector<1024x1xf32> to vector<1024x128xf32>
    %mul3A_21 = arith.mulf %mul3A_20, %dot_general3A_19 : vector<1024x128xf32>
    %swap3A = arith.constant 0 : index
    %swap3A_22 = arith.constant 0 : index
    %swap3A_23 = vector.load %arg6[%swap3A, %swap3A_22] : memref<1024x128xf32, #tpu.memory_space<vmem>>, vector<1024x128xf32>
    tpu.vector_store %arg6[%swap3A, %swap3A_22], %mul3A_21 {strides = array<i32>} : memref<1024x128xf32, #tpu.memory_space<vmem>>, vector<1024x128xf32>,
    return
  }
  func.func @transform_0(%arg0: i32) -> (i32, i32) {
    %c0_i32 = arith.constant 0 : i32
    %c0_i32_0 = arith.constant 0 : i32
    return %arg0, %c0_i32 : i32, i32
  }
  func.func @transform_1(%arg0: i32) -> (i32, i32) {
    %c0_i32 = arith.constant 0 : i32
    %c0_i32_0 = arith.constant 0 : i32
    return %arg0, %c0_i32 : i32, i32
  }
  func.func @transform_2(%arg0: i32) -> (i32, i32) {
    %c0_i32 = arith.constant 0 : i32
    %c0_i32_0 = arith.constant 0 : i32
    return %arg0, %c0_i32 : i32, i32
  }
  func.func @transform_3(%arg0: i32) -> (i32, i32) {
    %c0_i32 = arith.constant 0 : i32
    %c0_i32_0 = arith.constant 0 : i32
    %c0_i32_1 = arith.constant 0 : i32
    return %c0_i32, %c0_i32_0 : i32, i32
  }
  func.func @transform_4(%arg0: i32) -> (i32, i32) {
    %c0_i32 = arith.constant 0 : i32
    %c0_i32_0 = arith.constant 0 : i32
    %c0_i32_1 = arith.constant 0 : i32
    return %c0_i32, %c0_i32_0 : i32, i32
  }
  func.func @transform_5(%arg0: i32) -> (i32, i32) {
    %c0_i32 = arith.constant 0 : i32
    %c0_i32_0 = arith.constant 0 : i32
    return %arg0, %c0_i32 : i32, i32
  }
}

module attributes {stable_mosaic.version = 14 : i64} {
  func.func @_k3_body(%arg0: i32, %arg1: memref<1024x1xf32, #tpu.memory_space<vmem>>, %arg2: memref<1024x128xf32, #tpu.memory_space<vmem>>, %arg3: memref<1024x128xf32, #tpu.memory_space<vmem>>, %arg4: memref<1x128xf32, #tpu.memory_space<vmem>>, %arg5: memref<128x128xf32, #tpu.memory_space<vmem>>, %arg6: memref<128x1xf32, #tpu.memory_space<vmem>>, %arg7: memref<1024x1xf32, #tpu.memory_space<vmem>>) attributes {dimension_semantics = [#tpu.dimension_semantics<arbitrary>], iteration_bounds = array<i64: 10>, scalar_prefetch = 0 : i64, scratch_operands = 0 : i64, tpu.core_type = #tpu.core_type<tc>, window_params = [{transform_indices = @transform_0, window_bounds = array<i64: 1024, 1>}, {transform_indices = @transform_1, window_bounds = array<i64: 1024, 128>}, {transform_indices = @transform_2, window_bounds = array<i64: 1024, 128>}, {pipeline_mode = #tpu.pipeline_mode<synchronous>, transform_indices = @transform_3, window_bounds = array<i64: 1, 128>}, {pipeline_mode = #tpu.pipeline_mode<synchronous>, transform_indices = @transform_4, window_bounds = array<i64: 128, 128>}, {pipeline_mode = #tpu.pipeline_mode<synchronous>, transform_indices = @transform_5, window_bounds = array<i64: 128, 1>}, {transform_indices = @transform_6, window_bounds = array<i64: 1024, 1>}]} {
    %get3A = arith.constant 0 : index
    %get3A_0 = arith.constant 0 : index
    %get3A_1 = vector.load %arg1[%get3A, %get3A_0] : memref<1024x1xf32, #tpu.memory_space<vmem>>, vector<1024x1xf32>
    %get3A_2 = arith.constant 0 : index
    %get3A_3 = arith.constant 0 : index
    %get3A_4 = vector.load %arg2[%get3A_2, %get3A_3] : memref<1024x128xf32, #tpu.memory_space<vmem>>, vector<1024x128xf32>
    %get3A_5 = arith.constant 0 : index
    %get3A_6 = arith.constant 0 : index
    %get3A_7 = vector.load %arg3[%get3A_5, %get3A_6] : memref<1024x128xf32, #tpu.memory_space<vmem>>, vector<1024x128xf32>
    %add3A = arith.addf %get3A_4, %get3A_7 : vector<1024x128xf32>
    %mul3A = vector.broadcast %get3A_1 : vector<1024x1xf32> to vector<1024x128xf32>
    %mul3A_8 = arith.mulf %mul3A, %add3A : vector<1024x128xf32>
    %get3A_9 = arith.constant 0 : index
    %get3A_10 = arith.constant 0 : index
    %get3A_11 = vector.load %arg4[%get3A_9, %get3A_10] : memref<1x128xf32, #tpu.memory_space<vmem>>, vector<1x128xf32>
    %add3A_12 = vector.broadcast %get3A_11 : vector<1x128xf32> to vector<1024x128xf32>
    %add3A_13 = arith.addf %mul3A_8, %add3A_12 : vector<1024x128xf32>
    %max3A = arith.constant 0.000000e+00 : f32
    %max3A_14 = vector.broadcast %max3A : f32 to vector<1024x128xf32>
    %max3A_15 = arith.maximumf %add3A_13, %max3A_14 : vector<1024x128xf32>
    %get3A_16 = arith.constant 0 : index
    %get3A_17 = arith.constant 0 : index
    %get3A_18 = vector.load %arg5[%get3A_16, %get3A_17] : memref<128x128xf32, #tpu.memory_space<vmem>>, vector<128x128xf32>
    %get3A_19 = arith.constant 0 : index
    %get3A_20 = arith.constant 0 : index
    %get3A_21 = vector.load %arg6[%get3A_19, %get3A_20] : memref<128x1xf32, #tpu.memory_space<vmem>>, vector<128x1xf32>
    %dot_general3A = arith.constant dense<0.000000e+00> : vector<128x1xf32>
    %dot_general3A_22 = tpu.matmul %get3A_18, %get3A_21, %dot_general3A {dimension_numbers = #tpu.dot_dimension_numbers<[1], [0], [0], [1], [0, 0, 1, 1], [], []>, precision = #tpu.contract_precision<fp32>, transpose_lhs_hint = false} : vector<128x128xf32>, vector<128x1xf32>, vector<128x1xf32> -> vector<128x1xf32>
    %dot_general3A_23 = arith.constant dense<0.000000e+00> : vector<1024x1xf32>
    %dot_general3A_24 = tpu.matmul %max3A_15, %dot_general3A_22, %dot_general3A_23 {dimension_numbers = #tpu.dot_dimension_numbers<[1], [0], [0], [1], [0, 0, 1, 1], [], []>, precision = #tpu.contract_precision<fp32>, transpose_lhs_hint = false} : vector<1024x128xf32>, vector<128x1xf32>, vector<1024x1xf32> -> vector<1024x1xf32>
    %mul3A_25 = arith.mulf %get3A_1, %dot_general3A_24 : vector<1024x1xf32>
    %swap3A = arith.constant 0 : index
    %swap3A_26 = arith.constant 0 : index
    %swap3A_27 = vector.load %arg7[%swap3A, %swap3A_26] : memref<1024x1xf32, #tpu.memory_space<vmem>>, vector<1024x1xf32>
    tpu.vector_store %arg7[%swap3A, %swap3A_26], %mul3A_25 {strides = array<i32>} : memref<1024x1xf32, #tpu.memory_space<vmem>>, vector<1024x1xf32>,
    return
  }
  func.func @transform_0(%arg0: i32) -> (i32, i32) {
    %c0_i32 = arith.constant 0 : i32
    %c0_i32_0 = arith.constant 0 : i32
    return %arg0, %c0_i32 : i32, i32
  }
  func.func @transform_1(%arg0: i32) -> (i32, i32) {
    %c0_i32 = arith.constant 0 : i32
    %c0_i32_0 = arith.constant 0 : i32
    return %arg0, %c0_i32 : i32, i32
  }
  func.func @transform_2(%arg0: i32) -> (i32, i32) {
    %c0_i32 = arith.constant 0 : i32
    %c0_i32_0 = arith.constant 0 : i32
    return %arg0, %c0_i32 : i32, i32
  }
  func.func @transform_3(%arg0: i32) -> (i32, i32) {
    %c0_i32 = arith.constant 0 : i32
    %c0_i32_0 = arith.constant 0 : i32
    %c0_i32_1 = arith.constant 0 : i32
    return %c0_i32, %c0_i32_0 : i32, i32
  }
  func.func @transform_4(%arg0: i32) -> (i32, i32) {
    %c0_i32 = arith.constant 0 : i32
    %c0_i32_0 = arith.constant 0 : i32
    %c0_i32_1 = arith.constant 0 : i32
    return %c0_i32, %c0_i32_0 : i32, i32
  }
  func.func @transform_5(%arg0: i32) -> (i32, i32) {
    %c0_i32 = arith.constant 0 : i32
    %c0_i32_0 = arith.constant 0 : i32
    %c0_i32_1 = arith.constant 0 : i32
    return %c0_i32, %c0_i32_0 : i32, i32
  }
  func.func @transform_6(%arg0: i32) -> (i32, i32) {
    %c0_i32 = arith.constant 0 : i32
    %c0_i32_0 = arith.constant 0 : i32
    return %arg0, %c0_i32 : i32, i32
  }
}

module attributes {stable_mosaic.version = 14 : i64} {
  func.func @_pool_body(%arg0: i32, %arg1: memref<1024x1xf32, #tpu.memory_space<vmem>>, %arg2: memref<1024x1xf32, #tpu.memory_space<vmem>>, %arg3: memref<1024x1xf32, #tpu.memory_space<vmem>>, %arg4: memref<1024x1xf32, #tpu.memory_space<vmem>>, %arg5: memref<1024x1xi32, #tpu.memory_space<vmem>>, %arg6: memref<1x128xf32, #tpu.memory_space<vmem>>, %arg7: memref<1x128xf32, #tpu.memory_space<vmem>>, %arg8: memref<1x1xf32, #tpu.memory_space<vmem>>, %arg9: memref<1x128xf32, #tpu.memory_space<vmem>>) attributes {dimension_semantics = [#tpu.dimension_semantics<arbitrary>], iteration_bounds = array<i64: 10>, scalar_prefetch = 0 : i64, scratch_operands = 0 : i64, tpu.core_type = #tpu.core_type<tc>, window_params = [{transform_indices = @transform_0, window_bounds = array<i64: 1024, 1>}, {transform_indices = @transform_1, window_bounds = array<i64: 1024, 1>}, {transform_indices = @transform_2, window_bounds = array<i64: 1024, 1>}, {transform_indices = @transform_3, window_bounds = array<i64: 1024, 1>}, {transform_indices = @transform_4, window_bounds = array<i64: 1024, 1>}, {pipeline_mode = #tpu.pipeline_mode<synchronous>, transform_indices = @transform_5, window_bounds = array<i64: 1, 128>}, {pipeline_mode = #tpu.pipeline_mode<synchronous>, transform_indices = @transform_6, window_bounds = array<i64: 1, 128>}, {pipeline_mode = #tpu.pipeline_mode<synchronous>, transform_indices = @transform_7, window_bounds = array<i64: 1, 1>}, {pipeline_mode = #tpu.pipeline_mode<synchronous>, transform_indices = @transform_8, window_bounds = array<i64: 1, 128>}]} {
    %get3A = arith.constant 0 : index
    %get3A_0 = arith.constant 0 : index
    %get3A_1 = vector.load %arg6[%get3A, %get3A_0] : memref<1x128xf32, #tpu.memory_space<vmem>>, vector<1x128xf32>
    %get3A_2 = arith.constant 0 : index
    %get3A_3 = arith.constant 0 : index
    %get3A_4 = vector.load %arg7[%get3A_2, %get3A_3] : memref<1x128xf32, #tpu.memory_space<vmem>>, vector<1x128xf32>
    %mul3A = arith.mulf %get3A_1, %get3A_4 : vector<1x128xf32>
    %reduce_sum3A = vector.shape_cast %mul3A : vector<1x128xf32> to vector<1x1x128xf32>
    %reduce_sum3A_5 = arith.constant dense<0.000000e+00> : vector<1xf32>
    %reduce_sum3A_6 = vector.multi_reduction <add>, %reduce_sum3A, %reduce_sum3A_5 [1, 2] : vector<1x1x128xf32> to vector<1xf32>
    %reduce_sum3A_7 = vector.shape_cast %reduce_sum3A_6 : vector<1xf32> to vector<1x1x1xf32>
    %reduce_sum3A_8 = vector.extract %reduce_sum3A_7[0, 0, 0] : f32 from vector<1x1x1xf32>
    %get3A_9 = arith.constant 0 : index
    %get3A_10 = arith.constant 0 : index
    %get3A_11 = vector.load %arg1[%get3A_9, %get3A_10] : memref<1024x1xf32, #tpu.memory_space<vmem>>, vector<1024x1xf32>
    %get3A_12 = arith.constant 0 : index
    %get3A_13 = arith.constant 0 : index
    %get3A_14 = vector.load %arg2[%get3A_12, %get3A_13] : memref<1024x1xf32, #tpu.memory_space<vmem>>, vector<1024x1xf32>
    %get3A_15 = arith.constant 0 : index
    %get3A_16 = arith.constant 0 : index
    %get3A_17 = vector.load %arg3[%get3A_15, %get3A_16] : memref<1024x1xf32, #tpu.memory_space<vmem>>, vector<1024x1xf32>
    %add3A = arith.addf %get3A_14, %get3A_17 : vector<1024x1xf32>
    %get3A_18 = arith.constant 0 : index
    %get3A_19 = arith.constant 0 : index
    %get3A_20 = vector.load %arg4[%get3A_18, %get3A_19] : memref<1024x1xf32, #tpu.memory_space<vmem>>, vector<1024x1xf32>
    %add3A_21 = arith.addf %add3A, %get3A_20 : vector<1024x1xf32>
    %mul3A_22 = arith.mulf %get3A_11, %add3A_21 : vector<1024x1xf32>
    %add3A_23 = vector.broadcast %reduce_sum3A_8 : f32 to vector<1024x1xf32>
    %add3A_24 = arith.addf %mul3A_22, %add3A_23 : vector<1024x1xf32>
    %iota3A = tpu.iota {dimensions = array<i32: 1>} : vector<1024x128xi32>
    %get3A_25 = arith.constant 0 : index
    %get3A_26 = arith.constant 0 : index
    %get3A_27 = vector.load %arg5[%get3A_25, %get3A_26] : memref<1024x1xi32, #tpu.memory_space<vmem>>, vector<1024x1xi32>
    %eq3A = vector.broadcast %get3A_27 : vector<1024x1xi32> to vector<1024x128xi32>
    %eq3A_28 = arith.cmpi eq, %eq3A, %iota3A : vector<1024x128xi32>
    %jit3A = arith.constant 0.000000e+00 : f32
    %broadcast_in_dim3A = vector.shape_cast %add3A_24 : vector<1024x1xf32> to vector<1024x1xf32>
    %broadcast_in_dim3A_29 = vector.broadcast %broadcast_in_dim3A : vector<1024x1xf32> to vector<1024x128xf32>
    %broadcast_in_dim3A_30 = vector.broadcast %jit3A : f32 to vector<1024x128xf32>
    %select_n3A = arith.select %eq3A_28, %broadcast_in_dim3A_29, %broadcast_in_dim3A_30 : vector<1024x128xi1>, vector<1024x128xf32>
    %reduce_sum3A_31 = arith.constant dense<0.000000e+00> : vector<128xf32>
    %reduce_sum3A_32 = vector.multi_reduction <add>, %select_n3A, %reduce_sum3A_31 [0] : vector<1024x128xf32> to vector<128xf32>
    %broadcast_in_dim3A_33 = vector.shape_cast %reduce_sum3A_32 : vector<128xf32> to vector<1x128xf32>
    %eq3A_34 = arith.constant 0 : i32
    %eq3A_35 = arith.cmpi eq, %arg0, %eq3A_34 : i32
    %convert_element_type3A = arith.extui %eq3A_35 : i1 to i32
    %cond3A = arith.constant 0 : i32
    %cond3A_36 = arith.cmpi ne, %convert_element_type3A, %cond3A : i32
    scf.if %cond3A_36 {
      %get3A_43 = arith.constant 0 : index
      %get3A_44 = arith.constant 0 : index
      %get3A_45 = vector.load %arg8[%get3A_43, %get3A_44] : memref<1x1xf32, #tpu.memory_space<vmem>>, vector<1x1xf32>
      %broadcast_in_dim3A_46 = vector.shape_cast %get3A_45 : vector<1x1xf32> to vector<1x1xf32>
      %broadcast_in_dim3A_47 = vector.broadcast %broadcast_in_dim3A_46 : vector<1x1xf32> to vector<1x128xf32>
      %swap3A_48 = arith.constant 0 : index
      %swap3A_49 = arith.constant 0 : index
      %swap3A_50 = vector.load %arg9[%swap3A_48, %swap3A_49] : memref<1x128xf32, #tpu.memory_space<vmem>>, vector<1x128xf32>
      tpu.vector_store %arg9[%swap3A_48, %swap3A_49], %broadcast_in_dim3A_47 {strides = array<i32>} : memref<1x128xf32, #tpu.memory_space<vmem>>, vector<1x128xf32>,
    } else {
    }
    %get3A_37 = arith.constant 0 : index
    %get3A_38 = arith.constant 0 : index
    %get3A_39 = vector.load %arg9[%get3A_37, %get3A_38] : memref<1x128xf32, #tpu.memory_space<vmem>>, vector<1x128xf32>
    %add3A_40 = arith.addf %get3A_39, %broadcast_in_dim3A_33 : vector<1x128xf32>
    %swap3A = arith.constant 0 : index
    %swap3A_41 = arith.constant 0 : index
    %swap3A_42 = vector.load %arg9[%swap3A, %swap3A_41] : memref<1x128xf32, #tpu.memory_space<vmem>>, vector<1x128xf32>
    tpu.vector_store %arg9[%swap3A, %swap3A_41], %add3A_40 {strides = array<i32>} : memref<1x128xf32, #tpu.memory_space<vmem>>, vector<1x128xf32>,
    return
  }
  func.func @transform_0(%arg0: i32) -> (i32, i32) {
    %c0_i32 = arith.constant 0 : i32
    %c0_i32_0 = arith.constant 0 : i32
    return %arg0, %c0_i32 : i32, i32
  }
  func.func @transform_1(%arg0: i32) -> (i32, i32) {
    %c0_i32 = arith.constant 0 : i32
    %c0_i32_0 = arith.constant 0 : i32
    return %arg0, %c0_i32 : i32, i32
  }
  func.func @transform_2(%arg0: i32) -> (i32, i32) {
    %c0_i32 = arith.constant 0 : i32
    %c0_i32_0 = arith.constant 0 : i32
    return %arg0, %c0_i32 : i32, i32
  }
  func.func @transform_3(%arg0: i32) -> (i32, i32) {
    %c0_i32 = arith.constant 0 : i32
    %c0_i32_0 = arith.constant 0 : i32
    return %arg0, %c0_i32 : i32, i32
  }
  func.func @transform_4(%arg0: i32) -> (i32, i32) {
    %c0_i32 = arith.constant 0 : i32
    %c0_i32_0 = arith.constant 0 : i32
    return %arg0, %c0_i32 : i32, i32
  }
  func.func @transform_5(%arg0: i32) -> (i32, i32) {
    %c0_i32 = arith.constant 0 : i32
    %c0_i32_0 = arith.constant 0 : i32
    %c0_i32_1 = arith.constant 0 : i32
    return %c0_i32, %c0_i32_0 : i32, i32
  }
  func.func @transform_6(%arg0: i32) -> (i32, i32) {
    %c0_i32 = arith.constant 0 : i32
    %c0_i32_0 = arith.constant 0 : i32
    %c0_i32_1 = arith.constant 0 : i32
    return %c0_i32, %c0_i32_0 : i32, i32
  }
  func.func @transform_7(%arg0: i32) -> (i32, i32) {
    %c0_i32 = arith.constant 0 : i32
    %c0_i32_0 = arith.constant 0 : i32
    %c0_i32_1 = arith.constant 0 : i32
    return %c0_i32, %c0_i32_0 : i32, i32
  }
  func.func @transform_8(%arg0: i32) -> (i32, i32) {
    %c0_i32 = arith.constant 0 : i32
    %c0_i32_0 = arith.constant 0 : i32
    %c0_i32_1 = arith.constant 0 : i32
    return %c0_i32, %c0_i32_0 : i32, i32
  }
}

</mosaic_0001>

<sc_bundles>
// kernel: kernel.10.cloned.1.call-start
scs
__scs_entry_jumppad:
0x0: {  	(pc) =	sbr.rel $0x88, $3  }
0x1: {  	(tag) =	ssettag $0x0;
	lr =	simm.s32 $0x1  }
0x2: {  	[smem:$0x3F96] =	sst lr;
	_ =	strace $0xD0000000  }
0x3: {  	_ = 	snop  }
0x4: {  	_ = 	snop  }
0x5: {  	_ = 	snop  }
0x6: {  	_ = 	snop  }
0x7: {  	_ = 	snop  }
__scs_overlays_trampoline_lowered:
0x8: {  	[smem:$0x3FA5] =	sst s0  }
0x9: {  	[smem:$0x3FA6] =	sst s1  }
0xa: {  	[smem:$0x3FA7] =	sst s2  }
0xb: {  	[smem:$0x3FA8] =	sst s3  }
0xc: {  	[smem:$0x3FA9] =	sst s4  }
0xd: {  	[smem:$0x3FAA] =	sst s5  }
0xe: {  	[smem:$0x3FAB] =	sst s6  }
0xf: {  	[smem:$0x3FAC] =	sst s7  }
0x10: {  	[smem:$0x3FAD] =	sst s8  }
0x11: {  	[smem:$0x3FAE] =	sst s9;
	s0 =	simm.s32 @!p0 $0x0  }
0x12: {  	s1 =	sld [smem:$0x3F94];
	s0 =	simm.s32 @p0 $0x1  }
0x13: {  	[smem:$0x3FAF] =	sst s0;
	s0 =	simm.s32 @!p1 $0x0  }
0x14: {  	s2 =	sld [smem:$0x3F93];
	s0 =	simm.s32 @p1 $0x1  }
0x15: {  	[smem:$0x3FB0] =	sst s0;
	s0 =	simm.s32 @!p2 $0x0  }
0x16: {  	s3 =	sld [smem:$0x3FDB];
	s0 =	simm.s32 @p2 $0x1  }
0x17: {  	s4 =	simm.s32 $0x1BF5;
	[smem:$0x3FB2] =	sst s0  }
0x18: {  	s0 =	sld [smem:$0x3F95];
	_ =	swait.ge [sflag:s4], $0x0  }
0x19: {  	s7 =	sld [smem:$0x3F96]  }
0x1a: {  	s8 =	sadd.s32 $0xFFFFE003, lr  }
0x1b: {  	s9 =	sadd.s32 $0xFFFFFEF7, lr;
	s5 =	simm.s32 $0xFFFFFFFF;
	p2 =	slt.u32 s8, $0xFFFFF086  }
0x1c: {  	p1 =	slt.u32 s9, $0xF7A;
	s5 =	simm.s32 @!p2 $0x0  }
0x1d: {  	s5 =	simm.s32 @p1 $0x1;
	p0 =	seq.s32 s7, s2  }
0x1e: {  	s7 =	smul.u32 @!p0 $0xF7A, s2;
	p2 =	seq.s32 @!p0 s5, $0x0  }
0x1f: {  	s9 =	smul.u32 $0xF7A, s1;
	s8 =	simm.s32 @!p0 $0x1BF5;
	p2 =	por !p2, p0  }
0x20: {  	[sflag:s8] =	ssyncset.s32 @!p0 $0xFFFFF086;
	s6 =	sadd.s32 @!p0 s3, s7;
	s7 =	simm.s32 @!p0 $0x108  }
0x21: {  	s3 =	sadd.s32 s3, s9;
	s6 =	sadd.s32 @!p0 $0x88, s6;
	s7 =	simm.s32 @p2 $0x1082  }
0x22: {  	[simem:s7], [sflag:s8] =	dma.local @!p0 [hbm:s6], $0xF7A  }
0x23: {  	s9 =	sor.u32 $0xD0000000, s2;
	s6 =	simm.s32 $0x108;
	_ =	swait.ge @!p0 [sflag:s8], $0x0  }
0x24: {  	s3 =	sadd.s32 $0x88, s3;
	s6 =	simm.s32 @!p1 $0x1082;
	[sflag:s4] =	ssyncset.s32 $0xFFFFF086  }
0x25: {  	[simem:s6], [sflag:s4] =	dma.local [hbm:s3], $0xF7A  }
0x26: {  	[smem:$0x3F96] =	sst s1;
	(tag) =	ssettag s2;
	_ =	strace s9  }
0x27: {  	s1 =	sld [smem:$0x3FA6]  }
0x28: {  	s2 =	sld [smem:$0x3FA7]  }
0x29: {  	s4 =	sld [smem:$0x3FA9]  }
0x2a: {  	p0 =	seq.s32 s5, $0x0;
	s5 =	sld [smem:$0x3FAA]  }
0x2b: {  	s6 =	sld [smem:$0x3FAB]  }
0x2c: {  	s7 =	sld [smem:$0x3FAC]  }
0x2d: {  	s3 =	simm.s32 $0x108;
	s8 =	sld [smem:$0x3FAD]  }
0x2e: {  	s3 =	simm.s32 @!p0 $0x1082;
	s9 =	sld [smem:$0x3FAE]  }
0x2f: {  	lr =	sadd.s32 s0, s3;
	s0 =	sld [smem:$0x3FA5]  }
0x30: {  	s3 =	sld [smem:$0x3FA8]  }
0x31: {  	[smem:$0x3FB1] =	sst s10  }
0x32: {  	s10 =	sld [smem:$0x3FAF];
	_ =	sdelay $0x3  }
0x33: {  	p0 =	seq.s32 s10, $0x1;
	s10 =	sld [smem:$0x3FB1];
	_ =	sdelay $0x3  }
0x34: {  	[smem:$0x3FB1] =	sst s10  }
0x35: {  	s10 =	sld [smem:$0x3FB0];
	_ =	sdelay $0x3  }
0x36: {  	p1 =	seq.s32 s10, $0x1;
	s10 =	sld [smem:$0x3FB1];
	_ =	sdelay $0x3  }
0x37: {  	[smem:$0x3FB1] =	sst s10  }
0x38: {  	s10 =	sld [smem:$0x3FB2]  }
0x39: {  	_ = 	snop;
	(pc) =	sbr.ind lr, $3  }
0x3a: {  	_ = 	snop  }
0x3b: {  	_ = 	snop  }
0x3c: {  	p2 =	seq.s32 s10, $0x1;
	s10 =	sld [smem:$0x3FB1]  }
0x3d: {  	_ =	shalt  }
0x3e: {  	_ =	shalt  }
0x3f: {  	_ =	shalt  }
0x40: {  	_ =	shalt  }
0x41: {  	_ =	shalt  }
0x42: {  	_ =	shalt  }
0x43: {  	_ =	shalt  }
0x44: {  	_ =	shalt  }
0x45: {  	_ =	shalt  }
0x46: {  	_ =	shalt  }
0x47: {  	_ =	shalt  }
0x48: {  	_ =	shalt  }
0x49: {  	_ =	shalt  }
0x4a: {  	_ =	shalt  }
0x4b: {  	_ =	shalt  }
0x4c: {  	_ =	shalt  }
0x4d: {  	_ =	shalt  }
0x4e: {  	_ =	shalt  }
0x4f: {  	_ =	shalt  }
0x50: {  	_ =	shalt  }
0x51: {  	_ =	shalt  }
0x52: {  	_ =	shalt  }
0x53: {  	_ =	shalt  }
0x54: {  	_ =	shalt  }
0x55: {  	_ =	shalt  }
0x56: {  	_ =	shalt  }
0x57: {  	_ =	shalt  }
0x58: {  	_ =	shalt  }
0x59: {  	_ =	shalt  }
0x5a: {  	_ =	shalt  }
0x5b: {  	_ =	shalt  }
0x5c: {  	_ =	shalt  }
0x5d: {  	_ =	shalt  }
0x5e: {  	_ =	shalt  }
0x5f: {  	_ =	shalt  }
0x60: {  	_ =	shalt  }
0x61: {  	_ =	shalt  }
0x62: {  	_ =	shalt  }
0x63: {  	_ =	shalt  }
0x64: {  	_ =	shalt  }
0x65: {  	_ =	shalt  }
0x66: {  	_ =	shalt  }
0x67: {  	_ =	shalt  }
0x68: {  	_ =	shalt  }
0x69: {  	_ =	shalt  }
0x6a: {  	_ =	shalt  }
0x6b: {  	_ =	shalt  }
0x6c: {  	_ =	shalt  }
0x6d: {  	_ =	shalt  }
0x6e: {  	_ =	shalt  }
0x6f: {  	_ =	shalt  }
0x70: {  	_ =	shalt  }
0x71: {  	_ =	shalt  }
0x72: {  	_ =	shalt  }
0x73: {  	_ =	shalt  }
0x74: {  	_ =	shalt  }
0x75: {  	_ =	shalt  }
0x76: {  	_ =	shalt  }
0x77: {  	_ =	shalt  }
0x78: {  	_ =	shalt  }
0x79: {  	_ =	shalt  }
0x7a: {  	_ =	shalt  }
0x7b: {  	_ =	shalt  }
0x7c: {  	_ =	shalt  }
0x7d: {  	_ =	shalt  }
0x7e: {  	_ =	shalt  }
0x7f: {  	_ =	shalt  }
0x80: {  	_ =	shalt  }
0x81: {  	_ =	shalt  }
0x82: {  	_ =	shalt  }
0x83: {  	_ =	shalt  }
0x84: {  	_ =	shalt  }
0x85: {  	_ =	shalt  }
0x86: {  	_ =	shalt  }
0x87: {  	_ =	shalt  }
.Lfunc_end0:
.L_simem_size_0:
called_computation_lowered:
.L_overlay_start_0:
0x88: {  	s2 =	sld [smem:$0x3FD9]  }
0x89: {  	s3 =	sld [smem:$0x3FFE];
	_ =	sdelay $0x1  }
0x8a: {  	s1 =	srdreg.scid  }
0x8b: {  	s0 =	sand.u32 $0x1, s1  }
0x8c: {  	s16 =	sshll.u32 s0, $0xA;
	s2 =	sadd.s32 s3, s2  }
0x8d: {  	s2 =	sadd.s32 s2, s16  }
0x8e: {  	[smem:$0x3FBD] =	sst s2  }
0x8f: {  	_ = 	snop  }
0x90: {  	(tm) =	ssettm $0x1  }
0x91: {  	s17 =	sld [smem:$0x3FFB];
	_ =	sdelay $0x3  }
0x92: {  	_ =	strace s17  }
0x93: {  	s2 =	sld [smem:$0x3FFC];
	_ =	sdelay $0x3  }
0x94: {  	_ =	strace s2  }
0x95: {  	s2 =	sld [smem:$0x3FFD];
	_ =	sdelay $0x3  }
0x96: {  	_ =	strace s2  }
0x97: {  	_ =	strace $0x8FFFFFFF  }
0x98: {  	s18 =	sld [smem:$0x3FDB];
	_ =	sdelay $0x1  }
0x99: {  	s19 =	simm.s32 $_scs_section_size  }
0x9a: {  	s4 =	simm.s32 $_size__tile_overlayer_lowered;
	s5 =	simm.s32 $_tile_overlayer_lowered  }
0x9b: {  	s22 =	simm.s32 $0x1BFF;
	s21 =	sshll.u32 s5, $0x1;
	s2 =	sadd.s32 s19, s18  }
0x9c: {  	s6 =	simm.s32 $0x0;
	s20 =	sshll.u32 s4, $0x1;
	s4 =	sadd.s32 s21, s2  }
0x9d: {  	[timem:s6], [sflag:s22] =	dma.local [hbm:s4], s20  }
0x9e: {  	_ =	swait.ge [sflag:s22], s20  }
0x9f: {  	s3 =	ssub.s32 $0x0, s20;
	[sflag:s22] =	ssyncset.done $0x0  }
0xa0: {  	[sflag:s22] =	ssyncadd.s32 s3;
	_ =	sdelay $0x1  }
0xa1: {  	s23 =	simm.s32 $0x1B8B  }
0xa2: {  	_ =	swait.ge [sflag:s23], $0x1  }
0xa3: {  	[sflag:s23] =	ssyncset.done $0x0  }
0xa4: {  	s25 =	simm.s32 $0x1B8E;
	s24 =	sld [smem:$0x3FFE];
	[sflag:s23] =	ssyncadd.s32 $0xFFFFFFFF  }
0xa5: {  	s26 =	simm.s32 $execute0_lowered;
	[smem:$0x3FD2] =	sst s25  }
0xa6: {  	s4 =	sshll.u32 s26, $0x1;
	_ =	strace $0x80000046;
	[dreg:$0x1] =	wrdreg $0xFFFFFFFF  }
0xa7: {  	s28 =	simm.s32 $_size_execute0_lowered;
	s2 =	sadd.s32 s2, s4;
	[dreg:$0x0] =	wrdreg $0x0  }
0xa8: {  	s4 =	sshll.u32 s28, $0x1;
	[dreg:$0x2] =	wrdreg s2  }
0xa9: {  	[dreg:$0x3] =	wrdreg s4  }
0xaa: {  	[dreg:$0x4] =	wrdreg $0xC0  }
0xab: {  	_ =	task [dreg:s6], $0x5FFFF  }
0xac: {  	[dreg:$0x1] =	wrdreg $0xFFFFFFFF  }
0xad: {  	[dreg:$0x0] =	wrdreg $0x60  }
0xae: {  	[dreg:$0x2] =	wrdreg s24  }
0xaf: {  	[dreg:$0x3] =	wrdreg $0x50800  }
0xb0: {  	[dreg:$0x4] =	wrdreg $0x9  }
0xb1: {  	_ =	task.clear_ibuf [dreg:s6], $0x5FFFF;
	_ =	strace $0x90000046  }
0xb2: {  	s29 =	simm.s32 $0x9;
	_ =	strace $0x80000048  }
0xb3: {  	_ =	swait.ge [sflag:s29], $0x1  }
0xb4: {  	[sflag:s29] =	ssyncadd.s32 $0xFFFFFFFF  }
0xb5: {  	_ =	strace $0x90000048  }
0xb6: {  	_ =	sfence  }
0xb7: {  	s30 =	sld [smem:$0x0];
	_ =	sdelay $0x2  }
0xb8: {  	s31 =	sshll.u32 s1, $0xD;
	s1 =	sshrl.u32 s1, $0x2  }
0xb9: {  	s3 =	sand.u32 $0x4000, s31;
	s1 =	sadd.s32 s1, s30  }
0xba: {  	s0 =	sor.u32 s3, s0;
	s1 =	sshll.u32 s1, $0x11  }
0xbb: {  	s0 =	sor.u32 s1, s0  }
0xbc: {  	s0 =	sadd.s32 $0x8F2B, s0  }
0xbd: {  	[sflag:s0] =	ssyncadd.remote.s32 $0x1  }
0xbe: {  	_ =	sfence.sel $0xFFFF  }
0xbf: {  	[dreg:$0x0] =	wrdreg $0xFFFFFFFF;
	(pc) =	sbr.abs _section_cstart, $3  }
0xc0: {  	[dreg:$0x1] =	wrdreg $0xFFFFFFFF  }
0xc1: {  	_ =	task.clear_ibuf [dreg:s6], $0x2FFFF;
	_ =	strace $0x9FFFFFFF  }
0xc2: {  	(tm) =	ssettm $0x7FFFFFFF  }
0xc3: {  	_ =	shalt  }
tec
execute0_lowered:
.L_overlay_start_1:
0x0: {  	(tag) =	ssettag $0x1  }
0x1: {  	s3 =	rddreg [dreg:$0x0];
	s0 =	srdreg.scid  }
0x2: {  	s10 =	stileid.u32;
	s1 =	rddreg [dreg:$0x1]  }
0x3: {  	s2 =	simm.s32 $0x0;
	s4 =	sand.u32 $0x1, s0;
	s0 =	rddreg [dreg:$0x2]  }
0x4: {  	s8 =	simm.s32 $0x2800;
	s5 =	sshll.u32 s10, $0x1;
	[smem:$0x7FF] =	sst s2  }
0x5: {  	s6 =	sshll.u32 s10, $0x7;
	p1 =	slt.u32 s10, $0xA;
	s31 =	sshll.u32 s10, $0xA  }
0x6: {  	s5 =	sor.u32 s4, s5;
	_ =	strace $0x80000047;
	s6 =	sadd.s32 s6, s3  }
0x7: {  	s30 =	ssub.s32 $0x2, s4;
	p0 =	seq.s32 s4, $0x0;
	p2 =	seq.s32 s4, $0x1  }
0x8: {  	s12 =	sadd.s32 s31, s1;
	s5 =	smul.u32 $0x500, s5;
	s7 =	sshrl.u32 s30, $0x1  }
0x9: {  	p0 =	por !p0, !p1;
	s4 =	sadd.s32 $0xD600, s6;
	p1 =	por !p1, !p2  }
0xa: {  	p2 =	sne.s32 s10, $0x0;
	s7 =	ssub.s32 s30, s7;
	p0 =	por !p0, !p0  }
0xb: {  	p1 =	por !p1, !p1;
	s5 =	sadd.s32 s5, s3;
	s9 =	sshll.u32 @p0 s10, $0x6  }
0xc: {  	v0 =	vlaneseq.u32;
	s11 =	sshll.u32 @p1 s10, $0x6;
	s10 =	sshrl.u32 @p0 s12, $0x3;
	s12 =	sshrl.u32 @p1 s12, $0x3  }
0xd: {  	v1 =	vimm.f32 $0.0e+00;
	v2 =	vimm.f32 $1.000000000e+00;
	v3 =	vor.u32 $0x10, v0;
	s3 =	sadd.s32 $0x3600, s5;
	s5 =	sadd.s32 $0xDC00, s6;
	s6 =	smax.u32 s7, $0x1  }
0xe: {  	v4 =	vor.u32 $0x20, v0;
	v5 =	vor.u32 $0x30, v0;
	v6 =	vor.u32 $0x40, v0;
	s7 =	simm.s32 $0x1;
	s9 =	sor.u32 @p0 $0x1C01, s9;
	s11 =	sor.u32 @p1 $0x1C01, s11  }
.LBB2_1:
0xf: {  	s13 =	simm.s32 $0x0;
	s14 =	simm.s32 $0x200  }
.LBB2_2:
0x10: {  	p3 =	sne.s32 s14, $0x9E00;
	[tilespmem:s13+$0x2870] =	vst v1  }
0x11: {  	[tilespmem:s13+$0x2800] =	vst v1  }
0x12: {  	[tilespmem:s13+$0x2810] =	vst v1  }
.Ltmp0:
0x13: {  	[tilespmem:s13+$0x2820] =	vst v1;
	(pc) =	sbr.rel @p3 .LBB2_2-.Ltmp0, $4  }
0x14: {  	[tilespmem:s13+$0x2830] =	vst v1  }
0x15: {  	[tilespmem:s13+$0x2840] =	vst v1  }
0x16: {  	[tilespmem:s13+$0x2850] =	vst v1  }
0x17: {  	[tilespmem:s13+$0x2860] =	vst v1;
	s13 =	sshra.s32 s14, $0x2;
	s14 =	sadd.s32 $0x200, s14  }
0x18: {  	[tilespmem:s13+$0x2870] =	vst v1  }
0x19: {  	[tilespmem:s13+$0x2800] =	vst v1  }
0x1a: {  	[tilespmem:s13+$0x2810] =	vst v1  }
0x1b: {  	[tilespmem:s13+$0x2820] =	vst v1  }
0x1c: {  	[tilespmem:s13+$0x2830] =	vst v1  }
0x1d: {  	[tilespmem:s13+$0x2840] =	vst v1  }
0x1e: {  	[tilespmem:s13+$0x2850] =	vst v1  }
0x1f: {  	[tilespmem:s13+$0x2860] =	vst v1;
	s13 =	simm.s32 $0x0  }
0x20: {  	[tilespmem:s13], [sflag:$0x1] =	stream.linear.gather [hbm4b:s3+s13], $0x2800, $0x38;
	[tilespmem:$0x5300] =	vst v63  }
0x21: {  	_ =	swait.ge [sflag:s7], $0x2800  }
0x22: {  	[sflag:s7] =	ssyncset.done $0x0  }
0x23: {  	[sflag:s7] =	ssyncadd.s32 $0xFFFFD800  }
.LBB2_4:
0x24: {  	s14 =	sshra.s32 s13, $0x2  }
0x25: {  	v7 =	vld [tilespmem:s14+$0x0];
	_ =	sdelay $0x7  }
0x26: {  	[tilespmem:v7+s8+$0x0] =	vst.idx.add.f32.msk $0xffff, v2  }
0x27: {  	v7 =	vld [tilespmem:s14+$0x10];
	_ =	sdelay $0x7  }
0x28: {  	[tilespmem:v7+s8+$0x0] =	vst.idx.add.f32.msk $0xffff, v2  }
0x29: {  	v7 =	vld [tilespmem:s14+$0x20];
	_ =	sdelay $0x7  }
0x2a: {  	[tilespmem:v7+s8+$0x0] =	vst.idx.add.f32.msk $0xffff, v2  }
0x2b: {  	v7 =	vld [tilespmem:s14+$0x30];
	_ =	sdelay $0x7  }
0x2c: {  	[tilespmem:v7+s8+$0x0] =	vst.idx.add.f32.msk $0xffff, v2  }
0x2d: {  	v7 =	vld [tilespmem:s14+$0x40];
	_ =	sdelay $0x7  }
0x2e: {  	[tilespmem:v7+s8+$0x0] =	vst.idx.add.f32.msk $0xffff, v2  }
0x2f: {  	v7 =	vld [tilespmem:s14+$0x50];
	_ =	sdelay $0x7  }
0x30: {  	[tilespmem:v7+s8+$0x0] =	vst.idx.add.f32.msk $0xffff, v2  }
0x31: {  	v7 =	vld [tilespmem:s14+$0x60];
	_ =	sdelay $0x7  }
0x32: {  	[tilespmem:v7+s8+$0x0] =	vst.idx.add.f32.msk $0xffff, v2  }
0x33: {  	v7 =	vld [tilespmem:s14+$0x70];
	_ =	sdelay $0x2  }
0x34: {  	p3 =	sne.s32 s13, $0x9E00  }
.Ltmp1:
0x35: {  	_ = 	snop;
	(pc) =	sbr.rel @p3 .LBB2_4-.Ltmp1, $2  }
0x36: {  	_ =	sdelay $0x2  }
0x37: {  	s13 =	sadd.s32 $0x200, s13;
	[tilespmem:v7+s8+$0x0] =	vst.idx.add.f32.msk $0xffff, v2  }
0x38: {  	[tilespmem:$0x5000] =	vst v0  }
0x39: {  	[tilespmem:$0x5010] =	vst v3  }
0x3a: {  	[tilespmem:$0x5020] =	vst v4  }
0x3b: {  	[tilespmem:$0x5030] =	vst v5  }
0x3c: {  	[tilespmem:$0x5040] =	vst v6;
	s13 =	simm.s32 @p2 $0x50  }
0x3d: {  	s14 =	simm.s32 @p2 $0x5000;
	s15 =	simm.s32 @p2 $0x2800;
	[bflag:$0x0] =	sbarrier.arrive @p2 $0xFFFF  }
0x3e: {  	[spmem:s1] =	stream.indirect.scatter.add.f32 @p2 [tilespmem:s15], [sflag:$0x1], $0x80, s14, s13, $0xb8;
	[tilespmem:$0x5300] =	vst v63  }
0x3f: {  	s13 =	simm.s32 @p2 $0x1  }
0x40: {  	_ =	swait.ge @p2 [sflag:s13], $0x2800  }
0x41: {  	[sflag:s13] =	ssyncset.done @p2 $0x0  }
0x42: {  	[sflag:s13] =	ssyncadd.s32 @p2 $0xFFFFD800;
	s13 =	simm.s32 @!p2 $0x2800  }
0x43: {  	[spmem:s1] =	stream.linear.scatter @!p2 [tilespmem:s13], [sflag:$0x1], $0x2800, $0x38;
	[tilespmem:$0x5300] =	vst v63  }
0x44: {  	s13 =	simm.s32 @!p2 $0x1  }
0x45: {  	_ =	swait.ge @!p2 [sflag:s13], $0x2800  }
0x46: {  	[sflag:s13] =	ssyncset.done @!p2 $0x0  }
0x47: {  	[sflag:s13] =	ssyncadd.s32 @!p2 $0xFFFFD800  }
0x48: {  	[bflag:$0x0] =	sbarrier.arrive @!p2 $0xFFFF  }
0x49: {  	s13 =	simm.s32 @p0 $0x1;
	[bflag:$0x0] =	sbarrier.arrive $0xFFFF  }
0x4a: {  	[hbm:s4], [sflag:s9] =	dma.local @p0 [spmem:s10], $0x80  }
0x4b: {  	s2 =	sadd.s32 $0x1, s2;
	_ =	swait.ge @p0 [sflag:s13], $0x80  }
0x4c: {  	p3 =	sne.s32 s2, s6;
	[sflag:s13] =	ssyncset.done @p0 $0x0  }
.Ltmp2:
0x4d: {  	[sflag:s13] =	ssyncadd.s32 @p0 $0xFFFFFF80;
	s13 =	simm.s32 @p1 $0x1;
	(pc) =	sbr.rel @p3 .LBB2_1-.Ltmp2, $4  }
0x4e: {  	[hbm:s5], [sflag:s11] =	dma.local @p1 [spmem:s12], $0x80  }
0x4f: {  	_ =	swait.ge @p1 [sflag:s13], $0x80  }
0x50: {  	[sflag:s13] =	ssyncset.done @p1 $0x0  }
0x51: {  	[sflag:s13] =	ssyncadd.s32 @p1 $0xFFFFFF80  }
0x52: {  	_ =	sfence.sel $0x180000  }
0x53: {  	[bflag:$0x0] =	sbarrier.arrive $0xFFFF  }
0x54: {  	_ =	strace $0x90000047  }
0x55: {  	s0 =	sadd.s32 @!p2 $0x100000, s0;
	[bflag:$0x2] =	sbarrier.arrive $0xFFFF  }
0x56: {  	[sflag:s0] =	ssyncadd.tile.s32 @!p2 $0x1;
	_ =	shalt  }
.Lfunc_end2:
_tile_overlayer_lowered:
.L_overlay_start_2:
0x57: {  	(tag) =	ssettag $0x2  }
0x58: {  	s0 =	rddreg [dreg:$0x0];
	s2 =	stileid.u32  }
0x59: {  	s1 =	rddreg [dreg:$0x1];
	p0 =	sne.s32 s2, $0x0  }
0x5a: {  	s3 =	rddreg [dreg:$0x2];
	[bflag:$0x3] =	sbarrier.arrive $0xFFFF;
	s2 =	simm.s32 @!p0 $0x1C01  }
0x5b: {  	[timem:s3], [sflag:s2] =	dma.local @!p0 [hbm:s0], s1  }
0x5c: {  	s0 =	simm.s32 @!p0 $0x1  }
0x5d: {  	_ =	swait.ge @!p0 [sflag:s0], s1  }
0x5e: {  	s1 =	ssub.s32 @!p0 $0x0, s1;
	[sflag:s0] =	ssyncset.done @!p0 $0x0  }
0x5f: {  	[sflag:s0] =	ssyncadd.s32 @!p0 s1  }
0x60: {  	[bflag:$0x3] =	sbarrier.arrive $0xFFFF  }
0x61: {  	_ =	shalt  }

// kernel: kernel.13.cloned.1.call-start
scs
__scs_entry_jumppad:
0x0: {  	(pc) =	sbr.rel $0x88, $3  }
0x1: {  	(tag) =	ssettag $0x0;
	lr =	simm.s32 $0x1  }
0x2: {  	[smem:$0x3F96] =	sst lr;
	_ =	strace $0xD0000000  }
0x3: {  	_ = 	snop  }
0x4: {  	_ = 	snop  }
0x5: {  	_ = 	snop  }
0x6: {  	_ = 	snop  }
0x7: {  	_ = 	snop  }
__scs_overlays_trampoline_lowered:
0x8: {  	[smem:$0x3FA5] =	sst s0  }
0x9: {  	[smem:$0x3FA6] =	sst s1  }
0xa: {  	[smem:$0x3FA7] =	sst s2  }
0xb: {  	[smem:$0x3FA8] =	sst s3  }
0xc: {  	[smem:$0x3FA9] =	sst s4  }
0xd: {  	[smem:$0x3FAA] =	sst s5  }
0xe: {  	[smem:$0x3FAB] =	sst s6  }
0xf: {  	[smem:$0x3FAC] =	sst s7  }
0x10: {  	[smem:$0x3FAD] =	sst s8  }
0x11: {  	[smem:$0x3FAE] =	sst s9;
	s0 =	simm.s32 @!p0 $0x0  }
0x12: {  	s1 =	sld [smem:$0x3F94];
	s0 =	simm.s32 @p0 $0x1  }
0x13: {  	[smem:$0x3FAF] =	sst s0;
	s0 =	simm.s32 @!p1 $0x0  }
0x14: {  	s2 =	sld [smem:$0x3F93];
	s0 =	simm.s32 @p1 $0x1  }
0x15: {  	[smem:$0x3FB0] =	sst s0;
	s0 =	simm.s32 @!p2 $0x0  }
0x16: {  	s3 =	sld [smem:$0x3FDB];
	s0 =	simm.s32 @p2 $0x1  }
0x17: {  	s4 =	simm.s32 $0x1BF5;
	[smem:$0x3FB2] =	sst s0  }
0x18: {  	s0 =	sld [smem:$0x3F95];
	_ =	swait.ge [sflag:s4], $0x0  }
0x19: {  	s7 =	sld [smem:$0x3F96]  }
0x1a: {  	s8 =	sadd.s32 $0xFFFFE003, lr  }
0x1b: {  	s9 =	sadd.s32 $0xFFFFFEF7, lr;
	s5 =	simm.s32 $0xFFFFFFFF;
	p2 =	slt.u32 s8, $0xFFFFF086  }
0x1c: {  	p1 =	slt.u32 s9, $0xF7A;
	s5 =	simm.s32 @!p2 $0x0  }
0x1d: {  	s5 =	simm.s32 @p1 $0x1;
	p0 =	seq.s32 s7, s2  }
0x1e: {  	s7 =	smul.u32 @!p0 $0xF7A, s2;
	p2 =	seq.s32 @!p0 s5, $0x0  }
0x1f: {  	s9 =	smul.u32 $0xF7A, s1;
	s8 =	simm.s32 @!p0 $0x1BF5;
	p2 =	por !p2, p0  }
0x20: {  	[sflag:s8] =	ssyncset.s32 @!p0 $0xFFFFF086;
	s6 =	sadd.s32 @!p0 s3, s7;
	s7 =	simm.s32 @!p0 $0x108  }
0x21: {  	s3 =	sadd.s32 s3, s9;
	s6 =	sadd.s32 @!p0 $0x88, s6;
	s7 =	simm.s32 @p2 $0x1082  }
0x22: {  	[simem:s7], [sflag:s8] =	dma.local @!p0 [hbm:s6], $0xF7A  }
0x23: {  	s9 =	sor.u32 $0xD0000000, s2;
	s6 =	simm.s32 $0x108;
	_ =	swait.ge @!p0 [sflag:s8], $0x0  }
0x24: {  	s3 =	sadd.s32 $0x88, s3;
	s6 =	simm.s32 @!p1 $0x1082;
	[sflag:s4] =	ssyncset.s32 $0xFFFFF086  }
0x25: {  	[simem:s6], [sflag:s4] =	dma.local [hbm:s3], $0xF7A  }
0x26: {  	[smem:$0x3F96] =	sst s1;
	(tag) =	ssettag s2;
	_ =	strace s9  }
0x27: {  	s1 =	sld [smem:$0x3FA6]  }
0x28: {  	s2 =	sld [smem:$0x3FA7]  }
0x29: {  	s4 =	sld [smem:$0x3FA9]  }
0x2a: {  	p0 =	seq.s32 s5, $0x0;
	s5 =	sld [smem:$0x3FAA]  }
0x2b: {  	s6 =	sld [smem:$0x3FAB]  }
0x2c: {  	s7 =	sld [smem:$0x3FAC]  }
0x2d: {  	s3 =	simm.s32 $0x108;
	s8 =	sld [smem:$0x3FAD]  }
0x2e: {  	s3 =	simm.s32 @!p0 $0x1082;
	s9 =	sld [smem:$0x3FAE]  }
0x2f: {  	lr =	sadd.s32 s0, s3;
	s0 =	sld [smem:$0x3FA5]  }
0x30: {  	s3 =	sld [smem:$0x3FA8]  }
0x31: {  	[smem:$0x3FB1] =	sst s10  }
0x32: {  	s10 =	sld [smem:$0x3FAF];
	_ =	sdelay $0x3  }
0x33: {  	p0 =	seq.s32 s10, $0x1;
	s10 =	sld [smem:$0x3FB1];
	_ =	sdelay $0x3  }
0x34: {  	[smem:$0x3FB1] =	sst s10  }
0x35: {  	s10 =	sld [smem:$0x3FB0];
	_ =	sdelay $0x3  }
0x36: {  	p1 =	seq.s32 s10, $0x1;
	s10 =	sld [smem:$0x3FB1];
	_ =	sdelay $0x3  }
0x37: {  	[smem:$0x3FB1] =	sst s10  }
0x38: {  	s10 =	sld [smem:$0x3FB2]  }
0x39: {  	_ = 	snop;
	(pc) =	sbr.ind lr, $3  }
0x3a: {  	_ = 	snop  }
0x3b: {  	_ = 	snop  }
0x3c: {  	p2 =	seq.s32 s10, $0x1;
	s10 =	sld [smem:$0x3FB1]  }
0x3d: {  	_ =	shalt  }
0x3e: {  	_ =	shalt  }
0x3f: {  	_ =	shalt  }
0x40: {  	_ =	shalt  }
0x41: {  	_ =	shalt  }
0x42: {  	_ =	shalt  }
0x43: {  	_ =	shalt  }
0x44: {  	_ =	shalt  }
0x45: {  	_ =	shalt  }
0x46: {  	_ =	shalt  }
0x47: {  	_ =	shalt  }
0x48: {  	_ =	shalt  }
0x49: {  	_ =	shalt  }
0x4a: {  	_ =	shalt  }
0x4b: {  	_ =	shalt  }
0x4c: {  	_ =	shalt  }
0x4d: {  	_ =	shalt  }
0x4e: {  	_ =	shalt  }
0x4f: {  	_ =	shalt  }
0x50: {  	_ =	shalt  }
0x51: {  	_ =	shalt  }
0x52: {  	_ =	shalt  }
0x53: {  	_ =	shalt  }
0x54: {  	_ =	shalt  }
0x55: {  	_ =	shalt  }
0x56: {  	_ =	shalt  }
0x57: {  	_ =	shalt  }
0x58: {  	_ =	shalt  }
0x59: {  	_ =	shalt  }
0x5a: {  	_ =	shalt  }
0x5b: {  	_ =	shalt  }
0x5c: {  	_ =	shalt  }
0x5d: {  	_ =	shalt  }
0x5e: {  	_ =	shalt  }
0x5f: {  	_ =	shalt  }
0x60: {  	_ =	shalt  }
0x61: {  	_ =	shalt  }
0x62: {  	_ =	shalt  }
0x63: {  	_ =	shalt  }
0x64: {  	_ =	shalt  }
0x65: {  	_ =	shalt  }
0x66: {  	_ =	shalt  }
0x67: {  	_ =	shalt  }
0x68: {  	_ =	shalt  }
0x69: {  	_ =	shalt  }
0x6a: {  	_ =	shalt  }
0x6b: {  	_ =	shalt  }
0x6c: {  	_ =	shalt  }
0x6d: {  	_ =	shalt  }
0x6e: {  	_ =	shalt  }
0x6f: {  	_ =	shalt  }
0x70: {  	_ =	shalt  }
0x71: {  	_ =	shalt  }
0x72: {  	_ =	shalt  }
0x73: {  	_ =	shalt  }
0x74: {  	_ =	shalt  }
0x75: {  	_ =	shalt  }
0x76: {  	_ =	shalt  }
0x77: {  	_ =	shalt  }
0x78: {  	_ =	shalt  }
0x79: {  	_ =	shalt  }
0x7a: {  	_ =	shalt  }
0x7b: {  	_ =	shalt  }
0x7c: {  	_ =	shalt  }
0x7d: {  	_ =	shalt  }
0x7e: {  	_ =	shalt  }
0x7f: {  	_ =	shalt  }
0x80: {  	_ =	shalt  }
0x81: {  	_ =	shalt  }
0x82: {  	_ =	shalt  }
0x83: {  	_ =	shalt  }
0x84: {  	_ =	shalt  }
0x85: {  	_ =	shalt  }
0x86: {  	_ =	shalt  }
0x87: {  	_ =	shalt  }
.Lfunc_end0:
.L_simem_size_0:
called_computation.1_lowered:
.L_overlay_start_0:
0x88: {  	s2 =	sld [smem:$0x3FD9]  }
0x89: {  	s3 =	sld [smem:$0x3FFE];
	_ =	sdelay $0x1  }
0x8a: {  	s1 =	srdreg.scid  }
0x8b: {  	s0 =	sand.u32 $0x1, s1  }
0x8c: {  	s16 =	sshll.u32 s0, $0xA;
	s2 =	sadd.s32 s3, s2  }
0x8d: {  	s2 =	sadd.s32 s2, s16  }
0x8e: {  	[smem:$0x3FBD] =	sst s2  }
0x8f: {  	_ = 	snop  }
0x90: {  	(tm) =	ssettm $0x1  }
0x91: {  	s17 =	sld [smem:$0x3FFB];
	_ =	sdelay $0x3  }
0x92: {  	_ =	strace s17  }
0x93: {  	s2 =	sld [smem:$0x3FFC];
	_ =	sdelay $0x3  }
0x94: {  	_ =	strace s2  }
0x95: {  	s2 =	sld [smem:$0x3FFD];
	_ =	sdelay $0x3  }
0x96: {  	_ =	strace s2  }
0x97: {  	_ =	strace $0x8FFFFFFF  }
0x98: {  	s18 =	sld [smem:$0x3FDB];
	_ =	sdelay $0x1  }
0x99: {  	s19 =	simm.s32 $_scs_section_size  }
0x9a: {  	s4 =	simm.s32 $_size__tile_overlayer_lowered;
	s5 =	simm.s32 $_tile_overlayer_lowered  }
0x9b: {  	s22 =	simm.s32 $0x1BFF;
	s21 =	sshll.u32 s5, $0x1;
	s2 =	sadd.s32 s19, s18  }
0x9c: {  	s6 =	simm.s32 $0x0;
	s20 =	sshll.u32 s4, $0x1;
	s4 =	sadd.s32 s21, s2  }
0x9d: {  	[timem:s6], [sflag:s22] =	dma.local [hbm:s4], s20  }
0x9e: {  	_ =	swait.ge [sflag:s22], s20  }
0x9f: {  	s3 =	ssub.s32 $0x0, s20;
	[sflag:s22] =	ssyncset.done $0x0  }
0xa0: {  	[sflag:s22] =	ssyncadd.s32 s3;
	_ =	sdelay $0x1  }
0xa1: {  	s23 =	simm.s32 $0x1B8B  }
0xa2: {  	_ =	swait.ge [sflag:s23], $0x1  }
0xa3: {  	[sflag:s23] =	ssyncset.done $0x0  }
0xa4: {  	s25 =	simm.s32 $0x1B8E;
	s24 =	sld [smem:$0x3FFE];
	[sflag:s23] =	ssyncadd.s32 $0xFFFFFFFF  }
0xa5: {  	s26 =	simm.s32 $execute0_lowered;
	[smem:$0x3FD2] =	sst s25  }
0xa6: {  	s4 =	sshll.u32 s26, $0x1;
	_ =	strace $0x80000049;
	[dreg:$0x1] =	wrdreg $0xFFFFFFFF  }
0xa7: {  	s28 =	simm.s32 $_size_execute0_lowered;
	s2 =	sadd.s32 s2, s4;
	[dreg:$0x0] =	wrdreg $0x0  }
0xa8: {  	s4 =	sshll.u32 s28, $0x1;
	[dreg:$0x2] =	wrdreg s2  }
0xa9: {  	[dreg:$0x3] =	wrdreg s4  }
0xaa: {  	[dreg:$0x4] =	wrdreg $0xC0  }
0xab: {  	_ =	task [dreg:s6], $0x5FFFF  }
0xac: {  	[dreg:$0x1] =	wrdreg $0xFFFFFFFF  }
0xad: {  	[dreg:$0x0] =	wrdreg $0x60  }
0xae: {  	[dreg:$0x2] =	wrdreg s24  }
0xaf: {  	[dreg:$0x3] =	wrdreg $0xBD000  }
0xb0: {  	[dreg:$0x4] =	wrdreg $0x9  }
0xb1: {  	_ =	task.clear_ibuf [dreg:s6], $0x5FFFF;
	_ =	strace $0x90000049  }
0xb2: {  	s29 =	simm.s32 $0x9;
	_ =	strace $0x8000004B  }
0xb3: {  	_ =	swait.ge [sflag:s29], $0x1  }
0xb4: {  	[sflag:s29] =	ssyncadd.s32 $0xFFFFFFFF  }
0xb5: {  	_ =	strace $0x9000004B  }
0xb6: {  	_ =	sfence  }
0xb7: {  	s30 =	sld [smem:$0x0];
	_ =	sdelay $0x2  }
0xb8: {  	s31 =	sshll.u32 s1, $0xD;
	s1 =	sshrl.u32 s1, $0x2  }
0xb9: {  	s3 =	sand.u32 $0x4000, s31;
	s1 =	sadd.s32 s1, s30  }
0xba: {  	s0 =	sor.u32 s3, s0;
	s1 =	sshll.u32 s1, $0x11  }
0xbb: {  	s0 =	sor.u32 s1, s0  }
0xbc: {  	s0 =	sadd.s32 $0x8F2B, s0  }
0xbd: {  	[sflag:s0] =	ssyncadd.remote.s32 $0x1  }
0xbe: {  	_ =	sfence.sel $0xFFFF  }
0xbf: {  	[dreg:$0x0] =	wrdreg $0xFFFFFFFF;
	(pc) =	sbr.abs _section_cstart, $3  }
0xc0: {  	[dreg:$0x1] =	wrdreg $0xFFFFFFFF  }
0xc1: {  	_ =	task.clear_ibuf [dreg:s6], $0x2FFFF;
	_ =	strace $0x9FFFFFFF  }
0xc2: {  	(tm) =	ssettm $0x7FFFFFFF  }
0xc3: {  	_ =	shalt  }
tec
execute0_lowered:
.L_overlay_start_1:
0x0: {  	(tag) =	ssettag $0x1  }
0x1: {  	s6 =	rddreg [dreg:$0x0]  }
0x2: {  	s2 =	rddreg [dreg:$0x1]  }
0x3: {  	s0 =	stileid.u32;
	s3 =	srdreg.scid;
	s18 =	simm.s32 $0x1  }
0x4: {  	s19 =	simm.s32 $0x3;
	s20 =	simm.s32 $0x2;
	s21 =	simm.s32 $0x4  }
0x5: {  	s22 =	simm.s32 $0x3C80;
	s23 =	simm.s32 $0x7D00;
	s4 =	smul.u32 $0x28, s0  }
0x6: {  	s24 =	simm.s32 $0x0;
	s11 =	sand.u32 $0x1, s3;
	s12 =	smul.u32 $0x78, s0  }
0x7: {  	s3 =	simm.s32 $0x0;
	s13 =	sadd.s32 $0x40800, s6;
	s10 =	smul.u32 $0x50000, s0  }
0x8: {  	s5 =	sadd.s32 $0x3600, s6;
	s14 =	sadd.s32 $0x43000, s6;
	s16 =	smul.u32 $0x2800, s0  }
0x9: {  	s17 =	sadd.s32 $0x6B000, s6;
	s31 =	sshll.u32 s0, $0x6;
	p0 =	seq.s32 s11, $0x0  }
0xa: {  	[smem:$0x7FF] =	sst s3;
	s9 =	ssub.s32 $0x2, s11;
	s4 =	sadd.s32 $0x780, s4  }
0xb: {  	_ =	strace $0x8000004A;
	s15 =	sshrl.u32 s9, $0x1;
	s29 =	sshrl.u32 s10, $0x2  }
0xc: {  	s17 =	smov.u32 @p0 s14;
	s14 =	simm.s32 $0x5;
	s12 =	smov.u32 @p0 s4  }
0xd: {  	s4 =	sadd.s32 $0xD600, s6;
	s9 =	ssub.s32 s9, s15;
	s30 =	sadd.s32 s29, s2  }
0xe: {  	s10 =	sadd.s32 s17, s16;
	p0 =	sne.s32 s11, $0x0;
	s15 =	simm.s32 $0x3C00  }
0xf: {  	s17 =	simm.s32 $0x3D00;
	s8 =	sshll.u32 s12, $0x4;
	s9 =	smax.u32 s9, $0x1  }
0x10: {  	s11 =	sshll.u32 s12, $0x7;
	s12 =	sor.u32 $0x1C05, s31;
	s7 =	sadd.s32 s8, s6  }
0x11: {  	s6 =	sadd.s32 s4, s16;
	s8 =	sadd.s32 s5, s8;
	s16 =	simm.s32 $0x80  }
0x12: {  	s7 =	sadd.s32 $0x36200, s7;
	s6 =	smov.u32 @p0 s13;
	s13 =	sshrl.u32 s30, $0x3  }
.LBB2_1:
0x13: {  	[spmem:s13], [sflag:s12] =	dma.local [hbm:s6], $0x2800  }
0x14: {  	_ =	swait.ge [sflag:s14], $0x2800  }
0x15: {  	[sflag:s14] =	ssyncset.done $0x0  }
0x16: {  	s25 =	simm.s32 @!p0 $0x28;
	[sflag:s14] =	ssyncadd.s32 $0xFFFFD800  }
0x17: {  	s25 =	simm.s32 @p0 $0x78;
	[bflag:$0x0] =	sbarrier.arrive $0xFFFF  }
0x18: {  	[tilespmem:s3], [sflag:$0x5] =	stream.linear.gather [hbm4b:s7+s3], $0x3C00, $0x38;
	[tilespmem:$0x1FD00] =	vst v63  }
0x19: {  	s26 =	sshll.u32 s25, $0x7;
	_ =	swait.ge [sflag:s14], $0x3C00  }
0x1a: {  	s26 =	sand.u32 $0x3F00, s26;
	[sflag:s14] =	ssyncset.done $0x0  }
0x1b: {  	s30 =	simm.s32 $0x100;
	s26 =	sadd.s32 $0xFFFFFF00, s26;
	[sflag:s14] =	ssyncadd.s32 $0xFFFFC400  }
0x1c: {  	[tilespmem:s15], [sflag:$0x3] =	stream.linear.gather [hbm4b:s8+s3], $0x80, $0x38;
	[tilespmem:$0x1FD00] =	vst v63  }
0x1d: {  	s28 =	simm.s32 $0x0;
	[dreg:$0x3] =	wrdreg s26;
	s26 =	simm.s32 $0x2  }
0x1e: {  	[tilespmem:s17], [sflag:$0x1] =	stream.indirect.gather [hbm4b:s4+s16], $0x80, s3, s16, $0xb8;
	[tilespmem:$0x1FD00] =	vst v63  }
.LBB2_2:
0x1f: {  	s29 =	sadd.s32 $0xFFFFFFFF, s26  }
0x20: {  	p1 =	sge.u32 s29, s25  }
0x21: {  	s29 =	sadd.s32 @!p1 s28, s11;
	s31 =	sadd.s32 @!p1 $0x80, s28  }
0x22: {  	s29 =	sand.u32 @!p1 $0xFFFFFC00, s29;
	s31 =	sand.u32 @!p1 $0x380, s31  }
0x23: {  	s29 =	sor.u32 @!p1 s31, s29  }
0x24: {  	s1 =	simm.s32 @!p1 $0x0;
	s29 =	sshrl.u32 @!p1 s29, $0x3  }
0x25: {  	s0 =	simm.s32 @!p1 $0x3C80;
	s31 =	sadd.s32 @!p1 s5, s29;
	s29 =	smov.u32 s30  }
0x26: {  	[tilespmem:s0], [sflag:$0x4] =	stream.linear.gather @!p1 [hbm4b:s31+s1], $0x80, $0x38;
	[tilespmem:$0x1FD00] =	vst v63  }
0x27: {  	s0 =	sadd.s32 @!p1 $0xFFFFFF80, s30;
	s1 =	simm.s32 @!p1 $0x80;
	s30 =	simm.s32 @!p1 $0x7D00  }
0x28: {  	[tilespmem:s30], [sflag:$0x2] =	stream.indirect.gather @!p1 [hbm4b:s4+s1], $0x80, s0, s1, $0xb8;
	[tilespmem:$0x1FD00] =	vst v63  }
0x29: {  	_ =	swait.ge [sflag:s18], $0x4000  }
0x2a: {  	[sflag:s18] =	ssyncset.done $0x0  }
0x2b: {  	p1 =	sge.u32 s26, s25;
	[sflag:s18] =	ssyncadd.s32 $0xFFFFC000  }
0x2c: {  	s0 =	sadd.s32 @!p1 $0x100, s28;
	_ =	swait.ge [sflag:s19], $0x80  }
0x2d: {  	s1 =	sadd.s32 @!p1 s11, s0;
	[sflag:s19] =	ssyncset.done $0x0  }
0x2e: {  	s0 =	sand.u32 @!p1 $0x300, s0;
	s1 =	sand.u32 @!p1 $0x7FFFFC00, s1;
	[sflag:s19] =	ssyncadd.s32 $0xFFFFFF80  }
0x2f: {  	[spmem:s2] =	stream.indirect.scatter.add.f32 [tilespmem:s17], [sflag:$0x5], $0x80, s15, s16, $0xb8;
	[tilespmem:$0x1FD00] =	vst v63  }
0x30: {  	s0 =	sor.u32 @!p1 s0, s1;
	_ =	swait.ge [sflag:s14], $0x4000  }
0x31: {  	s30 =	simm.s32 @!p1 $0x3C00;
	s0 =	sshrl.u32 @!p1 s0, $0x3;
	[sflag:s14] =	ssyncset.done $0x0  }
0x32: {  	s1 =	simm.s32 @!p1 $0x0;
	s0 =	sadd.s32 @!p1 s5, s0;
	[sflag:s14] =	ssyncadd.s32 $0xFFFFC000  }
0x33: {  	[tilespmem:s30], [sflag:$0x3] =	stream.linear.gather @!p1 [hbm4b:s0+s1], $0x80, $0x38;
	[tilespmem:$0x1FD00] =	vst v63  }
0x34: {  	s0 =	simm.s32 @!p1 $0x80;
	s1 =	simm.s32 @!p1 $0x3D00  }
0x35: {  	[tilespmem:s1], [sflag:$0x1] =	stream.indirect.gather @!p1 [hbm4b:s4+s0], $0x80, s29, s0, $0xb8;
	[tilespmem:$0x1FD00] =	vst v63  }
0x36: {  	_ =	swait.ge [sflag:s20], $0x4000  }
0x37: {  	[sflag:s20] =	ssyncset.done $0x0  }
0x38: {  	[sflag:s20] =	ssyncadd.s32 $0xFFFFC000  }
0x39: {  	_ =	swait.ge [sflag:s21], $0x80  }
0x3a: {  	[sflag:s21] =	ssyncset.done $0x0  }
0x3b: {  	[sflag:s21] =	ssyncadd.s32 $0xFFFFFF80  }
0x3c: {  	[spmem:s2] =	stream.indirect.scatter.add.f32 [tilespmem:s23], [sflag:$0x5], $0x80, s22, s16, $0xb8;
	[tilespmem:$0x1FD00] =	vst v63  }
0x3d: {  	_ =	swait.ge [sflag:s14], $0x4000  }
0x3e: {  	s28 =	sadd.s32 $0x100, s28;
	s31 =	rddreg [dreg:$0x3]  }
0x3f: {  	p1 =	sne.s32 s31, s28  }
.Ltmp0:
0x40: {  	_ = 	snop;
	(pc) =	sbr.rel @p1 .LBB2_2-.Ltmp0, $3  }
0x41: {  	_ =	sdelay $0x1  }
0x42: {  	[sflag:s14] =	ssyncset.done $0x0  }
0x43: {  	s26 =	sadd.s32 $0x2, s26;
	s30 =	sadd.s32 $0x100, s29;
	[sflag:s14] =	ssyncadd.s32 $0xFFFFC000  }
0x44: {  	s0 =	sadd.s32 $0xFFFFFFFF, s26  }
0x45: {  	p1 =	sge.u32 s0, s25  }
0x46: {  	s0 =	sadd.s32 @!p1 s28, s11;
	s1 =	sadd.s32 @!p1 $0x80, s28  }
0x47: {  	s0 =	sand.u32 @!p1 $0x7FFFFC00, s0;
	s1 =	sand.u32 @!p1 $0x380, s1  }
0x48: {  	s0 =	sor.u32 @!p1 s1, s0  }
0x49: {  	s0 =	sshrl.u32 @!p1 s0, $0x3  }
0x4a: {  	s31 =	simm.s32 @!p1 $0x3C80;
	s1 =	simm.s32 @!p1 $0x0;
	s0 =	sadd.s32 @!p1 s5, s0  }
0x4b: {  	[tilespmem:s31], [sflag:$0x4] =	stream.linear.gather @!p1 [hbm4b:s0+s1], $0x80, $0x38;
	[tilespmem:$0x1FD00] =	vst v63  }
0x4c: {  	s0 =	sadd.s32 @!p1 $0x80, s29;
	s1 =	simm.s32 @!p1 $0x80;
	s29 =	simm.s32 @!p1 $0x7D00  }
0x4d: {  	[tilespmem:s29], [sflag:$0x2] =	stream.indirect.gather @!p1 [hbm4b:s4+s1], $0x80, s0, s1, $0xb8;
	[tilespmem:$0x1FD00] =	vst v63  }
0x4e: {  	_ =	swait.ge [sflag:s18], $0x4000  }
0x4f: {  	[sflag:s18] =	ssyncset.done $0x0  }
0x50: {  	p1 =	sge.u32 s26, s25;
	[sflag:s18] =	ssyncadd.s32 $0xFFFFC000  }
0x51: {  	s0 =	sadd.s32 @!p1 $0x100, s28;
	_ =	swait.ge [sflag:s19], $0x80  }
0x52: {  	s1 =	sadd.s32 @!p1 s11, s0;
	[sflag:s19] =	ssyncset.done $0x0  }
0x53: {  	s0 =	sand.u32 @!p1 $0x300, s0;
	s1 =	sand.u32 @!p1 $0x7FFFFC00, s1;
	[sflag:s19] =	ssyncadd.s32 $0xFFFFFF80  }
0x54: {  	[spmem:s2] =	stream.indirect.scatter.add.f32 [tilespmem:s17], [sflag:$0x5], $0x80, s15, s16, $0xb8;
	[tilespmem:$0x1FD00] =	vst v63  }
0x55: {  	s0 =	sor.u32 @!p1 s0, s1;
	_ =	swait.ge [sflag:s14], $0x4000  }
0x56: {  	s25 =	simm.s32 @!p1 $0x3C00;
	s0 =	sshrl.u32 @!p1 s0, $0x3;
	[sflag:s14] =	ssyncset.done $0x0  }
0x57: {  	s1 =	simm.s32 @!p1 $0x0;
	s0 =	sadd.s32 @!p1 s5, s0;
	[sflag:s14] =	ssyncadd.s32 $0xFFFFC000  }
0x58: {  	[tilespmem:s25], [sflag:$0x3] =	stream.linear.gather @!p1 [hbm4b:s0+s1], $0x80, $0x38;
	[tilespmem:$0x1FD00] =	vst v63  }
0x59: {  	s0 =	simm.s32 @!p1 $0x80;
	s1 =	simm.s32 @!p1 $0x3D00  }
0x5a: {  	[tilespmem:s1], [sflag:$0x1] =	stream.indirect.gather @!p1 [hbm4b:s4+s0], $0x80, s30, s0, $0xb8;
	[tilespmem:$0x1FD00] =	vst v63  }
0x5b: {  	_ =	swait.ge [sflag:s20], $0x4000  }
0x5c: {  	[sflag:s20] =	ssyncset.done $0x0  }
0x5d: {  	[sflag:s20] =	ssyncadd.s32 $0xFFFFC000  }
0x5e: {  	_ =	swait.ge [sflag:s21], $0x80  }
0x5f: {  	[sflag:s21] =	ssyncset.done $0x0  }
0x60: {  	[sflag:s21] =	ssyncadd.s32 $0xFFFFFF80  }
0x61: {  	[spmem:s2] =	stream.indirect.scatter.add.f32 [tilespmem:s23], [sflag:$0x5], $0x80, s22, s16, $0xb8;
	[tilespmem:$0x1FD00] =	vst v63  }
0x62: {  	_ =	swait.ge [sflag:s14], $0x4000  }
0x63: {  	s24 =	sadd.s32 $0x1, s24;
	[sflag:s14] =	ssyncset.done $0x0  }
0x64: {  	p1 =	sne.s32 s24, s9;
	[sflag:s14] =	ssyncadd.s32 $0xFFFFC000  }
.Ltmp1:
0x65: {  	[bflag:$0x0] =	sbarrier.arrive $0xFFFF;
	(pc) =	sbr.rel @p1 .LBB2_1-.Ltmp1, $4  }
0x66: {  	[hbm:s10], [sflag:s12] =	dma.local [spmem:s13], $0x2800  }
0x67: {  	_ =	swait.ge [sflag:s14], $0x2800  }
0x68: {  	[sflag:s14] =	ssyncset.done $0x0  }
0x69: {  	[sflag:s14] =	ssyncadd.s32 $0xFFFFD800  }
0x6a: {  	_ =	sfence.sel $0x180000  }
0x6b: {  	[bflag:$0x0] =	sbarrier.arrive $0xFFFF  }
0x6c: {  	_ =	strace $0x9000004A  }
0x6d: {  	s0 =	stileid.u32;
	[bflag:$0x2] =	sbarrier.arrive $0xFFFF  }
0x6e: {  	p0 =	sne.s32 s0, $0x0;
	s0 =	rddreg [dreg:$0x2]  }
0x6f: {  	s0 =	sadd.s32 @!p0 $0x100000, s0  }
0x70: {  	[sflag:s0] =	ssyncadd.tile.s32 @!p0 $0x1;
	_ =	shalt  }
.Lfunc_end2:
_tile_overlayer_lowered:
.L_overlay_start_2:
0x71: {  	(tag) =	ssettag $0x2  }
0x72: {  	s0 =	rddreg [dreg:$0x0];
	s2 =	stileid.u32  }
0x73: {  	s1 =	rddreg [dreg:$0x1];
	p0 =	sne.s32 s2, $0x0  }
0x74: {  	s3 =	rddreg [dreg:$0x2];
	[bflag:$0x3] =	sbarrier.arrive $0xFFFF;
	s2 =	simm.s32 @!p0 $0x1C05  }
0x75: {  	[timem:s3], [sflag:s2] =	dma.local @!p0 [hbm:s0], s1  }
0x76: {  	s0 =	simm.s32 @!p0 $0x5  }
0x77: {  	_ =	swait.ge @!p0 [sflag:s0], s1  }
0x78: {  	s1 =	ssub.s32 @!p0 $0x0, s1;
	[sflag:s0] =	ssyncset.done @!p0 $0x0  }
0x79: {  	[sflag:s0] =	ssyncadd.s32 @!p0 s1  }
0x7a: {  	[bflag:$0x3] =	sbarrier.arrive $0xFFFF  }
0x7b: {  	_ =	shalt  }

// kernel: kernel.16.cloned.1.call-start
scs
__scs_entry_jumppad:
0x0: {  	(pc) =	sbr.rel $0x88, $3  }
0x1: {  	(tag) =	ssettag $0x0;
	lr =	simm.s32 $0x1  }
0x2: {  	[smem:$0x3F96] =	sst lr;
	_ =	strace $0xD0000000  }
0x3: {  	_ = 	snop  }
0x4: {  	_ = 	snop  }
0x5: {  	_ = 	snop  }
0x6: {  	_ = 	snop  }
0x7: {  	_ = 	snop  }
__scs_overlays_trampoline_lowered:
0x8: {  	[smem:$0x3FA5] =	sst s0  }
0x9: {  	[smem:$0x3FA6] =	sst s1  }
0xa: {  	[smem:$0x3FA7] =	sst s2  }
0xb: {  	[smem:$0x3FA8] =	sst s3  }
0xc: {  	[smem:$0x3FA9] =	sst s4  }
0xd: {  	[smem:$0x3FAA] =	sst s5  }
0xe: {  	[smem:$0x3FAB] =	sst s6  }
0xf: {  	[smem:$0x3FAC] =	sst s7  }
0x10: {  	[smem:$0x3FAD] =	sst s8  }
0x11: {  	[smem:$0x3FAE] =	sst s9;
	s0 =	simm.s32 @!p0 $0x0  }
0x12: {  	s1 =	sld [smem:$0x3F94];
	s0 =	simm.s32 @p0 $0x1  }
0x13: {  	[smem:$0x3FAF] =	sst s0;
	s0 =	simm.s32 @!p1 $0x0  }
0x14: {  	s2 =	sld [smem:$0x3F93];
	s0 =	simm.s32 @p1 $0x1  }
0x15: {  	[smem:$0x3FB0] =	sst s0;
	s0 =	simm.s32 @!p2 $0x0  }
0x16: {  	s3 =	sld [smem:$0x3FDB];
	s0 =	simm.s32 @p2 $0x1  }
0x17: {  	s4 =	simm.s32 $0x1BF5;
	[smem:$0x3FB2] =	sst s0  }
0x18: {  	s0 =	sld [smem:$0x3F95];
	_ =	swait.ge [sflag:s4], $0x0  }
0x19: {  	s7 =	sld [smem:$0x3F96]  }
0x1a: {  	s8 =	sadd.s32 $0xFFFFE003, lr  }
0x1b: {  	s9 =	sadd.s32 $0xFFFFFEF7, lr;
	s5 =	simm.s32 $0xFFFFFFFF;
	p2 =	slt.u32 s8, $0xFFFFF086  }
0x1c: {  	p1 =	slt.u32 s9, $0xF7A;
	s5 =	simm.s32 @!p2 $0x0  }
0x1d: {  	s5 =	simm.s32 @p1 $0x1;
	p0 =	seq.s32 s7, s2  }
0x1e: {  	s7 =	smul.u32 @!p0 $0xF7A, s2;
	p2 =	seq.s32 @!p0 s5, $0x0  }
0x1f: {  	s9 =	smul.u32 $0xF7A, s1;
	s8 =	simm.s32 @!p0 $0x1BF5;
	p2 =	por !p2, p0  }
0x20: {  	[sflag:s8] =	ssyncset.s32 @!p0 $0xFFFFF086;
	s6 =	sadd.s32 @!p0 s3, s7;
	s7 =	simm.s32 @!p0 $0x108  }
0x21: {  	s3 =	sadd.s32 s3, s9;
	s6 =	sadd.s32 @!p0 $0x88, s6;
	s7 =	simm.s32 @p2 $0x1082  }
0x22: {  	[simem:s7], [sflag:s8] =	dma.local @!p0 [hbm:s6], $0xF7A  }
0x23: {  	s9 =	sor.u32 $0xD0000000, s2;
	s6 =	simm.s32 $0x108;
	_ =	swait.ge @!p0 [sflag:s8], $0x0  }
0x24: {  	s3 =	sadd.s32 $0x88, s3;
	s6 =	simm.s32 @!p1 $0x1082;
	[sflag:s4] =	ssyncset.s32 $0xFFFFF086  }
0x25: {  	[simem:s6], [sflag:s4] =	dma.local [hbm:s3], $0xF7A  }
0x26: {  	[smem:$0x3F96] =	sst s1;
	(tag) =	ssettag s2;
	_ =	strace s9  }
0x27: {  	s1 =	sld [smem:$0x3FA6]  }
0x28: {  	s2 =	sld [smem:$0x3FA7]  }
0x29: {  	s4 =	sld [smem:$0x3FA9]  }
0x2a: {  	p0 =	seq.s32 s5, $0x0;
	s5 =	sld [smem:$0x3FAA]  }
0x2b: {  	s6 =	sld [smem:$0x3FAB]  }
0x2c: {  	s7 =	sld [smem:$0x3FAC]  }
0x2d: {  	s3 =	simm.s32 $0x108;
	s8 =	sld [smem:$0x3FAD]  }
0x2e: {  	s3 =	simm.s32 @!p0 $0x1082;
	s9 =	sld [smem:$0x3FAE]  }
0x2f: {  	lr =	sadd.s32 s0, s3;
	s0 =	sld [smem:$0x3FA5]  }
0x30: {  	s3 =	sld [smem:$0x3FA8]  }
0x31: {  	[smem:$0x3FB1] =	sst s10  }
0x32: {  	s10 =	sld [smem:$0x3FAF];
	_ =	sdelay $0x3  }
0x33: {  	p0 =	seq.s32 s10, $0x1;
	s10 =	sld [smem:$0x3FB1];
	_ =	sdelay $0x3  }
0x34: {  	[smem:$0x3FB1] =	sst s10  }
0x35: {  	s10 =	sld [smem:$0x3FB0];
	_ =	sdelay $0x3  }
0x36: {  	p1 =	seq.s32 s10, $0x1;
	s10 =	sld [smem:$0x3FB1];
	_ =	sdelay $0x3  }
0x37: {  	[smem:$0x3FB1] =	sst s10  }
0x38: {  	s10 =	sld [smem:$0x3FB2]  }
0x39: {  	_ = 	snop;
	(pc) =	sbr.ind lr, $3  }
0x3a: {  	_ = 	snop  }
0x3b: {  	_ = 	snop  }
0x3c: {  	p2 =	seq.s32 s10, $0x1;
	s10 =	sld [smem:$0x3FB1]  }
0x3d: {  	_ =	shalt  }
0x3e: {  	_ =	shalt  }
0x3f: {  	_ =	shalt  }
0x40: {  	_ =	shalt  }
0x41: {  	_ =	shalt  }
0x42: {  	_ =	shalt  }
0x43: {  	_ =	shalt  }
0x44: {  	_ =	shalt  }
0x45: {  	_ =	shalt  }
0x46: {  	_ =	shalt  }
0x47: {  	_ =	shalt  }
0x48: {  	_ =	shalt  }
0x49: {  	_ =	shalt  }
0x4a: {  	_ =	shalt  }
0x4b: {  	_ =	shalt  }
0x4c: {  	_ =	shalt  }
0x4d: {  	_ =	shalt  }
0x4e: {  	_ =	shalt  }
0x4f: {  	_ =	shalt  }
0x50: {  	_ =	shalt  }
0x51: {  	_ =	shalt  }
0x52: {  	_ =	shalt  }
0x53: {  	_ =	shalt  }
0x54: {  	_ =	shalt  }
0x55: {  	_ =	shalt  }
0x56: {  	_ =	shalt  }
0x57: {  	_ =	shalt  }
0x58: {  	_ =	shalt  }
0x59: {  	_ =	shalt  }
0x5a: {  	_ =	shalt  }
0x5b: {  	_ =	shalt  }
0x5c: {  	_ =	shalt  }
0x5d: {  	_ =	shalt  }
0x5e: {  	_ =	shalt  }
0x5f: {  	_ =	shalt  }
0x60: {  	_ =	shalt  }
0x61: {  	_ =	shalt  }
0x62: {  	_ =	shalt  }
0x63: {  	_ =	shalt  }
0x64: {  	_ =	shalt  }
0x65: {  	_ =	shalt  }
0x66: {  	_ =	shalt  }
0x67: {  	_ =	shalt  }
0x68: {  	_ =	shalt  }
0x69: {  	_ =	shalt  }
0x6a: {  	_ =	shalt  }
0x6b: {  	_ =	shalt  }
0x6c: {  	_ =	shalt  }
0x6d: {  	_ =	shalt  }
0x6e: {  	_ =	shalt  }
0x6f: {  	_ =	shalt  }
0x70: {  	_ =	shalt  }
0x71: {  	_ =	shalt  }
0x72: {  	_ =	shalt  }
0x73: {  	_ =	shalt  }
0x74: {  	_ =	shalt  }
0x75: {  	_ =	shalt  }
0x76: {  	_ =	shalt  }
0x77: {  	_ =	shalt  }
0x78: {  	_ =	shalt  }
0x79: {  	_ =	shalt  }
0x7a: {  	_ =	shalt  }
0x7b: {  	_ =	shalt  }
0x7c: {  	_ =	shalt  }
0x7d: {  	_ =	shalt  }
0x7e: {  	_ =	shalt  }
0x7f: {  	_ =	shalt  }
0x80: {  	_ =	shalt  }
0x81: {  	_ =	shalt  }
0x82: {  	_ =	shalt  }
0x83: {  	_ =	shalt  }
0x84: {  	_ =	shalt  }
0x85: {  	_ =	shalt  }
0x86: {  	_ =	shalt  }
0x87: {  	_ =	shalt  }
.Lfunc_end0:
.L_simem_size_0:
called_computation.2_lowered:
.L_overlay_start_0:
0x88: {  	s2 =	sld [smem:$0x3FD9]  }
0x89: {  	s3 =	sld [smem:$0x3FFE];
	_ =	sdelay $0x1  }
0x8a: {  	s1 =	srdreg.scid  }
0x8b: {  	s0 =	sand.u32 $0x1, s1  }
0x8c: {  	s16 =	sshll.u32 s0, $0xA;
	s2 =	sadd.s32 s3, s2  }
0x8d: {  	s2 =	sadd.s32 s2, s16  }
0x8e: {  	[smem:$0x3FBD] =	sst s2  }
0x8f: {  	_ = 	snop  }
0x90: {  	(tm) =	ssettm $0x1  }
0x91: {  	s17 =	sld [smem:$0x3FFB];
	_ =	sdelay $0x3  }
0x92: {  	_ =	strace s17  }
0x93: {  	s2 =	sld [smem:$0x3FFC];
	_ =	sdelay $0x3  }
0x94: {  	_ =	strace s2  }
0x95: {  	s2 =	sld [smem:$0x3FFD];
	_ =	sdelay $0x3  }
0x96: {  	_ =	strace s2  }
0x97: {  	_ =	strace $0x8FFFFFFF  }
0x98: {  	s18 =	sld [smem:$0x3FDB];
	_ =	sdelay $0x1  }
0x99: {  	s19 =	simm.s32 $_scs_section_size  }
0x9a: {  	s4 =	simm.s32 $_size__tile_overlayer_lowered;
	s5 =	simm.s32 $_tile_overlayer_lowered  }
0x9b: {  	s22 =	simm.s32 $0x1BFF;
	s21 =	sshll.u32 s5, $0x1;
	s2 =	sadd.s32 s19, s18  }
0x9c: {  	s6 =	simm.s32 $0x0;
	s20 =	sshll.u32 s4, $0x1;
	s4 =	sadd.s32 s21, s2  }
0x9d: {  	[timem:s6], [sflag:s22] =	dma.local [hbm:s4], s20  }
0x9e: {  	_ =	swait.ge [sflag:s22], s20  }
0x9f: {  	s3 =	ssub.s32 $0x0, s20;
	[sflag:s22] =	ssyncset.done $0x0  }
0xa0: {  	[sflag:s22] =	ssyncadd.s32 s3;
	_ =	sdelay $0x1  }
0xa1: {  	s23 =	simm.s32 $0x1B8B  }
0xa2: {  	_ =	swait.ge [sflag:s23], $0x1  }
0xa3: {  	[sflag:s23] =	ssyncset.done $0x0  }
0xa4: {  	s25 =	simm.s32 $0x1B8E;
	s24 =	sld [smem:$0x3FFE];
	[sflag:s23] =	ssyncadd.s32 $0xFFFFFFFF  }
0xa5: {  	s26 =	simm.s32 $execute0_lowered;
	[smem:$0x3FD2] =	sst s25  }
0xa6: {  	s4 =	sshll.u32 s26, $0x1;
	_ =	strace $0x8000004C;
	[dreg:$0x1] =	wrdreg $0xFFFFFFFF  }
0xa7: {  	s28 =	simm.s32 $_size_execute0_lowered;
	s2 =	sadd.s32 s2, s4;
	[dreg:$0x0] =	wrdreg $0x0  }
0xa8: {  	s4 =	sshll.u32 s28, $0x1;
	[dreg:$0x2] =	wrdreg s2  }
0xa9: {  	[dreg:$0x3] =	wrdreg s4  }
0xaa: {  	[dreg:$0x4] =	wrdreg $0xC0  }
0xab: {  	_ =	task [dreg:s6], $0x5FFFF  }
0xac: {  	[dreg:$0x1] =	wrdreg $0xFFFFFFFF  }
0xad: {  	[dreg:$0x0] =	wrdreg $0x60  }
0xae: {  	[dreg:$0x2] =	wrdreg s24  }
0xaf: {  	[dreg:$0x3] =	wrdreg $0xBD000  }
0xb0: {  	[dreg:$0x4] =	wrdreg $0x9  }
0xb1: {  	_ =	task.clear_ibuf [dreg:s6], $0x5FFFF;
	_ =	strace $0x9000004C  }
0xb2: {  	s29 =	simm.s32 $0x9;
	_ =	strace $0x8000004E  }
0xb3: {  	_ =	swait.ge [sflag:s29], $0x1  }
0xb4: {  	[sflag:s29] =	ssyncadd.s32 $0xFFFFFFFF  }
0xb5: {  	_ =	strace $0x9000004E  }
0xb6: {  	_ =	sfence  }
0xb7: {  	s30 =	sld [smem:$0x0];
	_ =	sdelay $0x2  }
0xb8: {  	s31 =	sshll.u32 s1, $0xD;
	s1 =	sshrl.u32 s1, $0x2  }
0xb9: {  	s3 =	sand.u32 $0x4000, s31;
	s1 =	sadd.s32 s1, s30  }
0xba: {  	s0 =	sor.u32 s3, s0;
	s1 =	sshll.u32 s1, $0x11  }
0xbb: {  	s0 =	sor.u32 s1, s0  }
0xbc: {  	s0 =	sadd.s32 $0x8F2B, s0  }
0xbd: {  	[sflag:s0] =	ssyncadd.remote.s32 $0x1  }
0xbe: {  	_ =	sfence.sel $0xFFFF  }
0xbf: {  	[dreg:$0x0] =	wrdreg $0xFFFFFFFF;
	(pc) =	sbr.abs _section_cstart, $3  }
0xc0: {  	[dreg:$0x1] =	wrdreg $0xFFFFFFFF  }
0xc1: {  	_ =	task.clear_ibuf [dreg:s6], $0x2FFFF;
	_ =	strace $0x9FFFFFFF  }
0xc2: {  	(tm) =	ssettm $0x7FFFFFFF  }
0xc3: {  	_ =	shalt  }
tec
execute0_lowered:
.L_overlay_start_1:
0x0: {  	(tag) =	ssettag $0x1  }
0x1: {  	s6 =	rddreg [dreg:$0x0]  }
0x2: {  	s2 =	rddreg [dreg:$0x1]  }
0x3: {  	s0 =	stileid.u32;
	s3 =	srdreg.scid;
	s18 =	simm.s32 $0x1  }
0x4: {  	s19 =	simm.s32 $0x3;
	s20 =	simm.s32 $0x2;
	s21 =	simm.s32 $0x4  }
0x5: {  	s22 =	simm.s32 $0x3C80;
	s23 =	simm.s32 $0x7D00;
	s4 =	smul.u32 $0x28, s0  }
0x6: {  	s24 =	simm.s32 $0x0;
	s11 =	sand.u32 $0x1, s3;
	s12 =	smul.u32 $0x78, s0  }
0x7: {  	s3 =	simm.s32 $0x0;
	s13 =	sadd.s32 $0x40800, s6;
	s10 =	smul.u32 $0x50000, s0  }
0x8: {  	s5 =	sadd.s32 $0x3600, s6;
	s14 =	sadd.s32 $0x43000, s6;
	s16 =	smul.u32 $0x2800, s0  }
0x9: {  	s17 =	sadd.s32 $0x6B000, s6;
	s31 =	sshll.u32 s0, $0x6;
	p0 =	seq.s32 s11, $0x0  }
0xa: {  	[smem:$0x7FF] =	sst s3;
	s9 =	ssub.s32 $0x2, s11;
	s4 =	sadd.s32 $0x780, s4  }
0xb: {  	_ =	strace $0x8000004D;
	s15 =	sshrl.u32 s9, $0x1;
	s29 =	sshrl.u32 s10, $0x2  }
0xc: {  	s17 =	smov.u32 @p0 s14;
	s14 =	simm.s32 $0x5;
	s12 =	smov.u32 @p0 s4  }
0xd: {  	s4 =	sadd.s32 $0xD600, s6;
	s9 =	ssub.s32 s9, s15;
	s30 =	sadd.s32 s29, s2  }
0xe: {  	s10 =	sadd.s32 s17, s16;
	p0 =	sne.s32 s11, $0x0;
	s15 =	simm.s32 $0x3C00  }
0xf: {  	s17 =	simm.s32 $0x3D00;
	s8 =	sshll.u32 s12, $0x4;
	s9 =	smax.u32 s9, $0x1  }
0x10: {  	s11 =	sshll.u32 s12, $0x7;
	s12 =	sor.u32 $0x1C05, s31;
	s7 =	sadd.s32 s8, s6  }
0x11: {  	s6 =	sadd.s32 s4, s16;
	s8 =	sadd.s32 s5, s8;
	s16 =	simm.s32 $0x80  }
0x12: {  	s7 =	sadd.s32 $0x36200, s7;
	s6 =	smov.u32 @p0 s13;
	s13 =	sshrl.u32 s30, $0x3  }
.LBB2_1:
0x13: {  	[spmem:s13], [sflag:s12] =	dma.local [hbm:s6], $0x2800  }
0x14: {  	_ =	swait.ge [sflag:s14], $0x2800  }
0x15: {  	[sflag:s14] =	ssyncset.done $0x0  }
0x16: {  	s25 =	simm.s32 @!p0 $0x28;
	[sflag:s14] =	ssyncadd.s32 $0xFFFFD800  }
0x17: {  	s25 =	simm.s32 @p0 $0x78;
	[bflag:$0x0] =	sbarrier.arrive $0xFFFF  }
0x18: {  	[tilespmem:s3], [sflag:$0x5] =	stream.linear.gather [hbm4b:s7+s3], $0x3C00, $0x38;
	[tilespmem:$0x1FD00] =	vst v63  }
0x19: {  	s26 =	sshll.u32 s25, $0x7;
	_ =	swait.ge [sflag:s14], $0x3C00  }
0x1a: {  	s26 =	sand.u32 $0x3F00, s26;
	[sflag:s14] =	ssyncset.done $0x0  }
0x1b: {  	s30 =	simm.s32 $0x100;
	s26 =	sadd.s32 $0xFFFFFF00, s26;
	[sflag:s14] =	ssyncadd.s32 $0xFFFFC400  }
0x1c: {  	[tilespmem:s15], [sflag:$0x3] =	stream.linear.gather [hbm4b:s8+s3], $0x80, $0x38;
	[tilespmem:$0x1FD00] =	vst v63  }
0x1d: {  	s28 =	simm.s32 $0x0;
	[dreg:$0x3] =	wrdreg s26;
	s26 =	simm.s32 $0x2  }
0x1e: {  	[tilespmem:s17], [sflag:$0x1] =	stream.indirect.gather [hbm4b:s4+s16], $0x80, s3, s16, $0xb8;
	[tilespmem:$0x1FD00] =	vst v63  }
.LBB2_2:
0x1f: {  	s29 =	sadd.s32 $0xFFFFFFFF, s26  }
0x20: {  	p1 =	sge.u32 s29, s25  }
0x21: {  	s29 =	sadd.s32 @!p1 s28, s11;
	s31 =	sadd.s32 @!p1 $0x80, s28  }
0x22: {  	s29 =	sand.u32 @!p1 $0xFFFFFC00, s29;
	s31 =	sand.u32 @!p1 $0x380, s31  }
0x23: {  	s29 =	sor.u32 @!p1 s31, s29  }
0x24: {  	s1 =	simm.s32 @!p1 $0x0;
	s29 =	sshrl.u32 @!p1 s29, $0x3  }
0x25: {  	s0 =	simm.s32 @!p1 $0x3C80;
	s31 =	sadd.s32 @!p1 s5, s29;
	s29 =	smov.u32 s30  }
0x26: {  	[tilespmem:s0], [sflag:$0x4] =	stream.linear.gather @!p1 [hbm4b:s31+s1], $0x80, $0x38;
	[tilespmem:$0x1FD00] =	vst v63  }
0x27: {  	s0 =	sadd.s32 @!p1 $0xFFFFFF80, s30;
	s1 =	simm.s32 @!p1 $0x80;
	s30 =	simm.s32 @!p1 $0x7D00  }
0x28: {  	[tilespmem:s30], [sflag:$0x2] =	stream.indirect.gather @!p1 [hbm4b:s4+s1], $0x80, s0, s1, $0xb8;
	[tilespmem:$0x1FD00] =	vst v63  }
0x29: {  	_ =	swait.ge [sflag:s18], $0x4000  }
0x2a: {  	[sflag:s18] =	ssyncset.done $0x0  }
0x2b: {  	p1 =	sge.u32 s26, s25;
	[sflag:s18] =	ssyncadd.s32 $0xFFFFC000  }
0x2c: {  	s0 =	sadd.s32 @!p1 $0x100, s28;
	_ =	swait.ge [sflag:s19], $0x80  }
0x2d: {  	s1 =	sadd.s32 @!p1 s11, s0;
	[sflag:s19] =	ssyncset.done $0x0  }
0x2e: {  	s0 =	sand.u32 @!p1 $0x300, s0;
	s1 =	sand.u32 @!p1 $0x7FFFFC00, s1;
	[sflag:s19] =	ssyncadd.s32 $0xFFFFFF80  }
0x2f: {  	[spmem:s2] =	stream.indirect.scatter.add.f32 [tilespmem:s17], [sflag:$0x5], $0x80, s15, s16, $0xb8;
	[tilespmem:$0x1FD00] =	vst v63  }
0x30: {  	s0 =	sor.u32 @!p1 s0, s1;
	_ =	swait.ge [sflag:s14], $0x4000  }
0x31: {  	s30 =	simm.s32 @!p1 $0x3C00;
	s0 =	sshrl.u32 @!p1 s0, $0x3;
	[sflag:s14] =	ssyncset.done $0x0  }
0x32: {  	s1 =	simm.s32 @!p1 $0x0;
	s0 =	sadd.s32 @!p1 s5, s0;
	[sflag:s14] =	ssyncadd.s32 $0xFFFFC000  }
0x33: {  	[tilespmem:s30], [sflag:$0x3] =	stream.linear.gather @!p1 [hbm4b:s0+s1], $0x80, $0x38;
	[tilespmem:$0x1FD00] =	vst v63  }
0x34: {  	s0 =	simm.s32 @!p1 $0x80;
	s1 =	simm.s32 @!p1 $0x3D00  }
0x35: {  	[tilespmem:s1], [sflag:$0x1] =	stream.indirect.gather @!p1 [hbm4b:s4+s0], $0x80, s29, s0, $0xb8;
	[tilespmem:$0x1FD00] =	vst v63  }
0x36: {  	_ =	swait.ge [sflag:s20], $0x4000  }
0x37: {  	[sflag:s20] =	ssyncset.done $0x0  }
0x38: {  	[sflag:s20] =	ssyncadd.s32 $0xFFFFC000  }
0x39: {  	_ =	swait.ge [sflag:s21], $0x80  }
0x3a: {  	[sflag:s21] =	ssyncset.done $0x0  }
0x3b: {  	[sflag:s21] =	ssyncadd.s32 $0xFFFFFF80  }
0x3c: {  	[spmem:s2] =	stream.indirect.scatter.add.f32 [tilespmem:s23], [sflag:$0x5], $0x80, s22, s16, $0xb8;
	[tilespmem:$0x1FD00] =	vst v63  }
0x3d: {  	_ =	swait.ge [sflag:s14], $0x4000  }
0x3e: {  	s28 =	sadd.s32 $0x100, s28;
	s31 =	rddreg [dreg:$0x3]  }
0x3f: {  	p1 =	sne.s32 s31, s28  }
.Ltmp0:
0x40: {  	_ = 	snop;
	(pc) =	sbr.rel @p1 .LBB2_2-.Ltmp0, $3  }
0x41: {  	_ =	sdelay $0x1  }
0x42: {  	[sflag:s14] =	ssyncset.done $0x0  }
0x43: {  	s26 =	sadd.s32 $0x2, s26;
	s30 =	sadd.s32 $0x100, s29;
	[sflag:s14] =	ssyncadd.s32 $0xFFFFC000  }
0x44: {  	s0 =	sadd.s32 $0xFFFFFFFF, s26  }
0x45: {  	p1 =	sge.u32 s0, s25  }
0x46: {  	s0 =	sadd.s32 @!p1 s28, s11;
	s1 =	sadd.s32 @!p1 $0x80, s28  }
0x47: {  	s0 =	sand.u32 @!p1 $0x7FFFFC00, s0;
	s1 =	sand.u32 @!p1 $0x380, s1  }
0x48: {  	s0 =	sor.u32 @!p1 s1, s0  }
0x49: {  	s0 =	sshrl.u32 @!p1 s0, $0x3  }
0x4a: {  	s31 =	simm.s32 @!p1 $0x3C80;
	s1 =	simm.s32 @!p1 $0x0;
	s0 =	sadd.s32 @!p1 s5, s0  }
0x4b: {  	[tilespmem:s31], [sflag:$0x4] =	stream.linear.gather @!p1 [hbm4b:s0+s1], $0x80, $0x38;
	[tilespmem:$0x1FD00] =	vst v63  }
0x4c: {  	s0 =	sadd.s32 @!p1 $0x80, s29;
	s1 =	simm.s32 @!p1 $0x80;
	s29 =	simm.s32 @!p1 $0x7D00  }
0x4d: {  	[tilespmem:s29], [sflag:$0x2] =	stream.indirect.gather @!p1 [hbm4b:s4+s1], $0x80, s0, s1, $0xb8;
	[tilespmem:$0x1FD00] =	vst v63  }
0x4e: {  	_ =	swait.ge [sflag:s18], $0x4000  }
0x4f: {  	[sflag:s18] =	ssyncset.done $0x0  }
0x50: {  	p1 =	sge.u32 s26, s25;
	[sflag:s18] =	ssyncadd.s32 $0xFFFFC000  }
0x51: {  	s0 =	sadd.s32 @!p1 $0x100, s28;
	_ =	swait.ge [sflag:s19], $0x80  }
0x52: {  	s1 =	sadd.s32 @!p1 s11, s0;
	[sflag:s19] =	ssyncset.done $0x0  }
0x53: {  	s0 =	sand.u32 @!p1 $0x300, s0;
	s1 =	sand.u32 @!p1 $0x7FFFFC00, s1;
	[sflag:s19] =	ssyncadd.s32 $0xFFFFFF80  }
0x54: {  	[spmem:s2] =	stream.indirect.scatter.add.f32 [tilespmem:s17], [sflag:$0x5], $0x80, s15, s16, $0xb8;
	[tilespmem:$0x1FD00] =	vst v63  }
0x55: {  	s0 =	sor.u32 @!p1 s0, s1;
	_ =	swait.ge [sflag:s14], $0x4000  }
0x56: {  	s25 =	simm.s32 @!p1 $0x3C00;
	s0 =	sshrl.u32 @!p1 s0, $0x3;
	[sflag:s14] =	ssyncset.done $0x0  }
0x57: {  	s1 =	simm.s32 @!p1 $0x0;
	s0 =	sadd.s32 @!p1 s5, s0;
	[sflag:s14] =	ssyncadd.s32 $0xFFFFC000  }
0x58: {  	[tilespmem:s25], [sflag:$0x3] =	stream.linear.gather @!p1 [hbm4b:s0+s1], $0x80, $0x38;
	[tilespmem:$0x1FD00] =	vst v63  }
0x59: {  	s0 =	simm.s32 @!p1 $0x80;
	s1 =	simm.s32 @!p1 $0x3D00  }
0x5a: {  	[tilespmem:s1], [sflag:$0x1] =	stream.indirect.gather @!p1 [hbm4b:s4+s0], $0x80, s30, s0, $0xb8;
	[tilespmem:$0x1FD00] =	vst v63  }
0x5b: {  	_ =	swait.ge [sflag:s20], $0x4000  }
0x5c: {  	[sflag:s20] =	ssyncset.done $0x0  }
0x5d: {  	[sflag:s20] =	ssyncadd.s32 $0xFFFFC000  }
0x5e: {  	_ =	swait.ge [sflag:s21], $0x80  }
0x5f: {  	[sflag:s21] =	ssyncset.done $0x0  }
0x60: {  	[sflag:s21] =	ssyncadd.s32 $0xFFFFFF80  }
0x61: {  	[spmem:s2] =	stream.indirect.scatter.add.f32 [tilespmem:s23], [sflag:$0x5], $0x80, s22, s16, $0xb8;
	[tilespmem:$0x1FD00] =	vst v63  }
0x62: {  	_ =	swait.ge [sflag:s14], $0x4000  }
0x63: {  	s24 =	sadd.s32 $0x1, s24;
	[sflag:s14] =	ssyncset.done $0x0  }
0x64: {  	p1 =	sne.s32 s24, s9;
	[sflag:s14] =	ssyncadd.s32 $0xFFFFC000  }
.Ltmp1:
0x65: {  	[bflag:$0x0] =	sbarrier.arrive $0xFFFF;
	(pc) =	sbr.rel @p1 .LBB2_1-.Ltmp1, $4  }
0x66: {  	[hbm:s10], [sflag:s12] =	dma.local [spmem:s13], $0x2800  }
0x67: {  	_ =	swait.ge [sflag:s14], $0x2800  }
0x68: {  	[sflag:s14] =	ssyncset.done $0x0  }
0x69: {  	[sflag:s14] =	ssyncadd.s32 $0xFFFFD800  }
0x6a: {  	_ =	sfence.sel $0x180000  }
0x6b: {  	[bflag:$0x0] =	sbarrier.arrive $0xFFFF  }
0x6c: {  	_ =	strace $0x9000004D  }
0x6d: {  	s0 =	stileid.u32;
	[bflag:$0x2] =	sbarrier.arrive $0xFFFF  }
0x6e: {  	p0 =	sne.s32 s0, $0x0;
	s0 =	rddreg [dreg:$0x2]  }
0x6f: {  	s0 =	sadd.s32 @!p0 $0x100000, s0  }
0x70: {  	[sflag:s0] =	ssyncadd.tile.s32 @!p0 $0x1;
	_ =	shalt  }
.Lfunc_end2:
_tile_overlayer_lowered:
.L_overlay_start_2:
0x71: {  	(tag) =	ssettag $0x2  }
0x72: {  	s0 =	rddreg [dreg:$0x0];
	s2 =	stileid.u32  }
0x73: {  	s1 =	rddreg [dreg:$0x1];
	p0 =	sne.s32 s2, $0x0  }
0x74: {  	s3 =	rddreg [dreg:$0x2];
	[bflag:$0x3] =	sbarrier.arrive $0xFFFF;
	s2 =	simm.s32 @!p0 $0x1C05  }
0x75: {  	[timem:s3], [sflag:s2] =	dma.local @!p0 [hbm:s0], s1  }
0x76: {  	s0 =	simm.s32 @!p0 $0x5  }
0x77: {  	_ =	swait.ge @!p0 [sflag:s0], s1  }
0x78: {  	s1 =	ssub.s32 @!p0 $0x0, s1;
	[sflag:s0] =	ssyncset.done @!p0 $0x0  }
0x79: {  	[sflag:s0] =	ssyncadd.s32 @!p0 s1  }
0x7a: {  	[bflag:$0x3] =	sbarrier.arrive $0xFFFF  }
0x7b: {  	_ =	shalt  }

// kernel: kernel.19.cloned.1.call-start
scs
__scs_entry_jumppad:
0x0: {  	(pc) =	sbr.rel $0x88, $3  }
0x1: {  	(tag) =	ssettag $0x0;
	lr =	simm.s32 $0x1  }
0x2: {  	[smem:$0x3F96] =	sst lr;
	_ =	strace $0xD0000000  }
0x3: {  	_ = 	snop  }
0x4: {  	_ = 	snop  }
0x5: {  	_ = 	snop  }
0x6: {  	_ = 	snop  }
0x7: {  	_ = 	snop  }
__scs_overlays_trampoline_lowered:
0x8: {  	[smem:$0x3FA5] =	sst s0  }
0x9: {  	[smem:$0x3FA6] =	sst s1  }
0xa: {  	[smem:$0x3FA7] =	sst s2  }
0xb: {  	[smem:$0x3FA8] =	sst s3  }
0xc: {  	[smem:$0x3FA9] =	sst s4  }
0xd: {  	[smem:$0x3FAA] =	sst s5  }
0xe: {  	[smem:$0x3FAB] =	sst s6  }
0xf: {  	[smem:$0x3FAC] =	sst s7  }
0x10: {  	[smem:$0x3FAD] =	sst s8  }
0x11: {  	[smem:$0x3FAE] =	sst s9;
	s0 =	simm.s32 @!p0 $0x0  }
0x12: {  	s1 =	sld [smem:$0x3F94];
	s0 =	simm.s32 @p0 $0x1  }
0x13: {  	[smem:$0x3FAF] =	sst s0;
	s0 =	simm.s32 @!p1 $0x0  }
0x14: {  	s2 =	sld [smem:$0x3F93];
	s0 =	simm.s32 @p1 $0x1  }
0x15: {  	[smem:$0x3FB0] =	sst s0;
	s0 =	simm.s32 @!p2 $0x0  }
0x16: {  	s3 =	sld [smem:$0x3FDB];
	s0 =	simm.s32 @p2 $0x1  }
0x17: {  	s4 =	simm.s32 $0x1BF5;
	[smem:$0x3FB2] =	sst s0  }
0x18: {  	s0 =	sld [smem:$0x3F95];
	_ =	swait.ge [sflag:s4], $0x0  }
0x19: {  	s7 =	sld [smem:$0x3F96]  }
0x1a: {  	s8 =	sadd.s32 $0xFFFFE003, lr  }
0x1b: {  	s9 =	sadd.s32 $0xFFFFFEF7, lr;
	s5 =	simm.s32 $0xFFFFFFFF;
	p2 =	slt.u32 s8, $0xFFFFF086  }
0x1c: {  	p1 =	slt.u32 s9, $0xF7A;
	s5 =	simm.s32 @!p2 $0x0  }
0x1d: {  	s5 =	simm.s32 @p1 $0x1;
	p0 =	seq.s32 s7, s2  }
0x1e: {  	s7 =	smul.u32 @!p0 $0xF7A, s2;
	p2 =	seq.s32 @!p0 s5, $0x0  }
0x1f: {  	s9 =	smul.u32 $0xF7A, s1;
	s8 =	simm.s32 @!p0 $0x1BF5;
	p2 =	por !p2, p0  }
0x20: {  	[sflag:s8] =	ssyncset.s32 @!p0 $0xFFFFF086;
	s6 =	sadd.s32 @!p0 s3, s7;
	s7 =	simm.s32 @!p0 $0x108  }
0x21: {  	s3 =	sadd.s32 s3, s9;
	s6 =	sadd.s32 @!p0 $0x88, s6;
	s7 =	simm.s32 @p2 $0x1082  }
0x22: {  	[simem:s7], [sflag:s8] =	dma.local @!p0 [hbm:s6], $0xF7A  }
0x23: {  	s9 =	sor.u32 $0xD0000000, s2;
	s6 =	simm.s32 $0x108;
	_ =	swait.ge @!p0 [sflag:s8], $0x0  }
0x24: {  	s3 =	sadd.s32 $0x88, s3;
	s6 =	simm.s32 @!p1 $0x1082;
	[sflag:s4] =	ssyncset.s32 $0xFFFFF086  }
0x25: {  	[simem:s6], [sflag:s4] =	dma.local [hbm:s3], $0xF7A  }
0x26: {  	[smem:$0x3F96] =	sst s1;
	(tag) =	ssettag s2;
	_ =	strace s9  }
0x27: {  	s1 =	sld [smem:$0x3FA6]  }
0x28: {  	s2 =	sld [smem:$0x3FA7]  }
0x29: {  	s4 =	sld [smem:$0x3FA9]  }
0x2a: {  	p0 =	seq.s32 s5, $0x0;
	s5 =	sld [smem:$0x3FAA]  }
0x2b: {  	s6 =	sld [smem:$0x3FAB]  }
0x2c: {  	s7 =	sld [smem:$0x3FAC]  }
0x2d: {  	s3 =	simm.s32 $0x108;
	s8 =	sld [smem:$0x3FAD]  }
0x2e: {  	s3 =	simm.s32 @!p0 $0x1082;
	s9 =	sld [smem:$0x3FAE]  }
0x2f: {  	lr =	sadd.s32 s0, s3;
	s0 =	sld [smem:$0x3FA5]  }
0x30: {  	s3 =	sld [smem:$0x3FA8]  }
0x31: {  	[smem:$0x3FB1] =	sst s10  }
0x32: {  	s10 =	sld [smem:$0x3FAF];
	_ =	sdelay $0x3  }
0x33: {  	p0 =	seq.s32 s10, $0x1;
	s10 =	sld [smem:$0x3FB1];
	_ =	sdelay $0x3  }
0x34: {  	[smem:$0x3FB1] =	sst s10  }
0x35: {  	s10 =	sld [smem:$0x3FB0];
	_ =	sdelay $0x3  }
0x36: {  	p1 =	seq.s32 s10, $0x1;
	s10 =	sld [smem:$0x3FB1];
	_ =	sdelay $0x3  }
0x37: {  	[smem:$0x3FB1] =	sst s10  }
0x38: {  	s10 =	sld [smem:$0x3FB2]  }
0x39: {  	_ = 	snop;
	(pc) =	sbr.ind lr, $3  }
0x3a: {  	_ = 	snop  }
0x3b: {  	_ = 	snop  }
0x3c: {  	p2 =	seq.s32 s10, $0x1;
	s10 =	sld [smem:$0x3FB1]  }
0x3d: {  	_ =	shalt  }
0x3e: {  	_ =	shalt  }
0x3f: {  	_ =	shalt  }
0x40: {  	_ =	shalt  }
0x41: {  	_ =	shalt  }
0x42: {  	_ =	shalt  }
0x43: {  	_ =	shalt  }
0x44: {  	_ =	shalt  }
0x45: {  	_ =	shalt  }
0x46: {  	_ =	shalt  }
0x47: {  	_ =	shalt  }
0x48: {  	_ =	shalt  }
0x49: {  	_ =	shalt  }
0x4a: {  	_ =	shalt  }
0x4b: {  	_ =	shalt  }
0x4c: {  	_ =	shalt  }
0x4d: {  	_ =	shalt  }
0x4e: {  	_ =	shalt  }
0x4f: {  	_ =	shalt  }
0x50: {  	_ =	shalt  }
0x51: {  	_ =	shalt  }
0x52: {  	_ =	shalt  }
0x53: {  	_ =	shalt  }
0x54: {  	_ =	shalt  }
0x55: {  	_ =	shalt  }
0x56: {  	_ =	shalt  }
0x57: {  	_ =	shalt  }
0x58: {  	_ =	shalt  }
0x59: {  	_ =	shalt  }
0x5a: {  	_ =	shalt  }
0x5b: {  	_ =	shalt  }
0x5c: {  	_ =	shalt  }
0x5d: {  	_ =	shalt  }
0x5e: {  	_ =	shalt  }
0x5f: {  	_ =	shalt  }
0x60: {  	_ =	shalt  }
0x61: {  	_ =	shalt  }
0x62: {  	_ =	shalt  }
0x63: {  	_ =	shalt  }
0x64: {  	_ =	shalt  }
0x65: {  	_ =	shalt  }
0x66: {  	_ =	shalt  }
0x67: {  	_ =	shalt  }
0x68: {  	_ =	shalt  }
0x69: {  	_ =	shalt  }
0x6a: {  	_ =	shalt  }
0x6b: {  	_ =	shalt  }
0x6c: {  	_ =	shalt  }
0x6d: {  	_ =	shalt  }
0x6e: {  	_ =	shalt  }
0x6f: {  	_ =	shalt  }
0x70: {  	_ =	shalt  }
0x71: {  	_ =	shalt  }
0x72: {  	_ =	shalt  }
0x73: {  	_ =	shalt  }
0x74: {  	_ =	shalt  }
0x75: {  	_ =	shalt  }
0x76: {  	_ =	shalt  }
0x77: {  	_ =	shalt  }
0x78: {  	_ =	shalt  }
0x79: {  	_ =	shalt  }
0x7a: {  	_ =	shalt  }
0x7b: {  	_ =	shalt  }
0x7c: {  	_ =	shalt  }
0x7d: {  	_ =	shalt  }
0x7e: {  	_ =	shalt  }
0x7f: {  	_ =	shalt  }
0x80: {  	_ =	shalt  }
0x81: {  	_ =	shalt  }
0x82: {  	_ =	shalt  }
0x83: {  	_ =	shalt  }
0x84: {  	_ =	shalt  }
0x85: {  	_ =	shalt  }
0x86: {  	_ =	shalt  }
0x87: {  	_ =	shalt  }
.Lfunc_end0:
.L_simem_size_0:
called_computation.3_lowered:
.L_overlay_start_0:
0x88: {  	s2 =	sld [smem:$0x3FD9]  }
0x89: {  	s3 =	sld [smem:$0x3FFE];
	_ =	sdelay $0x1  }
0x8a: {  	s1 =	srdreg.scid  }
0x8b: {  	s0 =	sand.u32 $0x1, s1  }
0x8c: {  	s16 =	sshll.u32 s0, $0xA;
	s2 =	sadd.s32 s3, s2  }
0x8d: {  	s2 =	sadd.s32 s2, s16  }
0x8e: {  	[smem:$0x3FBD] =	sst s2  }
0x8f: {  	_ = 	snop  }
0x90: {  	(tm) =	ssettm $0x1  }
0x91: {  	s17 =	sld [smem:$0x3FFB];
	_ =	sdelay $0x3  }
0x92: {  	_ =	strace s17  }
0x93: {  	s2 =	sld [smem:$0x3FFC];
	_ =	sdelay $0x3  }
0x94: {  	_ =	strace s2  }
0x95: {  	s2 =	sld [smem:$0x3FFD];
	_ =	sdelay $0x3  }
0x96: {  	_ =	strace s2  }
0x97: {  	_ =	strace $0x8FFFFFFF  }
0x98: {  	s18 =	sld [smem:$0x3FDB];
	_ =	sdelay $0x1  }
0x99: {  	s19 =	simm.s32 $_scs_section_size  }
0x9a: {  	s4 =	simm.s32 $_size__tile_overlayer_lowered;
	s5 =	simm.s32 $_tile_overlayer_lowered  }
0x9b: {  	s22 =	simm.s32 $0x1BFF;
	s21 =	sshll.u32 s5, $0x1;
	s2 =	sadd.s32 s19, s18  }
0x9c: {  	s6 =	simm.s32 $0x0;
	s20 =	sshll.u32 s4, $0x1;
	s4 =	sadd.s32 s21, s2  }
0x9d: {  	[timem:s6], [sflag:s22] =	dma.local [hbm:s4], s20  }
0x9e: {  	_ =	swait.ge [sflag:s22], s20  }
0x9f: {  	s3 =	ssub.s32 $0x0, s20;
	[sflag:s22] =	ssyncset.done $0x0  }
0xa0: {  	[sflag:s22] =	ssyncadd.s32 s3;
	_ =	sdelay $0x1  }
0xa1: {  	s23 =	simm.s32 $0x1B8B  }
0xa2: {  	_ =	swait.ge [sflag:s23], $0x1  }
0xa3: {  	[sflag:s23] =	ssyncset.done $0x0  }
0xa4: {  	s25 =	simm.s32 $0x1B8E;
	s24 =	sld [smem:$0x3FFE];
	[sflag:s23] =	ssyncadd.s32 $0xFFFFFFFF  }
0xa5: {  	s26 =	simm.s32 $execute0_lowered;
	[smem:$0x3FD2] =	sst s25  }
0xa6: {  	s4 =	sshll.u32 s26, $0x1;
	_ =	strace $0x8000004F;
	[dreg:$0x1] =	wrdreg $0xFFFFFFFF  }
0xa7: {  	s28 =	simm.s32 $_size_execute0_lowered;
	s2 =	sadd.s32 s2, s4;
	[dreg:$0x0] =	wrdreg $0x0  }
0xa8: {  	s4 =	sshll.u32 s28, $0x1;
	[dreg:$0x2] =	wrdreg s2  }
0xa9: {  	[dreg:$0x3] =	wrdreg s4  }
0xaa: {  	[dreg:$0x4] =	wrdreg $0xC0  }
0xab: {  	_ =	task [dreg:s6], $0x5FFFF  }
0xac: {  	[dreg:$0x1] =	wrdreg $0xFFFFFFFF  }
0xad: {  	[dreg:$0x0] =	wrdreg $0x60  }
0xae: {  	[dreg:$0x2] =	wrdreg s24  }
0xaf: {  	[dreg:$0x3] =	wrdreg $0xA0800  }
0xb0: {  	[dreg:$0x4] =	wrdreg $0x9  }
0xb1: {  	_ =	task.clear_ibuf [dreg:s6], $0x5FFFF;
	_ =	strace $0x9000004F  }
0xb2: {  	s29 =	simm.s32 $0x9;
	_ =	strace $0x80000051  }
0xb3: {  	_ =	swait.ge [sflag:s29], $0x1  }
0xb4: {  	[sflag:s29] =	ssyncadd.s32 $0xFFFFFFFF  }
0xb5: {  	_ =	strace $0x90000051  }
0xb6: {  	_ =	sfence  }
0xb7: {  	s30 =	sld [smem:$0x0];
	_ =	sdelay $0x2  }
0xb8: {  	s31 =	sshll.u32 s1, $0xD;
	s1 =	sshrl.u32 s1, $0x2  }
0xb9: {  	s3 =	sand.u32 $0x4000, s31;
	s1 =	sadd.s32 s1, s30  }
0xba: {  	s0 =	sor.u32 s3, s0;
	s1 =	sshll.u32 s1, $0x11  }
0xbb: {  	s0 =	sor.u32 s1, s0  }
0xbc: {  	s0 =	sadd.s32 $0x8F2B, s0  }
0xbd: {  	[sflag:s0] =	ssyncadd.remote.s32 $0x1  }
0xbe: {  	_ =	sfence.sel $0xFFFF  }
0xbf: {  	[dreg:$0x0] =	wrdreg $0xFFFFFFFF;
	(pc) =	sbr.abs _section_cstart, $3  }
0xc0: {  	[dreg:$0x1] =	wrdreg $0xFFFFFFFF  }
0xc1: {  	_ =	task.clear_ibuf [dreg:s6], $0x2FFFF;
	_ =	strace $0x9FFFFFFF  }
0xc2: {  	(tm) =	ssettm $0x7FFFFFFF  }
0xc3: {  	_ =	shalt  }
tec
execute0_lowered:
.L_overlay_start_1:
0x0: {  	(tag) =	ssettag $0x1  }
0x1: {  	s4 =	rddreg [dreg:$0x0]  }
0x2: {  	s1 =	rddreg [dreg:$0x1]  }
0x3: {  	s0 =	rddreg [dreg:$0x2]  }
0x4: {  	s3 =	srdreg.scid;
	s15 =	stileid.u32;
	s2 =	simm.s32 $0x0  }
0x5: {  	s10 =	simm.s32 $0x2800;
	s11 =	simm.s32 $0x5000;
	s12 =	simm.s32 $0x7800  }
0x6: {  	s17 =	simm.s32 $0x0;
	s6 =	sand.u32 $0x1, s3;
	s30 =	sshll.u32 s15, $0x1  }
0x7: {  	[smem:$0x7FF] =	sst s2;
	s7 =	sshll.u32 s15, $0x7;
	p1 =	slt.u32 s15, $0xA  }
0x8: {  	s9 =	sshll.u32 s15, $0xA;
	s3 =	sor.u32 s6, s30;
	_ =	strace $0x80000050  }
0x9: {  	s8 =	ssub.s32 $0x2, s6;
	s7 =	sadd.s32 s7, s4;
	p0 =	seq.s32 s6, $0x0  }
0xa: {  	p2 =	seq.s32 s6, $0x1;
	s16 =	sadd.s32 s9, s1;
	s9 =	simm.s32 $0x1  }
0xb: {  	s5 =	smul.u32 $0x500, s3;
	s3 =	sadd.s32 $0xD600, s4;
	s31 =	sshrl.u32 s8, $0x1  }
0xc: {  	p0 =	por !p0, !p1;
	s6 =	sadd.s32 $0xDC00, s7;
	p1 =	por !p1, !p2  }
0xd: {  	s7 =	sadd.s32 $0xE200, s7;
	p2 =	sne.s32 s15, $0x0;
	s8 =	ssub.s32 s8, s31  }
0xe: {  	p0 =	por !p0, !p0;
	p1 =	por !p1, !p1;
	s5 =	sadd.s32 s5, s4  }
0xf: {  	v0 =	vlaneseq.u32;
	s8 =	smax.u32 s8, $0x1;
	s13 =	sshll.u32 @p0 s15, $0x6;
	s14 =	sshrl.u32 @p0 s16, $0x3  }
0x10: {  	v1 =	vimm.f32 $0.0e+00;
	v2 =	vor.u32 $0x10, v0;
	s15 =	sshll.u32 @p1 s15, $0x6;
	s16 =	sshrl.u32 @p1 s16, $0x3;
	s4 =	sadd.s32 $0x36200, s5  }
0x11: {  	v3 =	vor.u32 $0x20, v0;
	v4 =	vor.u32 $0x30, v0;
	v5 =	vor.u32 $0x40, v0;
	s5 =	sadd.s32 $0x3600, s5;
	s13 =	sor.u32 @p0 $0x1C01, s13;
	s15 =	sor.u32 @p1 $0x1C01, s15  }
.LBB2_1:
0x12: {  	[tilespmem:s2], [sflag:$0x1] =	stream.linear.gather [hbm4b:s4+s2], $0x2800, $0x38;
	[tilespmem:$0xA300] =	vst v63  }
0x13: {  	_ =	swait.ge [sflag:s9], $0x2800  }
0x14: {  	[sflag:s9] =	ssyncset.done $0x0  }
0x15: {  	[sflag:s9] =	ssyncadd.s32 $0xFFFFD800  }
0x16: {  	[tilespmem:s10], [sflag:$0x1] =	stream.linear.gather [hbm4b:s5+s2], $0x2800, $0x38;
	[tilespmem:$0xA300] =	vst v63  }
0x17: {  	_ =	swait.ge [sflag:s9], $0x2800  }
0x18: {  	[sflag:s9] =	ssyncset.done $0x0  }
0x19: {  	[sflag:s9] =	ssyncadd.s32 $0xFFFFD800  }
0x1a: {  	[tilespmem:s11], [sflag:$0x1] =	stream.linear.gather [hbm4b:s3+s2], $0x2800, $0x38;
	[tilespmem:$0xA300] =	vst v63  }
0x1b: {  	_ =	swait.ge [sflag:s9], $0x2800  }
0x1c: {  	[sflag:s9] =	ssyncset.done $0x0  }
0x1d: {  	s18 =	simm.s32 $0x0;
	s19 =	simm.s32 $0x200;
	[sflag:s9] =	ssyncadd.s32 $0xFFFFD800  }
.LBB2_2:
0x1e: {  	p3 =	sne.s32 s19, $0x9E00;
	[tilespmem:s18+$0x7870] =	vst v1  }
0x1f: {  	[tilespmem:s18+$0x7800] =	vst v1  }
0x20: {  	[tilespmem:s18+$0x7810] =	vst v1  }
.Ltmp0:
0x21: {  	[tilespmem:s18+$0x7820] =	vst v1;
	(pc) =	sbr.rel @p3 .LBB2_2-.Ltmp0, $4  }
0x22: {  	[tilespmem:s18+$0x7830] =	vst v1  }
0x23: {  	[tilespmem:s18+$0x7840] =	vst v1  }
0x24: {  	[tilespmem:s18+$0x7850] =	vst v1  }
0x25: {  	[tilespmem:s18+$0x7860] =	vst v1;
	s18 =	sshra.s32 s19, $0x2;
	s19 =	sadd.s32 $0x200, s19  }
0x26: {  	[tilespmem:s18+$0x7870] =	vst v1  }
0x27: {  	[tilespmem:s18+$0x7800] =	vst v1  }
0x28: {  	[tilespmem:s18+$0x7810] =	vst v1  }
0x29: {  	[tilespmem:s18+$0x7820] =	vst v1  }
0x2a: {  	[tilespmem:s18+$0x7830] =	vst v1  }
0x2b: {  	[tilespmem:s18+$0x7840] =	vst v1  }
0x2c: {  	[tilespmem:s18+$0x7850] =	vst v1  }
0x2d: {  	[tilespmem:s18+$0x7860] =	vst v1;
	s18 =	simm.s32 $0x0  }
.LBB2_4:
0x2e: {  	s19 =	sshra.s32 s18, $0x2  }
0x2f: {  	v6 =	vld [tilespmem:s19+$0x0];
	_ =	sdelay $0x4  }
0x30: {  	v7 =	vld [tilespmem:s19+$0x2800];
	_ =	sdelay $0x2  }
0x31: {  	v6 =	vld.idx.msk [tilespmem:v6+s11+$0x0], $0xffff;
	_ =	sdelay $0x4  }
0x32: {  	[tilespmem:v7+s12+$0x0] =	vst.idx.add.f32.msk $0xffff, v6  }
0x33: {  	v6 =	vld [tilespmem:s19+$0x10];
	_ =	sdelay $0x4  }
0x34: {  	v7 =	vld [tilespmem:s19+$0x2810];
	_ =	sdelay $0x2  }
0x35: {  	v6 =	vld.idx.msk [tilespmem:v6+s11+$0x0], $0xffff;
	_ =	sdelay $0x4  }
0x36: {  	[tilespmem:v7+s12+$0x0] =	vst.idx.add.f32.msk $0xffff, v6  }
0x37: {  	v6 =	vld [tilespmem:s19+$0x20];
	_ =	sdelay $0x4  }
0x38: {  	v7 =	vld [tilespmem:s19+$0x2820];
	_ =	sdelay $0x2  }
0x39: {  	v6 =	vld.idx.msk [tilespmem:v6+s11+$0x0], $0xffff;
	_ =	sdelay $0x4  }
0x3a: {  	[tilespmem:v7+s12+$0x0] =	vst.idx.add.f32.msk $0xffff, v6  }
0x3b: {  	v6 =	vld [tilespmem:s19+$0x30];
	_ =	sdelay $0x4  }
0x3c: {  	v7 =	vld [tilespmem:s19+$0x2830];
	_ =	sdelay $0x2  }
0x3d: {  	v6 =	vld.idx.msk [tilespmem:v6+s11+$0x0], $0xffff;
	_ =	sdelay $0x4  }
0x3e: {  	[tilespmem:v7+s12+$0x0] =	vst.idx.add.f32.msk $0xffff, v6  }
0x3f: {  	v6 =	vld [tilespmem:s19+$0x40];
	_ =	sdelay $0x4  }
0x40: {  	v7 =	vld [tilespmem:s19+$0x2840];
	_ =	sdelay $0x2  }
0x41: {  	v6 =	vld.idx.msk [tilespmem:v6+s11+$0x0], $0xffff;
	_ =	sdelay $0x4  }
0x42: {  	[tilespmem:v7+s12+$0x0] =	vst.idx.add.f32.msk $0xffff, v6  }
0x43: {  	v6 =	vld [tilespmem:s19+$0x50];
	_ =	sdelay $0x4  }
0x44: {  	v7 =	vld [tilespmem:s19+$0x2850];
	_ =	sdelay $0x2  }
0x45: {  	v6 =	vld.idx.msk [tilespmem:v6+s11+$0x0], $0xffff;
	_ =	sdelay $0x4  }
0x46: {  	[tilespmem:v7+s12+$0x0] =	vst.idx.add.f32.msk $0xffff, v6  }
0x47: {  	v6 =	vld [tilespmem:s19+$0x60];
	_ =	sdelay $0x4  }
0x48: {  	v7 =	vld [tilespmem:s19+$0x2860];
	_ =	sdelay $0x2  }
0x49: {  	v6 =	vld.idx.msk [tilespmem:v6+s11+$0x0], $0xffff;
	_ =	sdelay $0x4  }
0x4a: {  	[tilespmem:v7+s12+$0x0] =	vst.idx.add.f32.msk $0xffff, v6  }
0x4b: {  	v6 =	vld [tilespmem:s19+$0x70];
	_ =	sdelay $0x4  }
0x4c: {  	v7 =	vld [tilespmem:s19+$0x2870];
	_ =	sdelay $0x2  }
0x4d: {  	p3 =	sne.s32 s18, $0x9E00;
	v6 =	vld.idx.msk [tilespmem:v6+s11+$0x0], $0xffff  }
.Ltmp1:
0x4e: {  	_ = 	snop;
	(pc) =	sbr.rel @p3 .LBB2_4-.Ltmp1, $2  }
0x4f: {  	_ =	sdelay $0x2  }
0x50: {  	s18 =	sadd.s32 $0x200, s18;
	[tilespmem:v7+s12+$0x0] =	vst.idx.add.f32.msk $0xffff, v6  }
0x51: {  	[tilespmem:$0xA000] =	vst v0  }
0x52: {  	[tilespmem:$0xA010] =	vst v2  }
0x53: {  	[tilespmem:$0xA020] =	vst v3  }
0x54: {  	[tilespmem:$0xA030] =	vst v4  }
0x55: {  	[tilespmem:$0xA040] =	vst v5;
	s18 =	simm.s32 @p2 $0x50  }
0x56: {  	s19 =	simm.s32 @p2 $0xA000;
	s20 =	simm.s32 @p2 $0x7800;
	[bflag:$0x0] =	sbarrier.arrive @p2 $0xFFFF  }
0x57: {  	[spmem:s1] =	stream.indirect.scatter.add.f32 @p2 [tilespmem:s20], [sflag:$0x1], $0x80, s19, s18, $0xb8;
	[tilespmem:$0xA300] =	vst v63  }
0x58: {  	s18 =	simm.s32 @p2 $0x1  }
0x59: {  	_ =	swait.ge @p2 [sflag:s18], $0x2800  }
0x5a: {  	[sflag:s18] =	ssyncset.done @p2 $0x0  }
0x5b: {  	[sflag:s18] =	ssyncadd.s32 @p2 $0xFFFFD800;
	s18 =	simm.s32 @!p2 $0x7800  }
0x5c: {  	[spmem:s1] =	stream.linear.scatter @!p2 [tilespmem:s18], [sflag:$0x1], $0x2800, $0x38;
	[tilespmem:$0xA300] =	vst v63  }
0x5d: {  	s18 =	simm.s32 @!p2 $0x1  }
0x5e: {  	_ =	swait.ge @!p2 [sflag:s18], $0x2800  }
0x5f: {  	[sflag:s18] =	ssyncset.done @!p2 $0x0  }
0x60: {  	[sflag:s18] =	ssyncadd.s32 @!p2 $0xFFFFD800  }
0x61: {  	[bflag:$0x0] =	sbarrier.arrive @!p2 $0xFFFF  }
0x62: {  	s18 =	simm.s32 @p0 $0x1;
	[bflag:$0x0] =	sbarrier.arrive $0xFFFF  }
0x63: {  	[hbm:s6], [sflag:s13] =	dma.local @p0 [spmem:s14], $0x80  }
0x64: {  	s17 =	sadd.s32 $0x1, s17;
	_ =	swait.ge @p0 [sflag:s18], $0x80  }
0x65: {  	p3 =	sne.s32 s17, s8;
	[sflag:s18] =	ssyncset.done @p0 $0x0  }
.Ltmp2:
0x66: {  	[sflag:s18] =	ssyncadd.s32 @p0 $0xFFFFFF80;
	s18 =	simm.s32 @p1 $0x1;
	(pc) =	sbr.rel @p3 .LBB2_1-.Ltmp2, $4  }
0x67: {  	[hbm:s7], [sflag:s15] =	dma.local @p1 [spmem:s16], $0x80  }
0x68: {  	_ =	swait.ge @p1 [sflag:s18], $0x80  }
0x69: {  	[sflag:s18] =	ssyncset.done @p1 $0x0  }
0x6a: {  	[sflag:s18] =	ssyncadd.s32 @p1 $0xFFFFFF80  }
0x6b: {  	_ =	sfence.sel $0x180000  }
0x6c: {  	[bflag:$0x0] =	sbarrier.arrive $0xFFFF  }
0x6d: {  	_ =	strace $0x90000050  }
0x6e: {  	s0 =	sadd.s32 @!p2 $0x100000, s0;
	[bflag:$0x2] =	sbarrier.arrive $0xFFFF  }
0x6f: {  	[sflag:s0] =	ssyncadd.tile.s32 @!p2 $0x1;
	_ =	shalt  }
.Lfunc_end2:
_tile_overlayer_lowered:
.L_overlay_start_2:
0x70: {  	(tag) =	ssettag $0x2  }
0x71: {  	s0 =	rddreg [dreg:$0x0];
	s2 =	stileid.u32  }
0x72: {  	s1 =	rddreg [dreg:$0x1];
	p0 =	sne.s32 s2, $0x0  }
0x73: {  	s3 =	rddreg [dreg:$0x2];
	[bflag:$0x3] =	sbarrier.arrive $0xFFFF;
	s2 =	simm.s32 @!p0 $0x1C01  }
0x74: {  	[timem:s3], [sflag:s2] =	dma.local @!p0 [hbm:s0], s1  }
0x75: {  	s0 =	simm.s32 @!p0 $0x1  }
0x76: {  	_ =	swait.ge @!p0 [sflag:s0], s1  }
0x77: {  	s1 =	ssub.s32 @!p0 $0x0, s1;
	[sflag:s0] =	ssyncset.done @!p0 $0x0  }
0x78: {  	[sflag:s0] =	ssyncadd.s32 @!p0 s1  }
0x79: {  	[bflag:$0x3] =	sbarrier.arrive $0xFFFF  }
0x7a: {  	_ =	shalt  }

</sc_bundles>
